<compile_context>
chip_gen: v7x
topology: tpu7x:2x2x1
jax: 0.10.2.dev20260603
libtpu: 0.0.44.dev20260713+nightly
codegen_flags: <defaults>
</compile_context>

<pallas_src>
import functools

import jax
import jax.numpy as jnp
from jax import lax
from jax.experimental import pallas as pl
from jax.experimental.pallas import tpu as pltpu
from jax.experimental.pallas import tpu_sc as plsc

N_NODES = 10000
D_FEAT = 128
N_EDGES = 320000

NUM_CORES = 2
NUM_SUBCORES = 16
NUM_WORKERS = NUM_CORES * NUM_SUBCORES
EDGES_PER_WORKER = N_EDGES // NUM_WORKERS
CHUNK = 80
NUM_CHUNKS = EDGES_PER_WORKER // CHUNK
LANES = 16
GROUPS = CHUNK // LANES
STRIDE = LANES + 1
SETS = 5

_mesh = plsc.VectorSubcoreMesh(core_axis_name="c", subcore_axis_name="s")


@functools.partial(
    pl.kernel,
    out_type=jax.ShapeDtypeStruct((N_EDGES,), jnp.float32),
    mesh=_mesh,
    compiler_params=pltpu.CompilerParams(needs_layout_passes=False),
    scratch_types=[
        pltpu.VMEM((EDGES_PER_WORKER,), jnp.int32),
        pltpu.VMEM((EDGES_PER_WORKER,), jnp.int32),
        pltpu.VMEM((SETS, CHUNK, D_FEAT), jnp.float32),
        pltpu.VMEM((SETS, CHUNK, D_FEAT), jnp.float32),
        pltpu.VMEM((SETS, CHUNK), jnp.float32),
        pltpu.VMEM((GROUPS * LANES * STRIDE,), jnp.float32),
        pltpu.SemaphoreType.DMA((SETS,)),
        pltpu.SemaphoreType.DMA((SETS,)),
        pltpu.SemaphoreType.DMA((SETS,)),
    ],
)
def _decode(z_hbm, ei_hbm, out_hbm, idx_s, idx_d, src_v, dst_v, out_v,
            acc_v, sem_s, sem_d, sem_o):
    w = lax.axis_index("s") * NUM_CORES + lax.axis_index("c")
    w_base = pl.multiple_of(w * EDGES_PER_WORKER, 8)

    pltpu.sync_copy(ei_hbm.at[pl.ds(w_base, EDGES_PER_WORKER)], idx_s)
    pltpu.sync_copy(ei_hbm.at[pl.ds(N_EDGES + w_base, EDGES_PER_WORKER)],
                    idx_d)

    def start_gather(i, b):
        off = pl.multiple_of(i * CHUNK, 8)
        pltpu.async_copy(z_hbm.at[idx_s.at[pl.ds(off, CHUNK)]],
                         src_v.at[b], sem_s.at[b])
        pltpu.async_copy(z_hbm.at[idx_d.at[pl.ds(off, CHUNK)]],
                         dst_v.at[b], sem_d.at[b])

    def wait_gather(b):
        pltpu.make_async_copy(z_hbm.at[pl.ds(0, CHUNK)], src_v.at[b],
                              sem_s.at[b]).wait()
        pltpu.make_async_copy(z_hbm.at[pl.ds(0, CHUNK)], dst_v.at[b],
                              sem_d.at[b]).wait()

    def wait_out(b):
        pltpu.make_async_copy(out_v.at[b], out_hbm.at[pl.ds(0, CHUNK)],
                              sem_o.at[b]).wait()

    def start_out(i, b):
        base = pl.multiple_of(w_base + i * CHUNK, 8)
        pltpu.async_copy(out_v.at[b], out_hbm.at[pl.ds(base, CHUNK)],
                         sem_o.at[b])

    def compute(b):
        colbase = lax.iota(jnp.int32, LANES) * STRIDE

        @plsc.parallel_loop(0, LANES, unroll=LANES)
        def lane_body(j):
            for g in range(GROUPS):
                e = g * LANES + j
                pa = (src_v[b, e, pl.ds(0, LANES)]
                      * dst_v[b, e, pl.ds(0, LANES)])
                pb = (src_v[b, e, pl.ds(4 * LANES, LANES)]
                      * dst_v[b, e, pl.ds(4 * LANES, LANES)])
                for k in range(1, 4):
                    pa += (src_v[b, e, pl.ds(k * LANES, LANES)]
                           * dst_v[b, e, pl.ds(k * LANES, LANES)])
                    pb += (src_v[b, e, pl.ds((k + 4) * LANES, LANES)]
                           * dst_v[b, e, pl.ds((k + 4) * LANES, LANES)])
                acc_v[pl.ds(g * (LANES * STRIDE) + j * STRIDE, LANES)] = pa + pb

        @plsc.parallel_loop(0, GROUPS, unroll=GROUPS)
        def group_body(g):
            colidx = colbase + g * (LANES * STRIDE)
            tot = plsc.load_gather(acc_v, [colidx])
            for k in range(1, LANES):
                tot += plsc.load_gather(acc_v, [colidx + k])
            out_v[b, pl.ds(g * LANES, LANES)] = 1.0 / (1.0 + jnp.exp(-tot))

    for b in range(SETS):
        start_gather(b, b)

    def loop_body(i, carry):
        b = lax.rem(i, SETS)
        wait_gather(b)

        @pl.when(i >= SETS)
        def _():
            wait_out(b)

        compute(b)
        start_out(i, b)

        @pl.when(i + SETS < NUM_CHUNKS)
        def _():
            start_gather(i + SETS, b)

        return carry

    lax.fori_loop(0, NUM_CHUNKS, loop_body, 0)

    for b in range(SETS):
        wait_out(b)


def kernel(z, edge_index):
    return _decode(z, edge_index.astype(jnp.int32).reshape(-1))

# --- scband reference (transcript-rebuilt; emitter-appended) ---
"""Pipeline reference for scband-inner-product-decoder-86689619902667 (READ-ONLY COPY).

The authoritative reference and input builder live on the scoring server;
editing this copy changes nothing except your own understanding.
"""

import jax, jax.numpy as jnp
import numpy as np

N_NODES = 10000
D_FEAT = 128
N_EDGES = 320000

def setup_inputs(seed: int = 0) -> dict:
    key = jax.random.key(seed)
    k1, k2 = jax.random.split(key)
    z = jax.random.normal(k1, (N_NODES, D_FEAT), dtype=jnp.float32)
    edge_index = jax.random.randint(k2, (2, N_EDGES), 0, N_NODES, dtype=jnp.int64 if jax.config.read('jax_enable_x64') else jnp.int32)
    return {"z": z, "edge_index": edge_index}

def reference(z, edge_index):
    # InnerProductDecoder.forward with sigmoid=True (default)
    src = jnp.take(z, edge_index[0], axis=0)
    dst = jnp.take(z, edge_index[1], axis=0)
    value = jnp.sum(src * dst, axis=1)
    return jax.nn.sigmoid(value)

if __name__ == "__main__":
    import jax
    _d = setup_inputs()
    print(jax.jit(kernel)(*tuple(_d.values())))

</pallas_src>

<mosaic_0001>
#map = affine_map<(d0, d1) -> (0, 0)>
#map1 = affine_map<(d0, d1) -> (0)>
module attributes {stable_mosaic.version = 14 : i64} {
  func.func @_decode(%arg0: i32, %arg1: i32, %arg2: memref<10000x128xf32, #tpu.memory_space<hbm>>, %arg3: memref<640000xi32, #tpu.memory_space<hbm>>, %arg4: memref<320000xf32, #tpu.memory_space<hbm>>, %arg5: memref<10000xi32, #tpu.memory_space<vmem>>, %arg6: memref<10000xi32, #tpu.memory_space<vmem>>, %arg7: memref<5x80x128xf32, #tpu.memory_space<vmem>>, %arg8: memref<5x80x128xf32, #tpu.memory_space<vmem>>, %arg9: memref<5x80xf32, #tpu.memory_space<vmem>>, %arg10: memref<1360xf32, #tpu.memory_space<vmem>>, %arg11: memref<5x!tpu.dma_semaphore, #tpu.memory_space<semaphore_mem>>, %arg12: memref<5x!tpu.dma_semaphore, #tpu.memory_space<semaphore_mem>>, %arg13: memref<5x!tpu.dma_semaphore, #tpu.memory_space<semaphore_mem>>) attributes {dimension_semantics = [#tpu.dimension_semantics<core_parallel>, #tpu.dimension_semantics<subcore_parallel>], iteration_bounds = array<i64: 2, 16>, scalar_prefetch = 0 : i64, scratch_operands = 9 : i64, tpu.core_type = #tpu.core_type<sc_vector_subcore>, window_params = [{transform_indices = #map}, {transform_indices = #map1}, {transform_indices = #map1}]} {
    %mul3A = arith.constant 2 : i32
    %mul3A_0 = arith.muli %arg1, %mul3A : i32
    %add3A = arith.addi %mul3A_0, %arg0 : i32
    %mul3A_1 = arith.constant 10000 : i32
    %mul3A_2 = arith.muli %add3A, %mul3A_1 : i32
    %multiple_of3A = tpu.assume_multiple %mul3A_2, 8 : i32
    "tpu.region"() ({
      %run_scoped3A = tpu.sem_alloc : memref<!tpu.dma_semaphore, #tpu.memory_space<semaphore_mem>>
      %dma_start3A_208 = tpu.memref_slice %arg3[%multiple_of3A] : memref<640000xi32, #tpu.memory_space<hbm>> -> memref<10000xi32, #tpu.memory_space<hbm>>
      %dma_start3A_209 = tpu.memref_slice %arg3[%multiple_of3A] : memref<640000xi32, #tpu.memory_space<hbm>> -> memref<10000xi32, #tpu.memory_space<hbm>>
      tpu.enqueue_dma source(%dma_start3A_209 : memref<10000xi32, #tpu.memory_space<hbm>>) target(%arg5 : memref<10000xi32, #tpu.memory_space<vmem>>) target_semaphore(%run_scoped3A : memref<!tpu.dma_semaphore, #tpu.memory_space<semaphore_mem>>)
      %dma_wait3A_210 = tpu.memref_slice %arg3[%multiple_of3A] : memref<640000xi32, #tpu.memory_space<hbm>> -> memref<10000xi32, #tpu.memory_space<hbm>>
      %dma_wait3A_211 = tpu.memref_slice %arg3[%multiple_of3A] : memref<640000xi32, #tpu.memory_space<hbm>> -> memref<10000xi32, #tpu.memory_space<hbm>>
      tpu.wait_dma2 semaphore(%run_scoped3A : memref<!tpu.dma_semaphore, #tpu.memory_space<semaphore_mem>>) src(%dma_wait3A_211 : memref<10000xi32, #tpu.memory_space<hbm>>) dst(%arg5 : memref<10000xi32, #tpu.memory_space<vmem>>)
      tpu.yield
    }) : () -> ()
    %add3A_3 = arith.constant 320000 : i32
    %add3A_4 = arith.addi %add3A_3, %multiple_of3A : i32
    "tpu.region"() ({
      %run_scoped3A = tpu.sem_alloc : memref<!tpu.dma_semaphore, #tpu.memory_space<semaphore_mem>>
      %dma_start3A_208 = tpu.memref_slice %arg3[%add3A_4] : memref<640000xi32, #tpu.memory_space<hbm>> -> memref<10000xi32, #tpu.memory_space<hbm>>
      %dma_start3A_209 = tpu.memref_slice %arg3[%add3A_4] : memref<640000xi32, #tpu.memory_space<hbm>> -> memref<10000xi32, #tpu.memory_space<hbm>>
      tpu.enqueue_dma source(%dma_start3A_209 : memref<10000xi32, #tpu.memory_space<hbm>>) target(%arg6 : memref<10000xi32, #tpu.memory_space<vmem>>) target_semaphore(%run_scoped3A : memref<!tpu.dma_semaphore, #tpu.memory_space<semaphore_mem>>)
      %dma_wait3A_210 = tpu.memref_slice %arg3[%add3A_4] : memref<640000xi32, #tpu.memory_space<hbm>> -> memref<10000xi32, #tpu.memory_space<hbm>>
      %dma_wait3A_211 = tpu.memref_slice %arg3[%add3A_4] : memref<640000xi32, #tpu.memory_space<hbm>> -> memref<10000xi32, #tpu.memory_space<hbm>>
      tpu.wait_dma2 semaphore(%run_scoped3A : memref<!tpu.dma_semaphore, #tpu.memory_space<semaphore_mem>>) src(%dma_wait3A_211 : memref<10000xi32, #tpu.memory_space<hbm>>) dst(%arg6 : memref<10000xi32, #tpu.memory_space<vmem>>)
      tpu.yield
    }) : () -> ()
    %multiple_of3A_5 = arith.constant 0 : i32
    %multiple_of3A_6 = tpu.assume_multiple %multiple_of3A_5, 8 : i32
    %dma_start3A = arith.constant 0 : i32
    %dma_start3A_7 = arith.constant 0 : i32
    %dma_start3A_8 = arith.constant 0 : i32
    %dma_start3A_9 = arith.constant 0 : i32
    %dma_start3A_10 = tpu.memref_slice %arg7[%dma_start3A, %dma_start3A_8, %dma_start3A_9] : memref<5x80x128xf32, #tpu.memory_space<vmem>> -> memref<1x80x128xf32, #tpu.memory_space<vmem>>
    %dma_start3A_11 = tpu.memref_squeeze %dma_start3A_10 : memref<1x80x128xf32, #tpu.memory_space<vmem>> -> memref<80x128xf32, #tpu.memory_space<vmem>>
    %dma_start3A_12 = tpu.memref_slice %arg5[%multiple_of3A_6] : memref<10000xi32, #tpu.memory_space<vmem>> -> memref<80xi32, #tpu.memory_space<vmem>>
    %dma_start3A_13 = arith.constant 0 : i32
    %dma_start3A_14 = arith.constant 0 : i32
    %dma_start3A_15 = tpu.memref_slice %arg2[%dma_start3A_13, %dma_start3A_14] : memref<10000x128xf32, #tpu.memory_space<hbm>> -> memref<10000x128xf32, #tpu.memory_space<hbm>>
    %dma_start3A_16 = tpu.memref_slice %arg11[%dma_start3A_7] : memref<5x!tpu.dma_semaphore, #tpu.memory_space<semaphore_mem>> -> memref<1x!tpu.dma_semaphore, #tpu.memory_space<semaphore_mem>>
    %dma_start3A_17 = tpu.memref_squeeze %dma_start3A_16 : memref<1x!tpu.dma_semaphore, #tpu.memory_space<semaphore_mem>> -> memref<!tpu.dma_semaphore, #tpu.memory_space<semaphore_mem>>
    tpu.enqueue_indirect_dma source(%dma_start3A_15 : memref<10000x128xf32, #tpu.memory_space<hbm>>) target(%dma_start3A_11 : memref<80x128xf32, #tpu.memory_space<vmem>>) offsets(%dma_start3A_12 : memref<80xi32, #tpu.memory_space<vmem>>) semaphore(%dma_start3A_17 : memref<!tpu.dma_semaphore, #tpu.memory_space<semaphore_mem>>)
    %dma_start3A_18 = arith.constant 0 : i32
    %dma_start3A_19 = arith.constant 0 : i32
    %dma_start3A_20 = arith.constant 0 : i32
    %dma_start3A_21 = arith.constant 0 : i32
    %dma_start3A_22 = tpu.memref_slice %arg8[%dma_start3A_18, %dma_start3A_20, %dma_start3A_21] : memref<5x80x128xf32, #tpu.memory_space<vmem>> -> memref<1x80x128xf32, #tpu.memory_space<vmem>>
    %dma_start3A_23 = tpu.memref_squeeze %dma_start3A_22 : memref<1x80x128xf32, #tpu.memory_space<vmem>> -> memref<80x128xf32, #tpu.memory_space<vmem>>
    %dma_start3A_24 = tpu.memref_slice %arg6[%multiple_of3A_6] : memref<10000xi32, #tpu.memory_space<vmem>> -> memref<80xi32, #tpu.memory_space<vmem>>
    %dma_start3A_25 = arith.constant 0 : i32
    %dma_start3A_26 = arith.constant 0 : i32
    %dma_start3A_27 = tpu.memref_slice %arg2[%dma_start3A_25, %dma_start3A_26] : memref<10000x128xf32, #tpu.memory_space<hbm>> -> memref<10000x128xf32, #tpu.memory_space<hbm>>
    %dma_start3A_28 = tpu.memref_slice %arg12[%dma_start3A_19] : memref<5x!tpu.dma_semaphore, #tpu.memory_space<semaphore_mem>> -> memref<1x!tpu.dma_semaphore, #tpu.memory_space<semaphore_mem>>
    %dma_start3A_29 = tpu.memref_squeeze %dma_start3A_28 : memref<1x!tpu.dma_semaphore, #tpu.memory_space<semaphore_mem>> -> memref<!tpu.dma_semaphore, #tpu.memory_space<semaphore_mem>>
    tpu.enqueue_indirect_dma source(%dma_start3A_27 : memref<10000x128xf32, #tpu.memory_space<hbm>>) target(%dma_start3A_23 : memref<80x128xf32, #tpu.memory_space<vmem>>) offsets(%dma_start3A_24 : memref<80xi32, #tpu.memory_space<vmem>>) semaphore(%dma_start3A_29 : memref<!tpu.dma_semaphore, #tpu.memory_space<semaphore_mem>>)
    %multiple_of3A_30 = arith.constant 80 : i32
    %multiple_of3A_31 = tpu.assume_multiple %multiple_of3A_30, 8 : i32
    %dma_start3A_32 = arith.constant 1 : i32
    %dma_start3A_33 = arith.constant 1 : i32
    %dma_start3A_34 = arith.constant 0 : i32
    %dma_start3A_35 = arith.constant 0 : i32
    %dma_start3A_36 = tpu.memref_slice %arg7[%dma_start3A_32, %dma_start3A_34, %dma_start3A_35] : memref<5x80x128xf32, #tpu.memory_space<vmem>> -> memref<1x80x128xf32, #tpu.memory_space<vmem>>
    %dma_start3A_37 = tpu.memref_squeeze %dma_start3A_36 : memref<1x80x128xf32, #tpu.memory_space<vmem>> -> memref<80x128xf32, #tpu.memory_space<vmem>>
    %dma_start3A_38 = tpu.memref_slice %arg5[%multiple_of3A_31] : memref<10000xi32, #tpu.memory_space<vmem>> -> memref<80xi32, #tpu.memory_space<vmem>>
    %dma_start3A_39 = arith.constant 0 : i32
    %dma_start3A_40 = arith.constant 0 : i32
    %dma_start3A_41 = tpu.memref_slice %arg2[%dma_start3A_39, %dma_start3A_40] : memref<10000x128xf32, #tpu.memory_space<hbm>> -> memref<10000x128xf32, #tpu.memory_space<hbm>>
    %dma_start3A_42 = tpu.memref_slice %arg11[%dma_start3A_33] : memref<5x!tpu.dma_semaphore, #tpu.memory_space<semaphore_mem>> -> memref<1x!tpu.dma_semaphore, #tpu.memory_space<semaphore_mem>>
    %dma_start3A_43 = tpu.memref_squeeze %dma_start3A_42 : memref<1x!tpu.dma_semaphore, #tpu.memory_space<semaphore_mem>> -> memref<!tpu.dma_semaphore, #tpu.memory_space<semaphore_mem>>
    tpu.enqueue_indirect_dma source(%dma_start3A_41 : memref<10000x128xf32, #tpu.memory_space<hbm>>) target(%dma_start3A_37 : memref<80x128xf32, #tpu.memory_space<vmem>>) offsets(%dma_start3A_38 : memref<80xi32, #tpu.memory_space<vmem>>) semaphore(%dma_start3A_43 : memref<!tpu.dma_semaphore, #tpu.memory_space<semaphore_mem>>)
    %dma_start3A_44 = arith.constant 1 : i32
    %dma_start3A_45 = arith.constant 1 : i32
    %dma_start3A_46 = arith.constant 0 : i32
    %dma_start3A_47 = arith.constant 0 : i32
    %dma_start3A_48 = tpu.memref_slice %arg8[%dma_start3A_44, %dma_start3A_46, %dma_start3A_47] : memref<5x80x128xf32, #tpu.memory_space<vmem>> -> memref<1x80x128xf32, #tpu.memory_space<vmem>>
    %dma_start3A_49 = tpu.memref_squeeze %dma_start3A_48 : memref<1x80x128xf32, #tpu.memory_space<vmem>> -> memref<80x128xf32, #tpu.memory_space<vmem>>
    %dma_start3A_50 = tpu.memref_slice %arg6[%multiple_of3A_31] : memref<10000xi32, #tpu.memory_space<vmem>> -> memref<80xi32, #tpu.memory_space<vmem>>
    %dma_start3A_51 = arith.constant 0 : i32
    %dma_start3A_52 = arith.constant 0 : i32
    %dma_start3A_53 = tpu.memref_slice %arg2[%dma_start3A_51, %dma_start3A_52] : memref<10000x128xf32, #tpu.memory_space<hbm>> -> memref<10000x128xf32, #tpu.memory_space<hbm>>
    %dma_start3A_54 = tpu.memref_slice %arg12[%dma_start3A_45] : memref<5x!tpu.dma_semaphore, #tpu.memory_space<semaphore_mem>> -> memref<1x!tpu.dma_semaphore, #tpu.memory_space<semaphore_mem>>
    %dma_start3A_55 = tpu.memref_squeeze %dma_start3A_54 : memref<1x!tpu.dma_semaphore, #tpu.memory_space<semaphore_mem>> -> memref<!tpu.dma_semaphore, #tpu.memory_space<semaphore_mem>>
    tpu.enqueue_indirect_dma source(%dma_start3A_53 : memref<10000x128xf32, #tpu.memory_space<hbm>>) target(%dma_start3A_49 : memref<80x128xf32, #tpu.memory_space<vmem>>) offsets(%dma_start3A_50 : memref<80xi32, #tpu.memory_space<vmem>>) semaphore(%dma_start3A_55 : memref<!tpu.dma_semaphore, #tpu.memory_space<semaphore_mem>>)
    %multiple_of3A_56 = arith.constant 160 : i32
    %multiple_of3A_57 = tpu.assume_multiple %multiple_of3A_56, 8 : i32
    %dma_start3A_58 = arith.constant 2 : i32
    %dma_start3A_59 = arith.constant 2 : i32
    %dma_start3A_60 = arith.constant 0 : i32
    %dma_start3A_61 = arith.constant 0 : i32
    %dma_start3A_62 = tpu.memref_slice %arg7[%dma_start3A_58, %dma_start3A_60, %dma_start3A_61] : memref<5x80x128xf32, #tpu.memory_space<vmem>> -> memref<1x80x128xf32, #tpu.memory_space<vmem>>
    %dma_start3A_63 = tpu.memref_squeeze %dma_start3A_62 : memref<1x80x128xf32, #tpu.memory_space<vmem>> -> memref<80x128xf32, #tpu.memory_space<vmem>>
    %dma_start3A_64 = tpu.memref_slice %arg5[%multiple_of3A_57] : memref<10000xi32, #tpu.memory_space<vmem>> -> memref<80xi32, #tpu.memory_space<vmem>>
    %dma_start3A_65 = arith.constant 0 : i32
    %dma_start3A_66 = arith.constant 0 : i32
    %dma_start3A_67 = tpu.memref_slice %arg2[%dma_start3A_65, %dma_start3A_66] : memref<10000x128xf32, #tpu.memory_space<hbm>> -> memref<10000x128xf32, #tpu.memory_space<hbm>>
    %dma_start3A_68 = tpu.memref_slice %arg11[%dma_start3A_59] : memref<5x!tpu.dma_semaphore, #tpu.memory_space<semaphore_mem>> -> memref<1x!tpu.dma_semaphore, #tpu.memory_space<semaphore_mem>>
    %dma_start3A_69 = tpu.memref_squeeze %dma_start3A_68 : memref<1x!tpu.dma_semaphore, #tpu.memory_space<semaphore_mem>> -> memref<!tpu.dma_semaphore, #tpu.memory_space<semaphore_mem>>
    tpu.enqueue_indirect_dma source(%dma_start3A_67 : memref<10000x128xf32, #tpu.memory_space<hbm>>) target(%dma_start3A_63 : memref<80x128xf32, #tpu.memory_space<vmem>>) offsets(%dma_start3A_64 : memref<80xi32, #tpu.memory_space<vmem>>) semaphore(%dma_start3A_69 : memref<!tpu.dma_semaphore, #tpu.memory_space<semaphore_mem>>)
    %dma_start3A_70 = arith.constant 2 : i32
    %dma_start3A_71 = arith.constant 2 : i32
    %dma_start3A_72 = arith.constant 0 : i32
    %dma_start3A_73 = arith.constant 0 : i32
    %dma_start3A_74 = tpu.memref_slice %arg8[%dma_start3A_70, %dma_start3A_72, %dma_start3A_73] : memref<5x80x128xf32, #tpu.memory_space<vmem>> -> memref<1x80x128xf32, #tpu.memory_space<vmem>>
    %dma_start3A_75 = tpu.memref_squeeze %dma_start3A_74 : memref<1x80x128xf32, #tpu.memory_space<vmem>> -> memref<80x128xf32, #tpu.memory_space<vmem>>
    %dma_start3A_76 = tpu.memref_slice %arg6[%multiple_of3A_57] : memref<10000xi32, #tpu.memory_space<vmem>> -> memref<80xi32, #tpu.memory_space<vmem>>
    %dma_start3A_77 = arith.constant 0 : i32
    %dma_start3A_78 = arith.constant 0 : i32
    %dma_start3A_79 = tpu.memref_slice %arg2[%dma_start3A_77, %dma_start3A_78] : memref<10000x128xf32, #tpu.memory_space<hbm>> -> memref<10000x128xf32, #tpu.memory_space<hbm>>
    %dma_start3A_80 = tpu.memref_slice %arg12[%dma_start3A_71] : memref<5x!tpu.dma_semaphore, #tpu.memory_space<semaphore_mem>> -> memref<1x!tpu.dma_semaphore, #tpu.memory_space<semaphore_mem>>
    %dma_start3A_81 = tpu.memref_squeeze %dma_start3A_80 : memref<1x!tpu.dma_semaphore, #tpu.memory_space<semaphore_mem>> -> memref<!tpu.dma_semaphore, #tpu.memory_space<semaphore_mem>>
    tpu.enqueue_indirect_dma source(%dma_start3A_79 : memref<10000x128xf32, #tpu.memory_space<hbm>>) target(%dma_start3A_75 : memref<80x128xf32, #tpu.memory_space<vmem>>) offsets(%dma_start3A_76 : memref<80xi32, #tpu.memory_space<vmem>>) semaphore(%dma_start3A_81 : memref<!tpu.dma_semaphore, #tpu.memory_space<semaphore_mem>>)
    %multiple_of3A_82 = arith.constant 240 : i32
    %multiple_of3A_83 = tpu.assume_multiple %multiple_of3A_82, 8 : i32
    %dma_start3A_84 = arith.constant 3 : i32
    %dma_start3A_85 = arith.constant 3 : i32
    %dma_start3A_86 = arith.constant 0 : i32
    %dma_start3A_87 = arith.constant 0 : i32
    %dma_start3A_88 = tpu.memref_slice %arg7[%dma_start3A_84, %dma_start3A_86, %dma_start3A_87] : memref<5x80x128xf32, #tpu.memory_space<vmem>> -> memref<1x80x128xf32, #tpu.memory_space<vmem>>
    %dma_start3A_89 = tpu.memref_squeeze %dma_start3A_88 : memref<1x80x128xf32, #tpu.memory_space<vmem>> -> memref<80x128xf32, #tpu.memory_space<vmem>>
    %dma_start3A_90 = tpu.memref_slice %arg5[%multiple_of3A_83] : memref<10000xi32, #tpu.memory_space<vmem>> -> memref<80xi32, #tpu.memory_space<vmem>>
    %dma_start3A_91 = arith.constant 0 : i32
    %dma_start3A_92 = arith.constant 0 : i32
    %dma_start3A_93 = tpu.memref_slice %arg2[%dma_start3A_91, %dma_start3A_92] : memref<10000x128xf32, #tpu.memory_space<hbm>> -> memref<10000x128xf32, #tpu.memory_space<hbm>>
    %dma_start3A_94 = tpu.memref_slice %arg11[%dma_start3A_85] : memref<5x!tpu.dma_semaphore, #tpu.memory_space<semaphore_mem>> -> memref<1x!tpu.dma_semaphore, #tpu.memory_space<semaphore_mem>>
    %dma_start3A_95 = tpu.memref_squeeze %dma_start3A_94 : memref<1x!tpu.dma_semaphore, #tpu.memory_space<semaphore_mem>> -> memref<!tpu.dma_semaphore, #tpu.memory_space<semaphore_mem>>
    tpu.enqueue_indirect_dma source(%dma_start3A_93 : memref<10000x128xf32, #tpu.memory_space<hbm>>) target(%dma_start3A_89 : memref<80x128xf32, #tpu.memory_space<vmem>>) offsets(%dma_start3A_90 : memref<80xi32, #tpu.memory_space<vmem>>) semaphore(%dma_start3A_95 : memref<!tpu.dma_semaphore, #tpu.memory_space<semaphore_mem>>)
    %dma_start3A_96 = arith.constant 3 : i32
    %dma_start3A_97 = arith.constant 3 : i32
    %dma_start3A_98 = arith.constant 0 : i32
    %dma_start3A_99 = arith.constant 0 : i32
    %dma_start3A_100 = tpu.memref_slice %arg8[%dma_start3A_96, %dma_start3A_98, %dma_start3A_99] : memref<5x80x128xf32, #tpu.memory_space<vmem>> -> memref<1x80x128xf32, #tpu.memory_space<vmem>>
    %dma_start3A_101 = tpu.memref_squeeze %dma_start3A_100 : memref<1x80x128xf32, #tpu.memory_space<vmem>> -> memref<80x128xf32, #tpu.memory_space<vmem>>
    %dma_start3A_102 = tpu.memref_slice %arg6[%multiple_of3A_83] : memref<10000xi32, #tpu.memory_space<vmem>> -> memref<80xi32, #tpu.memory_space<vmem>>
    %dma_start3A_103 = arith.constant 0 : i32
    %dma_start3A_104 = arith.constant 0 : i32
    %dma_start3A_105 = tpu.memref_slice %arg2[%dma_start3A_103, %dma_start3A_104] : memref<10000x128xf32, #tpu.memory_space<hbm>> -> memref<10000x128xf32, #tpu.memory_space<hbm>>
    %dma_start3A_106 = tpu.memref_slice %arg12[%dma_start3A_97] : memref<5x!tpu.dma_semaphore, #tpu.memory_space<semaphore_mem>> -> memref<1x!tpu.dma_semaphore, #tpu.memory_space<semaphore_mem>>
    %dma_start3A_107 = tpu.memref_squeeze %dma_start3A_106 : memref<1x!tpu.dma_semaphore, #tpu.memory_space<semaphore_mem>> -> memref<!tpu.dma_semaphore, #tpu.memory_space<semaphore_mem>>
    tpu.enqueue_indirect_dma source(%dma_start3A_105 : memref<10000x128xf32, #tpu.memory_space<hbm>>) target(%dma_start3A_101 : memref<80x128xf32, #tpu.memory_space<vmem>>) offsets(%dma_start3A_102 : memref<80xi32, #tpu.memory_space<vmem>>) semaphore(%dma_start3A_107 : memref<!tpu.dma_semaphore, #tpu.memory_space<semaphore_mem>>)
    %multiple_of3A_108 = arith.constant 320 : i32
    %multiple_of3A_109 = tpu.assume_multiple %multiple_of3A_108, 8 : i32
    %dma_start3A_110 = arith.constant 4 : i32
    %dma_start3A_111 = arith.constant 4 : i32
    %dma_start3A_112 = arith.constant 0 : i32
    %dma_start3A_113 = arith.constant 0 : i32
    %dma_start3A_114 = tpu.memref_slice %arg7[%dma_start3A_110, %dma_start3A_112, %dma_start3A_113] : memref<5x80x128xf32, #tpu.memory_space<vmem>> -> memref<1x80x128xf32, #tpu.memory_space<vmem>>
    %dma_start3A_115 = tpu.memref_squeeze %dma_start3A_114 : memref<1x80x128xf32, #tpu.memory_space<vmem>> -> memref<80x128xf32, #tpu.memory_space<vmem>>
    %dma_start3A_116 = tpu.memref_slice %arg5[%multiple_of3A_109] : memref<10000xi32, #tpu.memory_space<vmem>> -> memref<80xi32, #tpu.memory_space<vmem>>
    %dma_start3A_117 = arith.constant 0 : i32
    %dma_start3A_118 = arith.constant 0 : i32
    %dma_start3A_119 = tpu.memref_slice %arg2[%dma_start3A_117, %dma_start3A_118] : memref<10000x128xf32, #tpu.memory_space<hbm>> -> memref<10000x128xf32, #tpu.memory_space<hbm>>
    %dma_start3A_120 = tpu.memref_slice %arg11[%dma_start3A_111] : memref<5x!tpu.dma_semaphore, #tpu.memory_space<semaphore_mem>> -> memref<1x!tpu.dma_semaphore, #tpu.memory_space<semaphore_mem>>
    %dma_start3A_121 = tpu.memref_squeeze %dma_start3A_120 : memref<1x!tpu.dma_semaphore, #tpu.memory_space<semaphore_mem>> -> memref<!tpu.dma_semaphore, #tpu.memory_space<semaphore_mem>>
    tpu.enqueue_indirect_dma source(%dma_start3A_119 : memref<10000x128xf32, #tpu.memory_space<hbm>>) target(%dma_start3A_115 : memref<80x128xf32, #tpu.memory_space<vmem>>) offsets(%dma_start3A_116 : memref<80xi32, #tpu.memory_space<vmem>>) semaphore(%dma_start3A_121 : memref<!tpu.dma_semaphore, #tpu.memory_space<semaphore_mem>>)
    %dma_start3A_122 = arith.constant 4 : i32
    %dma_start3A_123 = arith.constant 4 : i32
    %dma_start3A_124 = arith.constant 0 : i32
    %dma_start3A_125 = arith.constant 0 : i32
    %dma_start3A_126 = tpu.memref_slice %arg8[%dma_start3A_122, %dma_start3A_124, %dma_start3A_125] : memref<5x80x128xf32, #tpu.memory_space<vmem>> -> memref<1x80x128xf32, #tpu.memory_space<vmem>>
    %dma_start3A_127 = tpu.memref_squeeze %dma_start3A_126 : memref<1x80x128xf32, #tpu.memory_space<vmem>> -> memref<80x128xf32, #tpu.memory_space<vmem>>
    %dma_start3A_128 = tpu.memref_slice %arg6[%multiple_of3A_109] : memref<10000xi32, #tpu.memory_space<vmem>> -> memref<80xi32, #tpu.memory_space<vmem>>
    %dma_start3A_129 = arith.constant 0 : i32
    %dma_start3A_130 = arith.constant 0 : i32
    %dma_start3A_131 = tpu.memref_slice %arg2[%dma_start3A_129, %dma_start3A_130] : memref<10000x128xf32, #tpu.memory_space<hbm>> -> memref<10000x128xf32, #tpu.memory_space<hbm>>
    %dma_start3A_132 = tpu.memref_slice %arg12[%dma_start3A_123] : memref<5x!tpu.dma_semaphore, #tpu.memory_space<semaphore_mem>> -> memref<1x!tpu.dma_semaphore, #tpu.memory_space<semaphore_mem>>
    %dma_start3A_133 = tpu.memref_squeeze %dma_start3A_132 : memref<1x!tpu.dma_semaphore, #tpu.memory_space<semaphore_mem>> -> memref<!tpu.dma_semaphore, #tpu.memory_space<semaphore_mem>>
    tpu.enqueue_indirect_dma source(%dma_start3A_131 : memref<10000x128xf32, #tpu.memory_space<hbm>>) target(%dma_start3A_127 : memref<80x128xf32, #tpu.memory_space<vmem>>) offsets(%dma_start3A_128 : memref<80xi32, #tpu.memory_space<vmem>>) semaphore(%dma_start3A_133 : memref<!tpu.dma_semaphore, #tpu.memory_space<semaphore_mem>>)
    %scan3A = arith.constant 0 : i32
    %scan3A_134 = arith.constant 0 : i32
    %scan3A_135 = arith.constant 125 : i32
    %scan3A_136 = arith.addi %scan3A_134, %scan3A_135 : i32
    %scan3A_137 = arith.constant 1 : i32
    scf.for %scan3A_208 = %scan3A_134 to %scan3A_136 step %scan3A_137  : i32 {
      %rem3A = arith.constant 5 : i32
      %rem3A_209 = arith.remsi %scan3A_208, %rem3A : i32
      %dma_wait3A_210 = arith.constant 0 : i32
      %dma_wait3A_211 = arith.constant 0 : i32
      %dma_wait3A_212 = tpu.memref_slice %arg7[%rem3A_209, %dma_wait3A_210, %dma_wait3A_211] : memref<5x80x128xf32, #tpu.memory_space<vmem>> -> memref<1x80x128xf32, #tpu.memory_space<vmem>>
      %dma_wait3A_213 = tpu.memref_squeeze %dma_wait3A_212 : memref<1x80x128xf32, #tpu.memory_space<vmem>> -> memref<80x128xf32, #tpu.memory_space<vmem>>
      %dma_wait3A_214 = arith.constant 0 : i32
      %dma_wait3A_215 = arith.constant 0 : i32
      %dma_wait3A_216 = tpu.memref_slice %arg2[%dma_wait3A_214, %dma_wait3A_215] : memref<10000x128xf32, #tpu.memory_space<hbm>> -> memref<80x128xf32, #tpu.memory_space<hbm>>
      %dma_wait3A_217 = tpu.memref_slice %arg11[%rem3A_209] : memref<5x!tpu.dma_semaphore, #tpu.memory_space<semaphore_mem>> -> memref<1x!tpu.dma_semaphore, #tpu.memory_space<semaphore_mem>>
      %dma_wait3A_218 = tpu.memref_squeeze %dma_wait3A_217 : memref<1x!tpu.dma_semaphore, #tpu.memory_space<semaphore_mem>> -> memref<!tpu.dma_semaphore, #tpu.memory_space<semaphore_mem>>
      %dma_wait3A_219 = arith.constant 0 : i32
      %dma_wait3A_220 = arith.constant 0 : i32
      %dma_wait3A_221 = tpu.memref_slice %arg7[%rem3A_209, %dma_wait3A_219, %dma_wait3A_220] : memref<5x80x128xf32, #tpu.memory_space<vmem>> -> memref<1x80x128xf32, #tpu.memory_space<vmem>>
      %dma_wait3A_222 = tpu.memref_squeeze %dma_wait3A_221 : memref<1x80x128xf32, #tpu.memory_space<vmem>> -> memref<80x128xf32, #tpu.memory_space<vmem>>
      %dma_wait3A_223 = arith.constant 0 : i32
      %dma_wait3A_224 = arith.constant 0 : i32
      %dma_wait3A_225 = tpu.memref_slice %arg2[%dma_wait3A_223, %dma_wait3A_224] : memref<10000x128xf32, #tpu.memory_space<hbm>> -> memref<80x128xf32, #tpu.memory_space<hbm>>
      tpu.wait_dma2 semaphore(%dma_wait3A_218 : memref<!tpu.dma_semaphore, #tpu.memory_space<semaphore_mem>>) src(%dma_wait3A_225 : memref<80x128xf32, #tpu.memory_space<hbm>>) dst(%dma_wait3A_222 : memref<80x128xf32, #tpu.memory_space<vmem>>)
      %dma_wait3A_226 = arith.constant 0 : i32
      %dma_wait3A_227 = arith.constant 0 : i32
      %dma_wait3A_228 = tpu.memref_slice %arg8[%rem3A_209, %dma_wait3A_226, %dma_wait3A_227] : memref<5x80x128xf32, #tpu.memory_space<vmem>> -> memref<1x80x128xf32, #tpu.memory_space<vmem>>
      %dma_wait3A_229 = tpu.memref_squeeze %dma_wait3A_228 : memref<1x80x128xf32, #tpu.memory_space<vmem>> -> memref<80x128xf32, #tpu.memory_space<vmem>>
      %dma_wait3A_230 = arith.constant 0 : i32
      %dma_wait3A_231 = arith.constant 0 : i32
      %dma_wait3A_232 = tpu.memref_slice %arg2[%dma_wait3A_230, %dma_wait3A_231] : memref<10000x128xf32, #tpu.memory_space<hbm>> -> memref<80x128xf32, #tpu.memory_space<hbm>>
      %dma_wait3A_233 = tpu.memref_slice %arg12[%rem3A_209] : memref<5x!tpu.dma_semaphore, #tpu.memory_space<semaphore_mem>> -> memref<1x!tpu.dma_semaphore, #tpu.memory_space<semaphore_mem>>
      %dma_wait3A_234 = tpu.memref_squeeze %dma_wait3A_233 : memref<1x!tpu.dma_semaphore, #tpu.memory_space<semaphore_mem>> -> memref<!tpu.dma_semaphore, #tpu.memory_space<semaphore_mem>>
      %dma_wait3A_235 = arith.constant 0 : i32
      %dma_wait3A_236 = arith.constant 0 : i32
      %dma_wait3A_237 = tpu.memref_slice %arg8[%rem3A_209, %dma_wait3A_235, %dma_wait3A_236] : memref<5x80x128xf32, #tpu.memory_space<vmem>> -> memref<1x80x128xf32, #tpu.memory_space<vmem>>
      %dma_wait3A_238 = tpu.memref_squeeze %dma_wait3A_237 : memref<1x80x128xf32, #tpu.memory_space<vmem>> -> memref<80x128xf32, #tpu.memory_space<vmem>>
      %dma_wait3A_239 = arith.constant 0 : i32
      %dma_wait3A_240 = arith.constant 0 : i32
      %dma_wait3A_241 = tpu.memref_slice %arg2[%dma_wait3A_239, %dma_wait3A_240] : memref<10000x128xf32, #tpu.memory_space<hbm>> -> memref<80x128xf32, #tpu.memory_space<hbm>>
      tpu.wait_dma2 semaphore(%dma_wait3A_234 : memref<!tpu.dma_semaphore, #tpu.memory_space<semaphore_mem>>) src(%dma_wait3A_241 : memref<80x128xf32, #tpu.memory_space<hbm>>) dst(%dma_wait3A_238 : memref<80x128xf32, #tpu.memory_space<vmem>>)
      %ge3A = arith.constant 5 : i32
      %ge3A_242 = arith.cmpi sge, %scan3A_208, %ge3A : i32
      %convert_element_type3A = arith.extui %ge3A_242 : i1 to i32
      %cond3A = arith.constant 0 : i32
      %cond3A_243 = arith.cmpi ne, %convert_element_type3A, %cond3A : i32
      scf.if %cond3A_243 {
        %dma_wait3A_272 = arith.constant 0 : i32
        %dma_wait3A_273 = tpu.memref_slice %arg9[%rem3A_209, %dma_wait3A_272] : memref<5x80xf32, #tpu.memory_space<vmem>> -> memref<1x80xf32, #tpu.memory_space<vmem>>
        %dma_wait3A_274 = tpu.memref_squeeze %dma_wait3A_273 : memref<1x80xf32, #tpu.memory_space<vmem>> -> memref<80xf32, #tpu.memory_space<vmem>>
        %dma_wait3A_275 = arith.constant 0 : i32
        %dma_wait3A_276 = tpu.memref_slice %arg4[%dma_wait3A_275] : memref<320000xf32, #tpu.memory_space<hbm>> -> memref<80xf32, #tpu.memory_space<hbm>>
        %dma_wait3A_277 = tpu.memref_slice %arg13[%rem3A_209] : memref<5x!tpu.dma_semaphore, #tpu.memory_space<semaphore_mem>> -> memref<1x!tpu.dma_semaphore, #tpu.memory_space<semaphore_mem>>
        %dma_wait3A_278 = tpu.memref_squeeze %dma_wait3A_277 : memref<1x!tpu.dma_semaphore, #tpu.memory_space<semaphore_mem>> -> memref<!tpu.dma_semaphore, #tpu.memory_space<semaphore_mem>>
        %dma_wait3A_279 = arith.constant 0 : i32
        %dma_wait3A_280 = tpu.memref_slice %arg4[%dma_wait3A_279] : memref<320000xf32, #tpu.memory_space<hbm>> -> memref<80xf32, #tpu.memory_space<hbm>>
        %dma_wait3A_281 = arith.constant 0 : i32
        %dma_wait3A_282 = tpu.memref_slice %arg9[%rem3A_209, %dma_wait3A_281] : memref<5x80xf32, #tpu.memory_space<vmem>> -> memref<1x80xf32, #tpu.memory_space<vmem>>
        %dma_wait3A_283 = tpu.memref_squeeze %dma_wait3A_282 : memref<1x80xf32, #tpu.memory_space<vmem>> -> memref<80xf32, #tpu.memory_space<vmem>>
        tpu.wait_dma2 semaphore(%dma_wait3A_278 : memref<!tpu.dma_semaphore, #tpu.memory_space<semaphore_mem>>) src(%dma_wait3A_283 : memref<80xf32, #tpu.memory_space<vmem>>) dst(%dma_wait3A_280 : memref<80xf32, #tpu.memory_space<hbm>>)
      } else {
      }
      %iota3A = tpu.iota {dimensions = array<i32: 0>} : vector<16xi32>
      %mul3A_244 = arith.constant 17 : i32
      %mul3A_245 = vector.broadcast %mul3A_244 : i32 to vector<16xi32>
      %mul3A_246 = arith.muli %iota3A, %mul3A_245 : vector<16xi32>
      %parallel_loop3A = arith.constant 0 : i32
      %parallel_loop3A_247 = arith.constant 16 : i32
      %parallel_loop3A_248 = arith.constant 1 : i32
      scf.for %parallel_loop3A_272 = %parallel_loop3A to %parallel_loop3A_247 step %parallel_loop3A_248  : i32 {
        %parallel_loop3A_273 = arith.constant 0 : i32
        %parallel_loop3A_274 = arith.addi %parallel_loop3A_273, %parallel_loop3A_272 : i32
        %parallel_loop3A_275 = arith.index_cast %rem3A_209 : i32 to index
        %parallel_loop3A_276 = arith.index_cast %parallel_loop3A_274 : i32 to index
        %parallel_loop3A_277 = arith.constant 0 : index
        %parallel_loop3A_278 = tpu.vector_load %arg7[%parallel_loop3A_275, %parallel_loop3A_276, %parallel_loop3A_277] {strides = array<i32>} : memref<5x80x128xf32, #tpu.memory_space<vmem>>, vector<16xf32>,
        %parallel_loop3A_279 = arith.index_cast %rem3A_209 : i32 to index
        %parallel_loop3A_280 = arith.index_cast %parallel_loop3A_274 : i32 to index
        %parallel_loop3A_281 = arith.constant 0 : index
        %parallel_loop3A_282 = tpu.vector_load %arg8[%parallel_loop3A_279, %parallel_loop3A_280, %parallel_loop3A_281] {strides = array<i32>} : memref<5x80x128xf32, #tpu.memory_space<vmem>>, vector<16xf32>,
        %parallel_loop3A_283 = arith.mulf %parallel_loop3A_278, %parallel_loop3A_282 : vector<16xf32>
        %parallel_loop3A_284 = arith.index_cast %rem3A_209 : i32 to index
        %parallel_loop3A_285 = arith.index_cast %parallel_loop3A_274 : i32 to index
        %parallel_loop3A_286 = arith.constant 64 : index
        %parallel_loop3A_287 = tpu.vector_load %arg7[%parallel_loop3A_284, %parallel_loop3A_285, %parallel_loop3A_286] {strides = array<i32>} : memref<5x80x128xf32, #tpu.memory_space<vmem>>, vector<16xf32>,
        %parallel_loop3A_288 = arith.index_cast %rem3A_209 : i32 to index
        %parallel_loop3A_289 = arith.index_cast %parallel_loop3A_274 : i32 to index
        %parallel_loop3A_290 = arith.constant 64 : index
        %parallel_loop3A_291 = tpu.vector_load %arg8[%parallel_loop3A_288, %parallel_loop3A_289, %parallel_loop3A_290] {strides = array<i32>} : memref<5x80x128xf32, #tpu.memory_space<vmem>>, vector<16xf32>,
        %parallel_loop3A_292 = arith.mulf %parallel_loop3A_287, %parallel_loop3A_291 : vector<16xf32>
        %parallel_loop3A_293 = arith.index_cast %rem3A_209 : i32 to index
        %parallel_loop3A_294 = arith.index_cast %parallel_loop3A_274 : i32 to index
        %parallel_loop3A_295 = arith.constant 16 : index
        %parallel_loop3A_296 = tpu.vector_load %arg7[%parallel_loop3A_293, %parallel_loop3A_294, %parallel_loop3A_295] {strides = array<i32>} : memref<5x80x128xf32, #tpu.memory_space<vmem>>, vector<16xf32>,
        %parallel_loop3A_297 = arith.index_cast %rem3A_209 : i32 to index
        %parallel_loop3A_298 = arith.index_cast %parallel_loop3A_274 : i32 to index
        %parallel_loop3A_299 = arith.constant 16 : index
        %parallel_loop3A_300 = tpu.vector_load %arg8[%parallel_loop3A_297, %parallel_loop3A_298, %parallel_loop3A_299] {strides = array<i32>} : memref<5x80x128xf32, #tpu.memory_space<vmem>>, vector<16xf32>,
        %parallel_loop3A_301 = arith.mulf %parallel_loop3A_296, %parallel_loop3A_300 : vector<16xf32>
        %parallel_loop3A_302 = arith.addf %parallel_loop3A_283, %parallel_loop3A_301 : vector<16xf32>
        %parallel_loop3A_303 = arith.index_cast %rem3A_209 : i32 to index
        %parallel_loop3A_304 = arith.index_cast %parallel_loop3A_274 : i32 to index
        %parallel_loop3A_305 = arith.constant 80 : index
        %parallel_loop3A_306 = tpu.vector_load %arg7[%parallel_loop3A_303, %parallel_loop3A_304, %parallel_loop3A_305] {strides = array<i32>} : memref<5x80x128xf32, #tpu.memory_space<vmem>>, vector<16xf32>,
        %parallel_loop3A_307 = arith.index_cast %rem3A_209 : i32 to index
        %parallel_loop3A_308 = arith.index_cast %parallel_loop3A_274 : i32 to index
        %parallel_loop3A_309 = arith.constant 80 : index
        %parallel_loop3A_310 = tpu.vector_load %arg8[%parallel_loop3A_307, %parallel_loop3A_308, %parallel_loop3A_309] {strides = array<i32>} : memref<5x80x128xf32, #tpu.memory_space<vmem>>, vector<16xf32>,
        %parallel_loop3A_311 = arith.mulf %parallel_loop3A_306, %parallel_loop3A_310 : vector<16xf32>
        %parallel_loop3A_312 = arith.addf %parallel_loop3A_292, %parallel_loop3A_311 : vector<16xf32>
        %parallel_loop3A_313 = arith.index_cast %rem3A_209 : i32 to index
        %parallel_loop3A_314 = arith.index_cast %parallel_loop3A_274 : i32 to index
        %parallel_loop3A_315 = arith.constant 32 : index
        %parallel_loop3A_316 = tpu.vector_load %arg7[%parallel_loop3A_313, %parallel_loop3A_314, %parallel_loop3A_315] {strides = array<i32>} : memref<5x80x128xf32, #tpu.memory_space<vmem>>, vector<16xf32>,
        %parallel_loop3A_317 = arith.index_cast %rem3A_209 : i32 to index
        %parallel_loop3A_318 = arith.index_cast %parallel_loop3A_274 : i32 to index
        %parallel_loop3A_319 = arith.constant 32 : index
        %parallel_loop3A_320 = tpu.vector_load %arg8[%parallel_loop3A_317, %parallel_loop3A_318, %parallel_loop3A_319] {strides = array<i32>} : memref<5x80x128xf32, #tpu.memory_space<vmem>>, vector<16xf32>,
        %parallel_loop3A_321 = arith.mulf %parallel_loop3A_316, %parallel_loop3A_320 : vector<16xf32>
        %parallel_loop3A_322 = arith.addf %parallel_loop3A_302, %parallel_loop3A_321 : vector<16xf32>
        %parallel_loop3A_323 = arith.index_cast %rem3A_209 : i32 to index
        %parallel_loop3A_324 = arith.index_cast %parallel_loop3A_274 : i32 to index
        %parallel_loop3A_325 = arith.constant 96 : index
        %parallel_loop3A_326 = tpu.vector_load %arg7[%parallel_loop3A_323, %parallel_loop3A_324, %parallel_loop3A_325] {strides = array<i32>} : memref<5x80x128xf32, #tpu.memory_space<vmem>>, vector<16xf32>,
        %parallel_loop3A_327 = arith.index_cast %rem3A_209 : i32 to index
        %parallel_loop3A_328 = arith.index_cast %parallel_loop3A_274 : i32 to index
        %parallel_loop3A_329 = arith.constant 96 : index
        %parallel_loop3A_330 = tpu.vector_load %arg8[%parallel_loop3A_327, %parallel_loop3A_328, %parallel_loop3A_329] {strides = array<i32>} : memref<5x80x128xf32, #tpu.memory_space<vmem>>, vector<16xf32>,
        %parallel_loop3A_331 = arith.mulf %parallel_loop3A_326, %parallel_loop3A_330 : vector<16xf32>
        %parallel_loop3A_332 = arith.addf %parallel_loop3A_312, %parallel_loop3A_331 : vector<16xf32>
        %parallel_loop3A_333 = arith.index_cast %rem3A_209 : i32 to index
        %parallel_loop3A_334 = arith.index_cast %parallel_loop3A_274 : i32 to index
        %parallel_loop3A_335 = arith.constant 48 : index
        %parallel_loop3A_336 = tpu.vector_load %arg7[%parallel_loop3A_333, %parallel_loop3A_334, %parallel_loop3A_335] {strides = array<i32>} : memref<5x80x128xf32, #tpu.memory_space<vmem>>, vector<16xf32>,
        %parallel_loop3A_337 = arith.index_cast %rem3A_209 : i32 to index
        %parallel_loop3A_338 = arith.index_cast %parallel_loop3A_274 : i32 to index
        %parallel_loop3A_339 = arith.constant 48 : index
        %parallel_loop3A_340 = tpu.vector_load %arg8[%parallel_loop3A_337, %parallel_loop3A_338, %parallel_loop3A_339] {strides = array<i32>} : memref<5x80x128xf32, #tpu.memory_space<vmem>>, vector<16xf32>,
        %parallel_loop3A_341 = arith.mulf %parallel_loop3A_336, %parallel_loop3A_340 : vector<16xf32>
        %parallel_loop3A_342 = arith.addf %parallel_loop3A_322, %parallel_loop3A_341 : vector<16xf32>
        %parallel_loop3A_343 = arith.index_cast %rem3A_209 : i32 to index
        %parallel_loop3A_344 = arith.index_cast %parallel_loop3A_274 : i32 to index
        %parallel_loop3A_345 = arith.constant 112 : index
        %parallel_loop3A_346 = tpu.vector_load %arg7[%parallel_loop3A_343, %parallel_loop3A_344, %parallel_loop3A_345] {strides = array<i32>} : memref<5x80x128xf32, #tpu.memory_space<vmem>>, vector<16xf32>,
        %parallel_loop3A_347 = arith.index_cast %rem3A_209 : i32 to index
        %parallel_loop3A_348 = arith.index_cast %parallel_loop3A_274 : i32 to index
        %parallel_loop3A_349 = arith.constant 112 : index
        %parallel_loop3A_350 = tpu.vector_load %arg8[%parallel_loop3A_347, %parallel_loop3A_348, %parallel_loop3A_349] {strides = array<i32>} : memref<5x80x128xf32, #tpu.memory_space<vmem>>, vector<16xf32>,
        %parallel_loop3A_351 = arith.mulf %parallel_loop3A_346, %parallel_loop3A_350 : vector<16xf32>
        %parallel_loop3A_352 = arith.addf %parallel_loop3A_332, %parallel_loop3A_351 : vector<16xf32>
        %parallel_loop3A_353 = arith.addf %parallel_loop3A_342, %parallel_loop3A_352 : vector<16xf32>
        %parallel_loop3A_354 = arith.constant 17 : i32
        %parallel_loop3A_355 = arith.muli %parallel_loop3A_272, %parallel_loop3A_354 : i32
        %parallel_loop3A_356 = arith.constant 0 : i32
        %parallel_loop3A_357 = arith.addi %parallel_loop3A_356, %parallel_loop3A_355 : i32
        %parallel_loop3A_358 = arith.index_cast %parallel_loop3A_357 : i32 to index
        %parallel_loop3A_359 = tpu.vector_load %arg10[%parallel_loop3A_358] {strides = array<i32>} : memref<1360xf32, #tpu.memory_space<vmem>>, vector<16xf32>,
        tpu.vector_store %arg10[%parallel_loop3A_358], %parallel_loop3A_353 {strides = array<i32>} : memref<1360xf32, #tpu.memory_space<vmem>>, vector<16xf32>,
        %parallel_loop3A_360 = arith.constant 16 : i32
        %parallel_loop3A_361 = arith.addi %parallel_loop3A_360, %parallel_loop3A_272 : i32
        %parallel_loop3A_362 = arith.index_cast %rem3A_209 : i32 to index
        %parallel_loop3A_363 = arith.index_cast %parallel_loop3A_361 : i32 to index
        %parallel_loop3A_364 = arith.constant 0 : index
        %parallel_loop3A_365 = tpu.vector_load %arg7[%parallel_loop3A_362, %parallel_loop3A_363, %parallel_loop3A_364] {strides = array<i32>} : memref<5x80x128xf32, #tpu.memory_space<vmem>>, vector<16xf32>,
        %parallel_loop3A_366 = arith.index_cast %rem3A_209 : i32 to index
        %parallel_loop3A_367 = arith.index_cast %parallel_loop3A_361 : i32 to index
        %parallel_loop3A_368 = arith.constant 0 : index
        %parallel_loop3A_369 = tpu.vector_load %arg8[%parallel_loop3A_366, %parallel_loop3A_367, %parallel_loop3A_368] {strides = array<i32>} : memref<5x80x128xf32, #tpu.memory_space<vmem>>, vector<16xf32>,
        %parallel_loop3A_370 = arith.mulf %parallel_loop3A_365, %parallel_loop3A_369 : vector<16xf32>
        %parallel_loop3A_371 = arith.index_cast %rem3A_209 : i32 to index
        %parallel_loop3A_372 = arith.index_cast %parallel_loop3A_361 : i32 to index
        %parallel_loop3A_373 = arith.constant 64 : index
        %parallel_loop3A_374 = tpu.vector_load %arg7[%parallel_loop3A_371, %parallel_loop3A_372, %parallel_loop3A_373] {strides = array<i32>} : memref<5x80x128xf32, #tpu.memory_space<vmem>>, vector<16xf32>,
        %parallel_loop3A_375 = arith.index_cast %rem3A_209 : i32 to index
        %parallel_loop3A_376 = arith.index_cast %parallel_loop3A_361 : i32 to index
        %parallel_loop3A_377 = arith.constant 64 : index
        %parallel_loop3A_378 = tpu.vector_load %arg8[%parallel_loop3A_375, %parallel_loop3A_376, %parallel_loop3A_377] {strides = array<i32>} : memref<5x80x128xf32, #tpu.memory_space<vmem>>, vector<16xf32>,
        %parallel_loop3A_379 = arith.mulf %parallel_loop3A_374, %parallel_loop3A_378 : vector<16xf32>
        %parallel_loop3A_380 = arith.index_cast %rem3A_209 : i32 to index
        %parallel_loop3A_381 = arith.index_cast %parallel_loop3A_361 : i32 to index
        %parallel_loop3A_382 = arith.constant 16 : index
        %parallel_loop3A_383 = tpu.vector_load %arg7[%parallel_loop3A_380, %parallel_loop3A_381, %parallel_loop3A_382] {strides = array<i32>} : memref<5x80x128xf32, #tpu.memory_space<vmem>>, vector<16xf32>,
        %parallel_loop3A_384 = arith.index_cast %rem3A_209 : i32 to index
        %parallel_loop3A_385 = arith.index_cast %parallel_loop3A_361 : i32 to index
        %parallel_loop3A_386 = arith.constant 16 : index
        %parallel_loop3A_387 = tpu.vector_load %arg8[%parallel_loop3A_384, %parallel_loop3A_385, %parallel_loop3A_386] {strides = array<i32>} : memref<5x80x128xf32, #tpu.memory_space<vmem>>, vector<16xf32>,
        %parallel_loop3A_388 = arith.mulf %parallel_loop3A_383, %parallel_loop3A_387 : vector<16xf32>
        %parallel_loop3A_389 = arith.addf %parallel_loop3A_370, %parallel_loop3A_388 : vector<16xf32>
        %parallel_loop3A_390 = arith.index_cast %rem3A_209 : i32 to index
        %parallel_loop3A_391 = arith.index_cast %parallel_loop3A_361 : i32 to index
        %parallel_loop3A_392 = arith.constant 80 : index
        %parallel_loop3A_393 = tpu.vector_load %arg7[%parallel_loop3A_390, %parallel_loop3A_391, %parallel_loop3A_392] {strides = array<i32>} : memref<5x80x128xf32, #tpu.memory_space<vmem>>, vector<16xf32>,
        %parallel_loop3A_394 = arith.index_cast %rem3A_209 : i32 to index
        %parallel_loop3A_395 = arith.index_cast %parallel_loop3A_361 : i32 to index
        %parallel_loop3A_396 = arith.constant 80 : index
        %parallel_loop3A_397 = tpu.vector_load %arg8[%parallel_loop3A_394, %parallel_loop3A_395, %parallel_loop3A_396] {strides = array<i32>} : memref<5x80x128xf32, #tpu.memory_space<vmem>>, vector<16xf32>,
        %parallel_loop3A_398 = arith.mulf %parallel_loop3A_393, %parallel_loop3A_397 : vector<16xf32>
        %parallel_loop3A_399 = arith.addf %parallel_loop3A_379, %parallel_loop3A_398 : vector<16xf32>
        %parallel_loop3A_400 = arith.index_cast %rem3A_209 : i32 to index
        %parallel_loop3A_401 = arith.index_cast %parallel_loop3A_361 : i32 to index
        %parallel_loop3A_402 = arith.constant 32 : index
        %parallel_loop3A_403 = tpu.vector_load %arg7[%parallel_loop3A_400, %parallel_loop3A_401, %parallel_loop3A_402] {strides = array<i32>} : memref<5x80x128xf32, #tpu.memory_space<vmem>>, vector<16xf32>,
        %parallel_loop3A_404 = arith.index_cast %rem3A_209 : i32 to index
        %parallel_loop3A_405 = arith.index_cast %parallel_loop3A_361 : i32 to index
        %parallel_loop3A_406 = arith.constant 32 : index
        %parallel_loop3A_407 = tpu.vector_load %arg8[%parallel_loop3A_404, %parallel_loop3A_405, %parallel_loop3A_406] {strides = array<i32>} : memref<5x80x128xf32, #tpu.memory_space<vmem>>, vector<16xf32>,
        %parallel_loop3A_408 = arith.mulf %parallel_loop3A_403, %parallel_loop3A_407 : vector<16xf32>
        %parallel_loop3A_409 = arith.addf %parallel_loop3A_389, %parallel_loop3A_408 : vector<16xf32>
        %parallel_loop3A_410 = arith.index_cast %rem3A_209 : i32 to index
        %parallel_loop3A_411 = arith.index_cast %parallel_loop3A_361 : i32 to index
        %parallel_loop3A_412 = arith.constant 96 : index
        %parallel_loop3A_413 = tpu.vector_load %arg7[%parallel_loop3A_410, %parallel_loop3A_411, %parallel_loop3A_412] {strides = array<i32>} : memref<5x80x128xf32, #tpu.memory_space<vmem>>, vector<16xf32>,
        %parallel_loop3A_414 = arith.index_cast %rem3A_209 : i32 to index
        %parallel_loop3A_415 = arith.index_cast %parallel_loop3A_361 : i32 to index
        %parallel_loop3A_416 = arith.constant 96 : index
        %parallel_loop3A_417 = tpu.vector_load %arg8[%parallel_loop3A_414, %parallel_loop3A_415, %parallel_loop3A_416] {strides = array<i32>} : memref<5x80x128xf32, #tpu.memory_space<vmem>>, vector<16xf32>,
        %parallel_loop3A_418 = arith.mulf %parallel_loop3A_413, %parallel_loop3A_417 : vector<16xf32>
        %parallel_loop3A_419 = arith.addf %parallel_loop3A_399, %parallel_loop3A_418 : vector<16xf32>
        %parallel_loop3A_420 = arith.index_cast %rem3A_209 : i32 to index
        %parallel_loop3A_421 = arith.index_cast %parallel_loop3A_361 : i32 to index
        %parallel_loop3A_422 = arith.constant 48 : index
        %parallel_loop3A_423 = tpu.vector_load %arg7[%parallel_loop3A_420, %parallel_loop3A_421, %parallel_loop3A_422] {strides = array<i32>} : memref<5x80x128xf32, #tpu.memory_space<vmem>>, vector<16xf32>,
        %parallel_loop3A_424 = arith.index_cast %rem3A_209 : i32 to index
        %parallel_loop3A_425 = arith.index_cast %parallel_loop3A_361 : i32 to index
        %parallel_loop3A_426 = arith.constant 48 : index
        %parallel_loop3A_427 = tpu.vector_load %arg8[%parallel_loop3A_424, %parallel_loop3A_425, %parallel_loop3A_426] {strides = array<i32>} : memref<5x80x128xf32, #tpu.memory_space<vmem>>, vector<16xf32>,
        %parallel_loop3A_428 = arith.mulf %parallel_loop3A_423, %parallel_loop3A_427 : vector<16xf32>
        %parallel_loop3A_429 = arith.addf %parallel_loop3A_409, %parallel_loop3A_428 : vector<16xf32>
        %parallel_loop3A_430 = arith.index_cast %rem3A_209 : i32 to index
        %parallel_loop3A_431 = arith.index_cast %parallel_loop3A_361 : i32 to index
        %parallel_loop3A_432 = arith.constant 112 : index
        %parallel_loop3A_433 = tpu.vector_load %arg7[%parallel_loop3A_430, %parallel_loop3A_431, %parallel_loop3A_432] {strides = array<i32>} : memref<5x80x128xf32, #tpu.memory_space<vmem>>, vector<16xf32>,
        %parallel_loop3A_434 = arith.index_cast %rem3A_209 : i32 to index
        %parallel_loop3A_435 = arith.index_cast %parallel_loop3A_361 : i32 to index
        %parallel_loop3A_436 = arith.constant 112 : index
        %parallel_loop3A_437 = tpu.vector_load %arg8[%parallel_loop3A_434, %parallel_loop3A_435, %parallel_loop3A_436] {strides = array<i32>} : memref<5x80x128xf32, #tpu.memory_space<vmem>>, vector<16xf32>,
        %parallel_loop3A_438 = arith.mulf %parallel_loop3A_433, %parallel_loop3A_437 : vector<16xf32>
        %parallel_loop3A_439 = arith.addf %parallel_loop3A_419, %parallel_loop3A_438 : vector<16xf32>
        %parallel_loop3A_440 = arith.addf %parallel_loop3A_429, %parallel_loop3A_439 : vector<16xf32>
        %parallel_loop3A_441 = arith.constant 17 : i32
        %parallel_loop3A_442 = arith.muli %parallel_loop3A_272, %parallel_loop3A_441 : i32
        %parallel_loop3A_443 = arith.constant 272 : i32
        %parallel_loop3A_444 = arith.addi %parallel_loop3A_443, %parallel_loop3A_442 : i32
        %parallel_loop3A_445 = arith.index_cast %parallel_loop3A_444 : i32 to index
        %parallel_loop3A_446 = tpu.vector_load %arg10[%parallel_loop3A_445] {strides = array<i32>} : memref<1360xf32, #tpu.memory_space<vmem>>, vector<16xf32>,
        tpu.vector_store %arg10[%parallel_loop3A_445], %parallel_loop3A_440 {strides = array<i32>} : memref<1360xf32, #tpu.memory_space<vmem>>, vector<16xf32>,
        %parallel_loop3A_447 = arith.constant 32 : i32
        %parallel_loop3A_448 = arith.addi %parallel_loop3A_447, %parallel_loop3A_272 : i32
        %parallel_loop3A_449 = arith.index_cast %rem3A_209 : i32 to index
        %parallel_loop3A_450 = arith.index_cast %parallel_loop3A_448 : i32 to index
        %parallel_loop3A_451 = arith.constant 0 : index
        %parallel_loop3A_452 = tpu.vector_load %arg7[%parallel_loop3A_449, %parallel_loop3A_450, %parallel_loop3A_451] {strides = array<i32>} : memref<5x80x128xf32, #tpu.memory_space<vmem>>, vector<16xf32>,
        %parallel_loop3A_453 = arith.index_cast %rem3A_209 : i32 to index
        %parallel_loop3A_454 = arith.index_cast %parallel_loop3A_448 : i32 to index
        %parallel_loop3A_455 = arith.constant 0 : index
        %parallel_loop3A_456 = tpu.vector_load %arg8[%parallel_loop3A_453, %parallel_loop3A_454, %parallel_loop3A_455] {strides = array<i32>} : memref<5x80x128xf32, #tpu.memory_space<vmem>>, vector<16xf32>,
        %parallel_loop3A_457 = arith.mulf %parallel_loop3A_452, %parallel_loop3A_456 : vector<16xf32>
        %parallel_loop3A_458 = arith.index_cast %rem3A_209 : i32 to index
        %parallel_loop3A_459 = arith.index_cast %parallel_loop3A_448 : i32 to index
        %parallel_loop3A_460 = arith.constant 64 : index
        %parallel_loop3A_461 = tpu.vector_load %arg7[%parallel_loop3A_458, %parallel_loop3A_459, %parallel_loop3A_460] {strides = array<i32>} : memref<5x80x128xf32, #tpu.memory_space<vmem>>, vector<16xf32>,
        %parallel_loop3A_462 = arith.index_cast %rem3A_209 : i32 to index
        %parallel_loop3A_463 = arith.index_cast %parallel_loop3A_448 : i32 to index
        %parallel_loop3A_464 = arith.constant 64 : index
        %parallel_loop3A_465 = tpu.vector_load %arg8[%parallel_loop3A_462, %parallel_loop3A_463, %parallel_loop3A_464] {strides = array<i32>} : memref<5x80x128xf32, #tpu.memory_space<vmem>>, vector<16xf32>,
        %parallel_loop3A_466 = arith.mulf %parallel_loop3A_461, %parallel_loop3A_465 : vector<16xf32>
        %parallel_loop3A_467 = arith.index_cast %rem3A_209 : i32 to index
        %parallel_loop3A_468 = arith.index_cast %parallel_loop3A_448 : i32 to index
        %parallel_loop3A_469 = arith.constant 16 : index
        %parallel_loop3A_470 = tpu.vector_load %arg7[%parallel_loop3A_467, %parallel_loop3A_468, %parallel_loop3A_469] {strides = array<i32>} : memref<5x80x128xf32, #tpu.memory_space<vmem>>, vector<16xf32>,
        %parallel_loop3A_471 = arith.index_cast %rem3A_209 : i32 to index
        %parallel_loop3A_472 = arith.index_cast %parallel_loop3A_448 : i32 to index
        %parallel_loop3A_473 = arith.constant 16 : index
        %parallel_loop3A_474 = tpu.vector_load %arg8[%parallel_loop3A_471, %parallel_loop3A_472, %parallel_loop3A_473] {strides = array<i32>} : memref<5x80x128xf32, #tpu.memory_space<vmem>>, vector<16xf32>,
        %parallel_loop3A_475 = arith.mulf %parallel_loop3A_470, %parallel_loop3A_474 : vector<16xf32>
        %parallel_loop3A_476 = arith.addf %parallel_loop3A_457, %parallel_loop3A_475 : vector<16xf32>
        %parallel_loop3A_477 = arith.index_cast %rem3A_209 : i32 to index
        %parallel_loop3A_478 = arith.index_cast %parallel_loop3A_448 : i32 to index
        %parallel_loop3A_479 = arith.constant 80 : index
        %parallel_loop3A_480 = tpu.vector_load %arg7[%parallel_loop3A_477, %parallel_loop3A_478, %parallel_loop3A_479] {strides = array<i32>} : memref<5x80x128xf32, #tpu.memory_space<vmem>>, vector<16xf32>,
        %parallel_loop3A_481 = arith.index_cast %rem3A_209 : i32 to index
        %parallel_loop3A_482 = arith.index_cast %parallel_loop3A_448 : i32 to index
        %parallel_loop3A_483 = arith.constant 80 : index
        %parallel_loop3A_484 = tpu.vector_load %arg8[%parallel_loop3A_481, %parallel_loop3A_482, %parallel_loop3A_483] {strides = array<i32>} : memref<5x80x128xf32, #tpu.memory_space<vmem>>, vector<16xf32>,
        %parallel_loop3A_485 = arith.mulf %parallel_loop3A_480, %parallel_loop3A_484 : vector<16xf32>
        %parallel_loop3A_486 = arith.addf %parallel_loop3A_466, %parallel_loop3A_485 : vector<16xf32>
        %parallel_loop3A_487 = arith.index_cast %rem3A_209 : i32 to index
        %parallel_loop3A_488 = arith.index_cast %parallel_loop3A_448 : i32 to index
        %parallel_loop3A_489 = arith.constant 32 : index
        %parallel_loop3A_490 = tpu.vector_load %arg7[%parallel_loop3A_487, %parallel_loop3A_488, %parallel_loop3A_489] {strides = array<i32>} : memref<5x80x128xf32, #tpu.memory_space<vmem>>, vector<16xf32>,
        %parallel_loop3A_491 = arith.index_cast %rem3A_209 : i32 to index
        %parallel_loop3A_492 = arith.index_cast %parallel_loop3A_448 : i32 to index
        %parallel_loop3A_493 = arith.constant 32 : index
        %parallel_loop3A_494 = tpu.vector_load %arg8[%parallel_loop3A_491, %parallel_loop3A_492, %parallel_loop3A_493] {strides = array<i32>} : memref<5x80x128xf32, #tpu.memory_space<vmem>>, vector<16xf32>,
        %parallel_loop3A_495 = arith.mulf %parallel_loop3A_490, %parallel_loop3A_494 : vector<16xf32>
        %parallel_loop3A_496 = arith.addf %parallel_loop3A_476, %parallel_loop3A_495 : vector<16xf32>
        %parallel_loop3A_497 = arith.index_cast %rem3A_209 : i32 to index
        %parallel_loop3A_498 = arith.index_cast %parallel_loop3A_448 : i32 to index
        %parallel_loop3A_499 = arith.constant 96 : index
        %parallel_loop3A_500 = tpu.vector_load %arg7[%parallel_loop3A_497, %parallel_loop3A_498, %parallel_loop3A_499] {strides = array<i32>} : memref<5x80x128xf32, #tpu.memory_space<vmem>>, vector<16xf32>,
        %parallel_loop3A_501 = arith.index_cast %rem3A_209 : i32 to index
        %parallel_loop3A_502 = arith.index_cast %parallel_loop3A_448 : i32 to index
        %parallel_loop3A_503 = arith.constant 96 : index
        %parallel_loop3A_504 = tpu.vector_load %arg8[%parallel_loop3A_501, %parallel_loop3A_502, %parallel_loop3A_503] {strides = array<i32>} : memref<5x80x128xf32, #tpu.memory_space<vmem>>, vector<16xf32>,
        %parallel_loop3A_505 = arith.mulf %parallel_loop3A_500, %parallel_loop3A_504 : vector<16xf32>
        %parallel_loop3A_506 = arith.addf %parallel_loop3A_486, %parallel_loop3A_505 : vector<16xf32>
        %parallel_loop3A_507 = arith.index_cast %rem3A_209 : i32 to index
        %parallel_loop3A_508 = arith.index_cast %parallel_loop3A_448 : i32 to index
        %parallel_loop3A_509 = arith.constant 48 : index
        %parallel_loop3A_510 = tpu.vector_load %arg7[%parallel_loop3A_507, %parallel_loop3A_508, %parallel_loop3A_509] {strides = array<i32>} : memref<5x80x128xf32, #tpu.memory_space<vmem>>, vector<16xf32>,
        %parallel_loop3A_511 = arith.index_cast %rem3A_209 : i32 to index
        %parallel_loop3A_512 = arith.index_cast %parallel_loop3A_448 : i32 to index
        %parallel_loop3A_513 = arith.constant 48 : index
        %parallel_loop3A_514 = tpu.vector_load %arg8[%parallel_loop3A_511, %parallel_loop3A_512, %parallel_loop3A_513] {strides = array<i32>} : memref<5x80x128xf32, #tpu.memory_space<vmem>>, vector<16xf32>,
        %parallel_loop3A_515 = arith.mulf %parallel_loop3A_510, %parallel_loop3A_514 : vector<16xf32>
        %parallel_loop3A_516 = arith.addf %parallel_loop3A_496, %parallel_loop3A_515 : vector<16xf32>
        %parallel_loop3A_517 = arith.index_cast %rem3A_209 : i32 to index
        %parallel_loop3A_518 = arith.index_cast %parallel_loop3A_448 : i32 to index
        %parallel_loop3A_519 = arith.constant 112 : index
        %parallel_loop3A_520 = tpu.vector_load %arg7[%parallel_loop3A_517, %parallel_loop3A_518, %parallel_loop3A_519] {strides = array<i32>} : memref<5x80x128xf32, #tpu.memory_space<vmem>>, vector<16xf32>,
        %parallel_loop3A_521 = arith.index_cast %rem3A_209 : i32 to index
        %parallel_loop3A_522 = arith.index_cast %parallel_loop3A_448 : i32 to index
        %parallel_loop3A_523 = arith.constant 112 : index
        %parallel_loop3A_524 = tpu.vector_load %arg8[%parallel_loop3A_521, %parallel_loop3A_522, %parallel_loop3A_523] {strides = array<i32>} : memref<5x80x128xf32, #tpu.memory_space<vmem>>, vector<16xf32>,
        %parallel_loop3A_525 = arith.mulf %parallel_loop3A_520, %parallel_loop3A_524 : vector<16xf32>
        %parallel_loop3A_526 = arith.addf %parallel_loop3A_506, %parallel_loop3A_525 : vector<16xf32>
        %parallel_loop3A_527 = arith.addf %parallel_loop3A_516, %parallel_loop3A_526 : vector<16xf32>
        %parallel_loop3A_528 = arith.constant 17 : i32
        %parallel_loop3A_529 = arith.muli %parallel_loop3A_272, %parallel_loop3A_528 : i32
        %parallel_loop3A_530 = arith.constant 544 : i32
        %parallel_loop3A_531 = arith.addi %parallel_loop3A_530, %parallel_loop3A_529 : i32
        %parallel_loop3A_532 = arith.index_cast %parallel_loop3A_531 : i32 to index
        %parallel_loop3A_533 = tpu.vector_load %arg10[%parallel_loop3A_532] {strides = array<i32>} : memref<1360xf32, #tpu.memory_space<vmem>>, vector<16xf32>,
        tpu.vector_store %arg10[%parallel_loop3A_532], %parallel_loop3A_527 {strides = array<i32>} : memref<1360xf32, #tpu.memory_space<vmem>>, vector<16xf32>,
        %parallel_loop3A_534 = arith.constant 48 : i32
        %parallel_loop3A_535 = arith.addi %parallel_loop3A_534, %parallel_loop3A_272 : i32
        %parallel_loop3A_536 = arith.index_cast %rem3A_209 : i32 to index
        %parallel_loop3A_537 = arith.index_cast %parallel_loop3A_535 : i32 to index
        %parallel_loop3A_538 = arith.constant 0 : index
        %parallel_loop3A_539 = tpu.vector_load %arg7[%parallel_loop3A_536, %parallel_loop3A_537, %parallel_loop3A_538] {strides = array<i32>} : memref<5x80x128xf32, #tpu.memory_space<vmem>>, vector<16xf32>,
        %parallel_loop3A_540 = arith.index_cast %rem3A_209 : i32 to index
        %parallel_loop3A_541 = arith.index_cast %parallel_loop3A_535 : i32 to index
        %parallel_loop3A_542 = arith.constant 0 : index
        %parallel_loop3A_543 = tpu.vector_load %arg8[%parallel_loop3A_540, %parallel_loop3A_541, %parallel_loop3A_542] {strides = array<i32>} : memref<5x80x128xf32, #tpu.memory_space<vmem>>, vector<16xf32>,
        %parallel_loop3A_544 = arith.mulf %parallel_loop3A_539, %parallel_loop3A_543 : vector<16xf32>
        %parallel_loop3A_545 = arith.index_cast %rem3A_209 : i32 to index
        %parallel_loop3A_546 = arith.index_cast %parallel_loop3A_535 : i32 to index
        %parallel_loop3A_547 = arith.constant 64 : index
        %parallel_loop3A_548 = tpu.vector_load %arg7[%parallel_loop3A_545, %parallel_loop3A_546, %parallel_loop3A_547] {strides = array<i32>} : memref<5x80x128xf32, #tpu.memory_space<vmem>>, vector<16xf32>,
        %parallel_loop3A_549 = arith.index_cast %rem3A_209 : i32 to index
        %parallel_loop3A_550 = arith.index_cast %parallel_loop3A_535 : i32 to index
        %parallel_loop3A_551 = arith.constant 64 : index
        %parallel_loop3A_552 = tpu.vector_load %arg8[%parallel_loop3A_549, %parallel_loop3A_550, %parallel_loop3A_551] {strides = array<i32>} : memref<5x80x128xf32, #tpu.memory_space<vmem>>, vector<16xf32>,
        %parallel_loop3A_553 = arith.mulf %parallel_loop3A_548, %parallel_loop3A_552 : vector<16xf32>
        %parallel_loop3A_554 = arith.index_cast %rem3A_209 : i32 to index
        %parallel_loop3A_555 = arith.index_cast %parallel_loop3A_535 : i32 to index
        %parallel_loop3A_556 = arith.constant 16 : index
        %parallel_loop3A_557 = tpu.vector_load %arg7[%parallel_loop3A_554, %parallel_loop3A_555, %parallel_loop3A_556] {strides = array<i32>} : memref<5x80x128xf32, #tpu.memory_space<vmem>>, vector<16xf32>,
        %parallel_loop3A_558 = arith.index_cast %rem3A_209 : i32 to index
        %parallel_loop3A_559 = arith.index_cast %parallel_loop3A_535 : i32 to index
        %parallel_loop3A_560 = arith.constant 16 : index
        %parallel_loop3A_561 = tpu.vector_load %arg8[%parallel_loop3A_558, %parallel_loop3A_559, %parallel_loop3A_560] {strides = array<i32>} : memref<5x80x128xf32, #tpu.memory_space<vmem>>, vector<16xf32>,
        %parallel_loop3A_562 = arith.mulf %parallel_loop3A_557, %parallel_loop3A_561 : vector<16xf32>
        %parallel_loop3A_563 = arith.addf %parallel_loop3A_544, %parallel_loop3A_562 : vector<16xf32>
        %parallel_loop3A_564 = arith.index_cast %rem3A_209 : i32 to index
        %parallel_loop3A_565 = arith.index_cast %parallel_loop3A_535 : i32 to index
        %parallel_loop3A_566 = arith.constant 80 : index
        %parallel_loop3A_567 = tpu.vector_load %arg7[%parallel_loop3A_564, %parallel_loop3A_565, %parallel_loop3A_566] {strides = array<i32>} : memref<5x80x128xf32, #tpu.memory_space<vmem>>, vector<16xf32>,
        %parallel_loop3A_568 = arith.index_cast %rem3A_209 : i32 to index
        %parallel_loop3A_569 = arith.index_cast %parallel_loop3A_535 : i32 to index
        %parallel_loop3A_570 = arith.constant 80 : index
        %parallel_loop3A_571 = tpu.vector_load %arg8[%parallel_loop3A_568, %parallel_loop3A_569, %parallel_loop3A_570] {strides = array<i32>} : memref<5x80x128xf32, #tpu.memory_space<vmem>>, vector<16xf32>,
        %parallel_loop3A_572 = arith.mulf %parallel_loop3A_567, %parallel_loop3A_571 : vector<16xf32>
        %parallel_loop3A_573 = arith.addf %parallel_loop3A_553, %parallel_loop3A_572 : vector<16xf32>
        %parallel_loop3A_574 = arith.index_cast %rem3A_209 : i32 to index
        %parallel_loop3A_575 = arith.index_cast %parallel_loop3A_535 : i32 to index
        %parallel_loop3A_576 = arith.constant 32 : index
        %parallel_loop3A_577 = tpu.vector_load %arg7[%parallel_loop3A_574, %parallel_loop3A_575, %parallel_loop3A_576] {strides = array<i32>} : memref<5x80x128xf32, #tpu.memory_space<vmem>>, vector<16xf32>,
        %parallel_loop3A_578 = arith.index_cast %rem3A_209 : i32 to index
        %parallel_loop3A_579 = arith.index_cast %parallel_loop3A_535 : i32 to index
        %parallel_loop3A_580 = arith.constant 32 : index
        %parallel_loop3A_581 = tpu.vector_load %arg8[%parallel_loop3A_578, %parallel_loop3A_579, %parallel_loop3A_580] {strides = array<i32>} : memref<5x80x128xf32, #tpu.memory_space<vmem>>, vector<16xf32>,
        %parallel_loop3A_582 = arith.mulf %parallel_loop3A_577, %parallel_loop3A_581 : vector<16xf32>
        %parallel_loop3A_583 = arith.addf %parallel_loop3A_563, %parallel_loop3A_582 : vector<16xf32>
        %parallel_loop3A_584 = arith.index_cast %rem3A_209 : i32 to index
        %parallel_loop3A_585 = arith.index_cast %parallel_loop3A_535 : i32 to index
        %parallel_loop3A_586 = arith.constant 96 : index
        %parallel_loop3A_587 = tpu.vector_load %arg7[%parallel_loop3A_584, %parallel_loop3A_585, %parallel_loop3A_586] {strides = array<i32>} : memref<5x80x128xf32, #tpu.memory_space<vmem>>, vector<16xf32>,
        %parallel_loop3A_588 = arith.index_cast %rem3A_209 : i32 to index
        %parallel_loop3A_589 = arith.index_cast %parallel_loop3A_535 : i32 to index
        %parallel_loop3A_590 = arith.constant 96 : index
        %parallel_loop3A_591 = tpu.vector_load %arg8[%parallel_loop3A_588, %parallel_loop3A_589, %parallel_loop3A_590] {strides = array<i32>} : memref<5x80x128xf32, #tpu.memory_space<vmem>>, vector<16xf32>,
        %parallel_loop3A_592 = arith.mulf %parallel_loop3A_587, %parallel_loop3A_591 : vector<16xf32>
        %parallel_loop3A_593 = arith.addf %parallel_loop3A_573, %parallel_loop3A_592 : vector<16xf32>
        %parallel_loop3A_594 = arith.index_cast %rem3A_209 : i32 to index
        %parallel_loop3A_595 = arith.index_cast %parallel_loop3A_535 : i32 to index
        %parallel_loop3A_596 = arith.constant 48 : index
        %parallel_loop3A_597 = tpu.vector_load %arg7[%parallel_loop3A_594, %parallel_loop3A_595, %parallel_loop3A_596] {strides = array<i32>} : memref<5x80x128xf32, #tpu.memory_space<vmem>>, vector<16xf32>,
        %parallel_loop3A_598 = arith.index_cast %rem3A_209 : i32 to index
        %parallel_loop3A_599 = arith.index_cast %parallel_loop3A_535 : i32 to index
        %parallel_loop3A_600 = arith.constant 48 : index
        %parallel_loop3A_601 = tpu.vector_load %arg8[%parallel_loop3A_598, %parallel_loop3A_599, %parallel_loop3A_600] {strides = array<i32>} : memref<5x80x128xf32, #tpu.memory_space<vmem>>, vector<16xf32>,
        %parallel_loop3A_602 = arith.mulf %parallel_loop3A_597, %parallel_loop3A_601 : vector<16xf32>
        %parallel_loop3A_603 = arith.addf %parallel_loop3A_583, %parallel_loop3A_602 : vector<16xf32>
        %parallel_loop3A_604 = arith.index_cast %rem3A_209 : i32 to index
        %parallel_loop3A_605 = arith.index_cast %parallel_loop3A_535 : i32 to index
        %parallel_loop3A_606 = arith.constant 112 : index
        %parallel_loop3A_607 = tpu.vector_load %arg7[%parallel_loop3A_604, %parallel_loop3A_605, %parallel_loop3A_606] {strides = array<i32>} : memref<5x80x128xf32, #tpu.memory_space<vmem>>, vector<16xf32>,
        %parallel_loop3A_608 = arith.index_cast %rem3A_209 : i32 to index
        %parallel_loop3A_609 = arith.index_cast %parallel_loop3A_535 : i32 to index
        %parallel_loop3A_610 = arith.constant 112 : index
        %parallel_loop3A_611 = tpu.vector_load %arg8[%parallel_loop3A_608, %parallel_loop3A_609, %parallel_loop3A_610] {strides = array<i32>} : memref<5x80x128xf32, #tpu.memory_space<vmem>>, vector<16xf32>,
        %parallel_loop3A_612 = arith.mulf %parallel_loop3A_607, %parallel_loop3A_611 : vector<16xf32>
        %parallel_loop3A_613 = arith.addf %parallel_loop3A_593, %parallel_loop3A_612 : vector<16xf32>
        %parallel_loop3A_614 = arith.addf %parallel_loop3A_603, %parallel_loop3A_613 : vector<16xf32>
        %parallel_loop3A_615 = arith.constant 17 : i32
        %parallel_loop3A_616 = arith.muli %parallel_loop3A_272, %parallel_loop3A_615 : i32
        %parallel_loop3A_617 = arith.constant 816 : i32
        %parallel_loop3A_618 = arith.addi %parallel_loop3A_617, %parallel_loop3A_616 : i32
        %parallel_loop3A_619 = arith.index_cast %parallel_loop3A_618 : i32 to index
        %parallel_loop3A_620 = tpu.vector_load %arg10[%parallel_loop3A_619] {strides = array<i32>} : memref<1360xf32, #tpu.memory_space<vmem>>, vector<16xf32>,
        tpu.vector_store %arg10[%parallel_loop3A_619], %parallel_loop3A_614 {strides = array<i32>} : memref<1360xf32, #tpu.memory_space<vmem>>, vector<16xf32>,
        %parallel_loop3A_621 = arith.constant 64 : i32
        %parallel_loop3A_622 = arith.addi %parallel_loop3A_621, %parallel_loop3A_272 : i32
        %parallel_loop3A_623 = arith.index_cast %rem3A_209 : i32 to index
        %parallel_loop3A_624 = arith.index_cast %parallel_loop3A_622 : i32 to index
        %parallel_loop3A_625 = arith.constant 0 : index
        %parallel_loop3A_626 = tpu.vector_load %arg7[%parallel_loop3A_623, %parallel_loop3A_624, %parallel_loop3A_625] {strides = array<i32>} : memref<5x80x128xf32, #tpu.memory_space<vmem>>, vector<16xf32>,
        %parallel_loop3A_627 = arith.index_cast %rem3A_209 : i32 to index
        %parallel_loop3A_628 = arith.index_cast %parallel_loop3A_622 : i32 to index
        %parallel_loop3A_629 = arith.constant 0 : index
        %parallel_loop3A_630 = tpu.vector_load %arg8[%parallel_loop3A_627, %parallel_loop3A_628, %parallel_loop3A_629] {strides = array<i32>} : memref<5x80x128xf32, #tpu.memory_space<vmem>>, vector<16xf32>,
        %parallel_loop3A_631 = arith.mulf %parallel_loop3A_626, %parallel_loop3A_630 : vector<16xf32>
        %parallel_loop3A_632 = arith.index_cast %rem3A_209 : i32 to index
        %parallel_loop3A_633 = arith.index_cast %parallel_loop3A_622 : i32 to index
        %parallel_loop3A_634 = arith.constant 64 : index
        %parallel_loop3A_635 = tpu.vector_load %arg7[%parallel_loop3A_632, %parallel_loop3A_633, %parallel_loop3A_634] {strides = array<i32>} : memref<5x80x128xf32, #tpu.memory_space<vmem>>, vector<16xf32>,
        %parallel_loop3A_636 = arith.index_cast %rem3A_209 : i32 to index
        %parallel_loop3A_637 = arith.index_cast %parallel_loop3A_622 : i32 to index
        %parallel_loop3A_638 = arith.constant 64 : index
        %parallel_loop3A_639 = tpu.vector_load %arg8[%parallel_loop3A_636, %parallel_loop3A_637, %parallel_loop3A_638] {strides = array<i32>} : memref<5x80x128xf32, #tpu.memory_space<vmem>>, vector<16xf32>,
        %parallel_loop3A_640 = arith.mulf %parallel_loop3A_635, %parallel_loop3A_639 : vector<16xf32>
        %parallel_loop3A_641 = arith.index_cast %rem3A_209 : i32 to index
        %parallel_loop3A_642 = arith.index_cast %parallel_loop3A_622 : i32 to index
        %parallel_loop3A_643 = arith.constant 16 : index
        %parallel_loop3A_644 = tpu.vector_load %arg7[%parallel_loop3A_641, %parallel_loop3A_642, %parallel_loop3A_643] {strides = array<i32>} : memref<5x80x128xf32, #tpu.memory_space<vmem>>, vector<16xf32>,
        %parallel_loop3A_645 = arith.index_cast %rem3A_209 : i32 to index
        %parallel_loop3A_646 = arith.index_cast %parallel_loop3A_622 : i32 to index
        %parallel_loop3A_647 = arith.constant 16 : index
        %parallel_loop3A_648 = tpu.vector_load %arg8[%parallel_loop3A_645, %parallel_loop3A_646, %parallel_loop3A_647] {strides = array<i32>} : memref<5x80x128xf32, #tpu.memory_space<vmem>>, vector<16xf32>,
        %parallel_loop3A_649 = arith.mulf %parallel_loop3A_644, %parallel_loop3A_648 : vector<16xf32>
        %parallel_loop3A_650 = arith.addf %parallel_loop3A_631, %parallel_loop3A_649 : vector<16xf32>
        %parallel_loop3A_651 = arith.index_cast %rem3A_209 : i32 to index
        %parallel_loop3A_652 = arith.index_cast %parallel_loop3A_622 : i32 to index
        %parallel_loop3A_653 = arith.constant 80 : index
        %parallel_loop3A_654 = tpu.vector_load %arg7[%parallel_loop3A_651, %parallel_loop3A_652, %parallel_loop3A_653] {strides = array<i32>} : memref<5x80x128xf32, #tpu.memory_space<vmem>>, vector<16xf32>,
        %parallel_loop3A_655 = arith.index_cast %rem3A_209 : i32 to index
        %parallel_loop3A_656 = arith.index_cast %parallel_loop3A_622 : i32 to index
        %parallel_loop3A_657 = arith.constant 80 : index
        %parallel_loop3A_658 = tpu.vector_load %arg8[%parallel_loop3A_655, %parallel_loop3A_656, %parallel_loop3A_657] {strides = array<i32>} : memref<5x80x128xf32, #tpu.memory_space<vmem>>, vector<16xf32>,
        %parallel_loop3A_659 = arith.mulf %parallel_loop3A_654, %parallel_loop3A_658 : vector<16xf32>
        %parallel_loop3A_660 = arith.addf %parallel_loop3A_640, %parallel_loop3A_659 : vector<16xf32>
        %parallel_loop3A_661 = arith.index_cast %rem3A_209 : i32 to index
        %parallel_loop3A_662 = arith.index_cast %parallel_loop3A_622 : i32 to index
        %parallel_loop3A_663 = arith.constant 32 : index
        %parallel_loop3A_664 = tpu.vector_load %arg7[%parallel_loop3A_661, %parallel_loop3A_662, %parallel_loop3A_663] {strides = array<i32>} : memref<5x80x128xf32, #tpu.memory_space<vmem>>, vector<16xf32>,
        %parallel_loop3A_665 = arith.index_cast %rem3A_209 : i32 to index
        %parallel_loop3A_666 = arith.index_cast %parallel_loop3A_622 : i32 to index
        %parallel_loop3A_667 = arith.constant 32 : index
        %parallel_loop3A_668 = tpu.vector_load %arg8[%parallel_loop3A_665, %parallel_loop3A_666, %parallel_loop3A_667] {strides = array<i32>} : memref<5x80x128xf32, #tpu.memory_space<vmem>>, vector<16xf32>,
        %parallel_loop3A_669 = arith.mulf %parallel_loop3A_664, %parallel_loop3A_668 : vector<16xf32>
        %parallel_loop3A_670 = arith.addf %parallel_loop3A_650, %parallel_loop3A_669 : vector<16xf32>
        %parallel_loop3A_671 = arith.index_cast %rem3A_209 : i32 to index
        %parallel_loop3A_672 = arith.index_cast %parallel_loop3A_622 : i32 to index
        %parallel_loop3A_673 = arith.constant 96 : index
        %parallel_loop3A_674 = tpu.vector_load %arg7[%parallel_loop3A_671, %parallel_loop3A_672, %parallel_loop3A_673] {strides = array<i32>} : memref<5x80x128xf32, #tpu.memory_space<vmem>>, vector<16xf32>,
        %parallel_loop3A_675 = arith.index_cast %rem3A_209 : i32 to index
        %parallel_loop3A_676 = arith.index_cast %parallel_loop3A_622 : i32 to index
        %parallel_loop3A_677 = arith.constant 96 : index
        %parallel_loop3A_678 = tpu.vector_load %arg8[%parallel_loop3A_675, %parallel_loop3A_676, %parallel_loop3A_677] {strides = array<i32>} : memref<5x80x128xf32, #tpu.memory_space<vmem>>, vector<16xf32>,
        %parallel_loop3A_679 = arith.mulf %parallel_loop3A_674, %parallel_loop3A_678 : vector<16xf32>
        %parallel_loop3A_680 = arith.addf %parallel_loop3A_660, %parallel_loop3A_679 : vector<16xf32>
        %parallel_loop3A_681 = arith.index_cast %rem3A_209 : i32 to index
        %parallel_loop3A_682 = arith.index_cast %parallel_loop3A_622 : i32 to index
        %parallel_loop3A_683 = arith.constant 48 : index
        %parallel_loop3A_684 = tpu.vector_load %arg7[%parallel_loop3A_681, %parallel_loop3A_682, %parallel_loop3A_683] {strides = array<i32>} : memref<5x80x128xf32, #tpu.memory_space<vmem>>, vector<16xf32>,
        %parallel_loop3A_685 = arith.index_cast %rem3A_209 : i32 to index
        %parallel_loop3A_686 = arith.index_cast %parallel_loop3A_622 : i32 to index
        %parallel_loop3A_687 = arith.constant 48 : index
        %parallel_loop3A_688 = tpu.vector_load %arg8[%parallel_loop3A_685, %parallel_loop3A_686, %parallel_loop3A_687] {strides = array<i32>} : memref<5x80x128xf32, #tpu.memory_space<vmem>>, vector<16xf32>,
        %parallel_loop3A_689 = arith.mulf %parallel_loop3A_684, %parallel_loop3A_688 : vector<16xf32>
        %parallel_loop3A_690 = arith.addf %parallel_loop3A_670, %parallel_loop3A_689 : vector<16xf32>
        %parallel_loop3A_691 = arith.index_cast %rem3A_209 : i32 to index
        %parallel_loop3A_692 = arith.index_cast %parallel_loop3A_622 : i32 to index
        %parallel_loop3A_693 = arith.constant 112 : index
        %parallel_loop3A_694 = tpu.vector_load %arg7[%parallel_loop3A_691, %parallel_loop3A_692, %parallel_loop3A_693] {strides = array<i32>} : memref<5x80x128xf32, #tpu.memory_space<vmem>>, vector<16xf32>,
        %parallel_loop3A_695 = arith.index_cast %rem3A_209 : i32 to index
        %parallel_loop3A_696 = arith.index_cast %parallel_loop3A_622 : i32 to index
        %parallel_loop3A_697 = arith.constant 112 : index
        %parallel_loop3A_698 = tpu.vector_load %arg8[%parallel_loop3A_695, %parallel_loop3A_696, %parallel_loop3A_697] {strides = array<i32>} : memref<5x80x128xf32, #tpu.memory_space<vmem>>, vector<16xf32>,
        %parallel_loop3A_699 = arith.mulf %parallel_loop3A_694, %parallel_loop3A_698 : vector<16xf32>
        %parallel_loop3A_700 = arith.addf %parallel_loop3A_680, %parallel_loop3A_699 : vector<16xf32>
        %parallel_loop3A_701 = arith.addf %parallel_loop3A_690, %parallel_loop3A_700 : vector<16xf32>
        %parallel_loop3A_702 = arith.constant 17 : i32
        %parallel_loop3A_703 = arith.muli %parallel_loop3A_272, %parallel_loop3A_702 : i32
        %parallel_loop3A_704 = arith.constant 1088 : i32
        %parallel_loop3A_705 = arith.addi %parallel_loop3A_704, %parallel_loop3A_703 : i32
        %parallel_loop3A_706 = arith.index_cast %parallel_loop3A_705 : i32 to index
        %parallel_loop3A_707 = tpu.vector_load %arg10[%parallel_loop3A_706] {strides = array<i32>} : memref<1360xf32, #tpu.memory_space<vmem>>, vector<16xf32>,
        tpu.vector_store %arg10[%parallel_loop3A_706], %parallel_loop3A_701 {strides = array<i32>} : memref<1360xf32, #tpu.memory_space<vmem>>, vector<16xf32>,
      } {sc.loop_unroll_factor = 16 : i64, sc.parallel_access}
      %parallel_loop3A_249 = arith.constant 0 : i32
      %parallel_loop3A_250 = arith.constant 5 : i32
      %parallel_loop3A_251 = arith.constant 1 : i32
      scf.for %parallel_loop3A_272 = %parallel_loop3A_249 to %parallel_loop3A_250 step %parallel_loop3A_251  : i32 {
        %parallel_loop3A_273 = arith.constant 272 : i32
        %parallel_loop3A_274 = arith.muli %parallel_loop3A_272, %parallel_loop3A_273 : i32
        %parallel_loop3A_275 = vector.broadcast %parallel_loop3A_274 : i32 to vector<16xi32>
        %parallel_loop3A_276 = arith.addi %mul3A_246, %parallel_loop3A_275 : vector<16xi32>
        %parallel_loop3A_277 = tpu.vector_load_idx %arg10[%parallel_loop3A_276] : memref<1360xf32, #tpu.memory_space<vmem>>[vector<16xi32>], vector<16xf32>,
        %parallel_loop3A_278 = arith.constant 1 : i32
        %parallel_loop3A_279 = vector.broadcast %parallel_loop3A_278 : i32 to vector<16xi32>
        %parallel_loop3A_280 = arith.addi %parallel_loop3A_276, %parallel_loop3A_279 : vector<16xi32>
        %parallel_loop3A_281 = tpu.vector_load_idx %arg10[%parallel_loop3A_280] : memref<1360xf32, #tpu.memory_space<vmem>>[vector<16xi32>], vector<16xf32>,
        %parallel_loop3A_282 = arith.addf %parallel_loop3A_277, %parallel_loop3A_281 : vector<16xf32>
        %parallel_loop3A_283 = arith.constant 2 : i32
        %parallel_loop3A_284 = vector.broadcast %parallel_loop3A_283 : i32 to vector<16xi32>
        %parallel_loop3A_285 = arith.addi %parallel_loop3A_276, %parallel_loop3A_284 : vector<16xi32>
        %parallel_loop3A_286 = tpu.vector_load_idx %arg10[%parallel_loop3A_285] : memref<1360xf32, #tpu.memory_space<vmem>>[vector<16xi32>], vector<16xf32>,
        %parallel_loop3A_287 = arith.addf %parallel_loop3A_282, %parallel_loop3A_286 : vector<16xf32>
        %parallel_loop3A_288 = arith.constant 3 : i32
        %parallel_loop3A_289 = vector.broadcast %parallel_loop3A_288 : i32 to vector<16xi32>
        %parallel_loop3A_290 = arith.addi %parallel_loop3A_276, %parallel_loop3A_289 : vector<16xi32>
        %parallel_loop3A_291 = tpu.vector_load_idx %arg10[%parallel_loop3A_290] : memref<1360xf32, #tpu.memory_space<vmem>>[vector<16xi32>], vector<16xf32>,
        %parallel_loop3A_292 = arith.addf %parallel_loop3A_287, %parallel_loop3A_291 : vector<16xf32>
        %parallel_loop3A_293 = arith.constant 4 : i32
        %parallel_loop3A_294 = vector.broadcast %parallel_loop3A_293 : i32 to vector<16xi32>
        %parallel_loop3A_295 = arith.addi %parallel_loop3A_276, %parallel_loop3A_294 : vector<16xi32>
        %parallel_loop3A_296 = tpu.vector_load_idx %arg10[%parallel_loop3A_295] : memref<1360xf32, #tpu.memory_space<vmem>>[vector<16xi32>], vector<16xf32>,
        %parallel_loop3A_297 = arith.addf %parallel_loop3A_292, %parallel_loop3A_296 : vector<16xf32>
        %parallel_loop3A_298 = arith.constant 5 : i32
        %parallel_loop3A_299 = vector.broadcast %parallel_loop3A_298 : i32 to vector<16xi32>
        %parallel_loop3A_300 = arith.addi %parallel_loop3A_276, %parallel_loop3A_299 : vector<16xi32>
        %parallel_loop3A_301 = tpu.vector_load_idx %arg10[%parallel_loop3A_300] : memref<1360xf32, #tpu.memory_space<vmem>>[vector<16xi32>], vector<16xf32>,
        %parallel_loop3A_302 = arith.addf %parallel_loop3A_297, %parallel_loop3A_301 : vector<16xf32>
        %parallel_loop3A_303 = arith.constant 6 : i32
        %parallel_loop3A_304 = vector.broadcast %parallel_loop3A_303 : i32 to vector<16xi32>
        %parallel_loop3A_305 = arith.addi %parallel_loop3A_276, %parallel_loop3A_304 : vector<16xi32>
        %parallel_loop3A_306 = tpu.vector_load_idx %arg10[%parallel_loop3A_305] : memref<1360xf32, #tpu.memory_space<vmem>>[vector<16xi32>], vector<16xf32>,
        %parallel_loop3A_307 = arith.addf %parallel_loop3A_302, %parallel_loop3A_306 : vector<16xf32>
        %parallel_loop3A_308 = arith.constant 7 : i32
        %parallel_loop3A_309 = vector.broadcast %parallel_loop3A_308 : i32 to vector<16xi32>
        %parallel_loop3A_310 = arith.addi %parallel_loop3A_276, %parallel_loop3A_309 : vector<16xi32>
        %parallel_loop3A_311 = tpu.vector_load_idx %arg10[%parallel_loop3A_310] : memref<1360xf32, #tpu.memory_space<vmem>>[vector<16xi32>], vector<16xf32>,
        %parallel_loop3A_312 = arith.addf %parallel_loop3A_307, %parallel_loop3A_311 : vector<16xf32>
        %parallel_loop3A_313 = arith.constant 8 : i32
        %parallel_loop3A_314 = vector.broadcast %parallel_loop3A_313 : i32 to vector<16xi32>
        %parallel_loop3A_315 = arith.addi %parallel_loop3A_276, %parallel_loop3A_314 : vector<16xi32>
        %parallel_loop3A_316 = tpu.vector_load_idx %arg10[%parallel_loop3A_315] : memref<1360xf32, #tpu.memory_space<vmem>>[vector<16xi32>], vector<16xf32>,
        %parallel_loop3A_317 = arith.addf %parallel_loop3A_312, %parallel_loop3A_316 : vector<16xf32>
        %parallel_loop3A_318 = arith.constant 9 : i32
        %parallel_loop3A_319 = vector.broadcast %parallel_loop3A_318 : i32 to vector<16xi32>
        %parallel_loop3A_320 = arith.addi %parallel_loop3A_276, %parallel_loop3A_319 : vector<16xi32>
        %parallel_loop3A_321 = tpu.vector_load_idx %arg10[%parallel_loop3A_320] : memref<1360xf32, #tpu.memory_space<vmem>>[vector<16xi32>], vector<16xf32>,
        %parallel_loop3A_322 = arith.addf %parallel_loop3A_317, %parallel_loop3A_321 : vector<16xf32>
        %parallel_loop3A_323 = arith.constant 10 : i32
        %parallel_loop3A_324 = vector.broadcast %parallel_loop3A_323 : i32 to vector<16xi32>
        %parallel_loop3A_325 = arith.addi %parallel_loop3A_276, %parallel_loop3A_324 : vector<16xi32>
        %parallel_loop3A_326 = tpu.vector_load_idx %arg10[%parallel_loop3A_325] : memref<1360xf32, #tpu.memory_space<vmem>>[vector<16xi32>], vector<16xf32>,
        %parallel_loop3A_327 = arith.addf %parallel_loop3A_322, %parallel_loop3A_326 : vector<16xf32>
        %parallel_loop3A_328 = arith.constant 11 : i32
        %parallel_loop3A_329 = vector.broadcast %parallel_loop3A_328 : i32 to vector<16xi32>
        %parallel_loop3A_330 = arith.addi %parallel_loop3A_276, %parallel_loop3A_329 : vector<16xi32>
        %parallel_loop3A_331 = tpu.vector_load_idx %arg10[%parallel_loop3A_330] : memref<1360xf32, #tpu.memory_space<vmem>>[vector<16xi32>], vector<16xf32>,
        %parallel_loop3A_332 = arith.addf %parallel_loop3A_327, %parallel_loop3A_331 : vector<16xf32>
        %parallel_loop3A_333 = arith.constant 12 : i32
        %parallel_loop3A_334 = vector.broadcast %parallel_loop3A_333 : i32 to vector<16xi32>
        %parallel_loop3A_335 = arith.addi %parallel_loop3A_276, %parallel_loop3A_334 : vector<16xi32>
        %parallel_loop3A_336 = tpu.vector_load_idx %arg10[%parallel_loop3A_335] : memref<1360xf32, #tpu.memory_space<vmem>>[vector<16xi32>], vector<16xf32>,
        %parallel_loop3A_337 = arith.addf %parallel_loop3A_332, %parallel_loop3A_336 : vector<16xf32>
        %parallel_loop3A_338 = arith.constant 13 : i32
        %parallel_loop3A_339 = vector.broadcast %parallel_loop3A_338 : i32 to vector<16xi32>
        %parallel_loop3A_340 = arith.addi %parallel_loop3A_276, %parallel_loop3A_339 : vector<16xi32>
        %parallel_loop3A_341 = tpu.vector_load_idx %arg10[%parallel_loop3A_340] : memref<1360xf32, #tpu.memory_space<vmem>>[vector<16xi32>], vector<16xf32>,
        %parallel_loop3A_342 = arith.addf %parallel_loop3A_337, %parallel_loop3A_341 : vector<16xf32>
        %parallel_loop3A_343 = arith.constant 14 : i32
        %parallel_loop3A_344 = vector.broadcast %parallel_loop3A_343 : i32 to vector<16xi32>
        %parallel_loop3A_345 = arith.addi %parallel_loop3A_276, %parallel_loop3A_344 : vector<16xi32>
        %parallel_loop3A_346 = tpu.vector_load_idx %arg10[%parallel_loop3A_345] : memref<1360xf32, #tpu.memory_space<vmem>>[vector<16xi32>], vector<16xf32>,
        %parallel_loop3A_347 = arith.addf %parallel_loop3A_342, %parallel_loop3A_346 : vector<16xf32>
        %parallel_loop3A_348 = arith.constant 15 : i32
        %parallel_loop3A_349 = vector.broadcast %parallel_loop3A_348 : i32 to vector<16xi32>
        %parallel_loop3A_350 = arith.addi %parallel_loop3A_276, %parallel_loop3A_349 : vector<16xi32>
        %parallel_loop3A_351 = tpu.vector_load_idx %arg10[%parallel_loop3A_350] : memref<1360xf32, #tpu.memory_space<vmem>>[vector<16xi32>], vector<16xf32>,
        %parallel_loop3A_352 = arith.addf %parallel_loop3A_347, %parallel_loop3A_351 : vector<16xf32>
        %parallel_loop3A_353 = arith.constant 0.000000e+00 : f32
        %parallel_loop3A_354 = vector.broadcast %parallel_loop3A_353 : f32 to vector<16xf32>
        %parallel_loop3A_355 = arith.subf %parallel_loop3A_354, %parallel_loop3A_352 : vector<16xf32>
        %parallel_loop3A_356 = math.exp %parallel_loop3A_355 : vector<16xf32>
        %parallel_loop3A_357 = arith.constant 1.000000e+00 : f32
        %parallel_loop3A_358 = vector.broadcast %parallel_loop3A_357 : f32 to vector<16xf32>
        %parallel_loop3A_359 = arith.addf %parallel_loop3A_358, %parallel_loop3A_356 : vector<16xf32>
        %parallel_loop3A_360 = arith.constant 1.000000e+00 : f32
        %parallel_loop3A_361 = vector.broadcast %parallel_loop3A_360 : f32 to vector<16xf32>
        %parallel_loop3A_362 = arith.divf %parallel_loop3A_361, %parallel_loop3A_359 : vector<16xf32>
        %parallel_loop3A_363 = arith.constant 16 : i32
        %parallel_loop3A_364 = arith.muli %parallel_loop3A_272, %parallel_loop3A_363 : i32
        %parallel_loop3A_365 = arith.index_cast %rem3A_209 : i32 to index
        %parallel_loop3A_366 = arith.index_cast %parallel_loop3A_364 : i32 to index
        %parallel_loop3A_367 = tpu.vector_load %arg9[%parallel_loop3A_365, %parallel_loop3A_366] {strides = array<i32>} : memref<5x80xf32, #tpu.memory_space<vmem>>, vector<16xf32>,
        tpu.vector_store %arg9[%parallel_loop3A_365, %parallel_loop3A_366], %parallel_loop3A_362 {strides = array<i32>} : memref<5x80xf32, #tpu.memory_space<vmem>>, vector<16xf32>,
      } {sc.loop_unroll_factor = 5 : i64, sc.parallel_access}
      %mul3A_252 = arith.constant 80 : i32
      %mul3A_253 = arith.muli %scan3A_208, %mul3A_252 : i32
      %add3A_254 = arith.addi %multiple_of3A, %mul3A_253 : i32
      %multiple_of3A_255 = tpu.assume_multiple %add3A_254, 8 : i32
      %dma_start3A_256 = arith.constant 0 : i32
      %dma_start3A_257 = tpu.memref_slice %arg9[%rem3A_209, %dma_start3A_256] : memref<5x80xf32, #tpu.memory_space<vmem>> -> memref<1x80xf32, #tpu.memory_space<vmem>>
      %dma_start3A_258 = tpu.memref_squeeze %dma_start3A_257 : memref<1x80xf32, #tpu.memory_space<vmem>> -> memref<80xf32, #tpu.memory_space<vmem>>
      %dma_start3A_259 = tpu.memref_slice %arg4[%multiple_of3A_255] : memref<320000xf32, #tpu.memory_space<hbm>> -> memref<80xf32, #tpu.memory_space<hbm>>
      %dma_start3A_260 = tpu.memref_slice %arg13[%rem3A_209] : memref<5x!tpu.dma_semaphore, #tpu.memory_space<semaphore_mem>> -> memref<1x!tpu.dma_semaphore, #tpu.memory_space<semaphore_mem>>
      %dma_start3A_261 = tpu.memref_squeeze %dma_start3A_260 : memref<1x!tpu.dma_semaphore, #tpu.memory_space<semaphore_mem>> -> memref<!tpu.dma_semaphore, #tpu.memory_space<semaphore_mem>>
      %dma_start3A_262 = tpu.memref_slice %arg4[%multiple_of3A_255] : memref<320000xf32, #tpu.memory_space<hbm>> -> memref<80xf32, #tpu.memory_space<hbm>>
      %dma_start3A_263 = arith.constant 0 : i32
      %dma_start3A_264 = tpu.memref_slice %arg9[%rem3A_209, %dma_start3A_263] : memref<5x80xf32, #tpu.memory_space<vmem>> -> memref<1x80xf32, #tpu.memory_space<vmem>>
      %dma_start3A_265 = tpu.memref_squeeze %dma_start3A_264 : memref<1x80xf32, #tpu.memory_space<vmem>> -> memref<80xf32, #tpu.memory_space<vmem>>
      tpu.enqueue_dma source(%dma_start3A_265 : memref<80xf32, #tpu.memory_space<vmem>>) target(%dma_start3A_262 : memref<80xf32, #tpu.memory_space<hbm>>) target_semaphore(%dma_start3A_261 : memref<!tpu.dma_semaphore, #tpu.memory_space<semaphore_mem>>)
      %add3A_266 = arith.constant 5 : i32
      %add3A_267 = arith.addi %scan3A_208, %add3A_266 : i32
      %lt3A = arith.constant 125 : i32
      %lt3A_268 = arith.cmpi slt, %add3A_267, %lt3A : i32
      %convert_element_type3A_269 = arith.extui %lt3A_268 : i1 to i32
      %cond3A_270 = arith.constant 0 : i32
      %cond3A_271 = arith.cmpi ne, %convert_element_type3A_269, %cond3A_270 : i32
      scf.if %cond3A_271 {
        %add3A_272 = arith.constant 5 : i32
        %add3A_273 = arith.addi %scan3A_208, %add3A_272 : i32
        %mul3A_274 = arith.constant 80 : i32
        %mul3A_275 = arith.muli %add3A_273, %mul3A_274 : i32
        %multiple_of3A_276 = tpu.assume_multiple %mul3A_275, 8 : i32
        %dma_start3A_277 = arith.constant 0 : i32
        %dma_start3A_278 = arith.constant 0 : i32
        %dma_start3A_279 = tpu.memref_slice %arg7[%rem3A_209, %dma_start3A_277, %dma_start3A_278] : memref<5x80x128xf32, #tpu.memory_space<vmem>> -> memref<1x80x128xf32, #tpu.memory_space<vmem>>
        %dma_start3A_280 = tpu.memref_squeeze %dma_start3A_279 : memref<1x80x128xf32, #tpu.memory_space<vmem>> -> memref<80x128xf32, #tpu.memory_space<vmem>>
        %dma_start3A_281 = tpu.memref_slice %arg5[%multiple_of3A_276] : memref<10000xi32, #tpu.memory_space<vmem>> -> memref<80xi32, #tpu.memory_space<vmem>>
        %dma_start3A_282 = arith.constant 0 : i32
        %dma_start3A_283 = arith.constant 0 : i32
        %dma_start3A_284 = tpu.memref_slice %arg2[%dma_start3A_282, %dma_start3A_283] : memref<10000x128xf32, #tpu.memory_space<hbm>> -> memref<10000x128xf32, #tpu.memory_space<hbm>>
        %dma_start3A_285 = tpu.memref_slice %arg11[%rem3A_209] : memref<5x!tpu.dma_semaphore, #tpu.memory_space<semaphore_mem>> -> memref<1x!tpu.dma_semaphore, #tpu.memory_space<semaphore_mem>>
        %dma_start3A_286 = tpu.memref_squeeze %dma_start3A_285 : memref<1x!tpu.dma_semaphore, #tpu.memory_space<semaphore_mem>> -> memref<!tpu.dma_semaphore, #tpu.memory_space<semaphore_mem>>
        tpu.enqueue_indirect_dma source(%dma_start3A_284 : memref<10000x128xf32, #tpu.memory_space<hbm>>) target(%dma_start3A_280 : memref<80x128xf32, #tpu.memory_space<vmem>>) offsets(%dma_start3A_281 : memref<80xi32, #tpu.memory_space<vmem>>) semaphore(%dma_start3A_286 : memref<!tpu.dma_semaphore, #tpu.memory_space<semaphore_mem>>)
        %dma_start3A_287 = arith.constant 0 : i32
        %dma_start3A_288 = arith.constant 0 : i32
        %dma_start3A_289 = tpu.memref_slice %arg8[%rem3A_209, %dma_start3A_287, %dma_start3A_288] : memref<5x80x128xf32, #tpu.memory_space<vmem>> -> memref<1x80x128xf32, #tpu.memory_space<vmem>>
        %dma_start3A_290 = tpu.memref_squeeze %dma_start3A_289 : memref<1x80x128xf32, #tpu.memory_space<vmem>> -> memref<80x128xf32, #tpu.memory_space<vmem>>
        %dma_start3A_291 = tpu.memref_slice %arg6[%multiple_of3A_276] : memref<10000xi32, #tpu.memory_space<vmem>> -> memref<80xi32, #tpu.memory_space<vmem>>
        %dma_start3A_292 = arith.constant 0 : i32
        %dma_start3A_293 = arith.constant 0 : i32
        %dma_start3A_294 = tpu.memref_slice %arg2[%dma_start3A_292, %dma_start3A_293] : memref<10000x128xf32, #tpu.memory_space<hbm>> -> memref<10000x128xf32, #tpu.memory_space<hbm>>
        %dma_start3A_295 = tpu.memref_slice %arg12[%rem3A_209] : memref<5x!tpu.dma_semaphore, #tpu.memory_space<semaphore_mem>> -> memref<1x!tpu.dma_semaphore, #tpu.memory_space<semaphore_mem>>
        %dma_start3A_296 = tpu.memref_squeeze %dma_start3A_295 : memref<1x!tpu.dma_semaphore, #tpu.memory_space<semaphore_mem>> -> memref<!tpu.dma_semaphore, #tpu.memory_space<semaphore_mem>>
        tpu.enqueue_indirect_dma source(%dma_start3A_294 : memref<10000x128xf32, #tpu.memory_space<hbm>>) target(%dma_start3A_290 : memref<80x128xf32, #tpu.memory_space<vmem>>) offsets(%dma_start3A_291 : memref<80xi32, #tpu.memory_space<vmem>>) semaphore(%dma_start3A_296 : memref<!tpu.dma_semaphore, #tpu.memory_space<semaphore_mem>>)
      } else {
      }
    }
    %scan3A_138 = arith.constant 125 : i32
    %dma_wait3A = arith.constant 0 : i32
    %dma_wait3A_139 = arith.constant 0 : i32
    %dma_wait3A_140 = arith.constant 0 : i32
    %dma_wait3A_141 = tpu.memref_slice %arg9[%dma_wait3A, %dma_wait3A_140] : memref<5x80xf32, #tpu.memory_space<vmem>> -> memref<1x80xf32, #tpu.memory_space<vmem>>
    %dma_wait3A_142 = tpu.memref_squeeze %dma_wait3A_141 : memref<1x80xf32, #tpu.memory_space<vmem>> -> memref<80xf32, #tpu.memory_space<vmem>>
    %dma_wait3A_143 = arith.constant 0 : i32
    %dma_wait3A_144 = tpu.memref_slice %arg4[%dma_wait3A_143] : memref<320000xf32, #tpu.memory_space<hbm>> -> memref<80xf32, #tpu.memory_space<hbm>>
    %dma_wait3A_145 = tpu.memref_slice %arg13[%dma_wait3A_139] : memref<5x!tpu.dma_semaphore, #tpu.memory_space<semaphore_mem>> -> memref<1x!tpu.dma_semaphore, #tpu.memory_space<semaphore_mem>>
    %dma_wait3A_146 = tpu.memref_squeeze %dma_wait3A_145 : memref<1x!tpu.dma_semaphore, #tpu.memory_space<semaphore_mem>> -> memref<!tpu.dma_semaphore, #tpu.memory_space<semaphore_mem>>
    %dma_wait3A_147 = arith.constant 0 : i32
    %dma_wait3A_148 = tpu.memref_slice %arg4[%dma_wait3A_147] : memref<320000xf32, #tpu.memory_space<hbm>> -> memref<80xf32, #tpu.memory_space<hbm>>
    %dma_wait3A_149 = arith.constant 0 : i32
    %dma_wait3A_150 = tpu.memref_slice %arg9[%dma_wait3A, %dma_wait3A_149] : memref<5x80xf32, #tpu.memory_space<vmem>> -> memref<1x80xf32, #tpu.memory_space<vmem>>
    %dma_wait3A_151 = tpu.memref_squeeze %dma_wait3A_150 : memref<1x80xf32, #tpu.memory_space<vmem>> -> memref<80xf32, #tpu.memory_space<vmem>>
    tpu.wait_dma2 semaphore(%dma_wait3A_146 : memref<!tpu.dma_semaphore, #tpu.memory_space<semaphore_mem>>) src(%dma_wait3A_151 : memref<80xf32, #tpu.memory_space<vmem>>) dst(%dma_wait3A_148 : memref<80xf32, #tpu.memory_space<hbm>>)
    %dma_wait3A_152 = arith.constant 1 : i32
    %dma_wait3A_153 = arith.constant 1 : i32
    %dma_wait3A_154 = arith.constant 0 : i32
    %dma_wait3A_155 = tpu.memref_slice %arg9[%dma_wait3A_152, %dma_wait3A_154] : memref<5x80xf32, #tpu.memory_space<vmem>> -> memref<1x80xf32, #tpu.memory_space<vmem>>
    %dma_wait3A_156 = tpu.memref_squeeze %dma_wait3A_155 : memref<1x80xf32, #tpu.memory_space<vmem>> -> memref<80xf32, #tpu.memory_space<vmem>>
    %dma_wait3A_157 = arith.constant 0 : i32
    %dma_wait3A_158 = tpu.memref_slice %arg4[%dma_wait3A_157] : memref<320000xf32, #tpu.memory_space<hbm>> -> memref<80xf32, #tpu.memory_space<hbm>>
    %dma_wait3A_159 = tpu.memref_slice %arg13[%dma_wait3A_153] : memref<5x!tpu.dma_semaphore, #tpu.memory_space<semaphore_mem>> -> memref<1x!tpu.dma_semaphore, #tpu.memory_space<semaphore_mem>>
    %dma_wait3A_160 = tpu.memref_squeeze %dma_wait3A_159 : memref<1x!tpu.dma_semaphore, #tpu.memory_space<semaphore_mem>> -> memref<!tpu.dma_semaphore, #tpu.memory_space<semaphore_mem>>
    %dma_wait3A_161 = arith.constant 0 : i32
    %dma_wait3A_162 = tpu.memref_slice %arg4[%dma_wait3A_161] : memref<320000xf32, #tpu.memory_space<hbm>> -> memref<80xf32, #tpu.memory_space<hbm>>
    %dma_wait3A_163 = arith.constant 0 : i32
    %dma_wait3A_164 = tpu.memref_slice %arg9[%dma_wait3A_152, %dma_wait3A_163] : memref<5x80xf32, #tpu.memory_space<vmem>> -> memref<1x80xf32, #tpu.memory_space<vmem>>
    %dma_wait3A_165 = tpu.memref_squeeze %dma_wait3A_164 : memref<1x80xf32, #tpu.memory_space<vmem>> -> memref<80xf32, #tpu.memory_space<vmem>>
    tpu.wait_dma2 semaphore(%dma_wait3A_160 : memref<!tpu.dma_semaphore, #tpu.memory_space<semaphore_mem>>) src(%dma_wait3A_165 : memref<80xf32, #tpu.memory_space<vmem>>) dst(%dma_wait3A_162 : memref<80xf32, #tpu.memory_space<hbm>>)
    %dma_wait3A_166 = arith.constant 2 : i32
    %dma_wait3A_167 = arith.constant 2 : i32
    %dma_wait3A_168 = arith.constant 0 : i32
    %dma_wait3A_169 = tpu.memref_slice %arg9[%dma_wait3A_166, %dma_wait3A_168] : memref<5x80xf32, #tpu.memory_space<vmem>> -> memref<1x80xf32, #tpu.memory_space<vmem>>
    %dma_wait3A_170 = tpu.memref_squeeze %dma_wait3A_169 : memref<1x80xf32, #tpu.memory_space<vmem>> -> memref<80xf32, #tpu.memory_space<vmem>>
    %dma_wait3A_171 = arith.constant 0 : i32
    %dma_wait3A_172 = tpu.memref_slice %arg4[%dma_wait3A_171] : memref<320000xf32, #tpu.memory_space<hbm>> -> memref<80xf32, #tpu.memory_space<hbm>>
    %dma_wait3A_173 = tpu.memref_slice %arg13[%dma_wait3A_167] : memref<5x!tpu.dma_semaphore, #tpu.memory_space<semaphore_mem>> -> memref<1x!tpu.dma_semaphore, #tpu.memory_space<semaphore_mem>>
    %dma_wait3A_174 = tpu.memref_squeeze %dma_wait3A_173 : memref<1x!tpu.dma_semaphore, #tpu.memory_space<semaphore_mem>> -> memref<!tpu.dma_semaphore, #tpu.memory_space<semaphore_mem>>
    %dma_wait3A_175 = arith.constant 0 : i32
    %dma_wait3A_176 = tpu.memref_slice %arg4[%dma_wait3A_175] : memref<320000xf32, #tpu.memory_space<hbm>> -> memref<80xf32, #tpu.memory_space<hbm>>
    %dma_wait3A_177 = arith.constant 0 : i32
    %dma_wait3A_178 = tpu.memref_slice %arg9[%dma_wait3A_166, %dma_wait3A_177] : memref<5x80xf32, #tpu.memory_space<vmem>> -> memref<1x80xf32, #tpu.memory_space<vmem>>
    %dma_wait3A_179 = tpu.memref_squeeze %dma_wait3A_178 : memref<1x80xf32, #tpu.memory_space<vmem>> -> memref<80xf32, #tpu.memory_space<vmem>>
    tpu.wait_dma2 semaphore(%dma_wait3A_174 : memref<!tpu.dma_semaphore, #tpu.memory_space<semaphore_mem>>) src(%dma_wait3A_179 : memref<80xf32, #tpu.memory_space<vmem>>) dst(%dma_wait3A_176 : memref<80xf32, #tpu.memory_space<hbm>>)
    %dma_wait3A_180 = arith.constant 3 : i32
    %dma_wait3A_181 = arith.constant 3 : i32
    %dma_wait3A_182 = arith.constant 0 : i32
    %dma_wait3A_183 = tpu.memref_slice %arg9[%dma_wait3A_180, %dma_wait3A_182] : memref<5x80xf32, #tpu.memory_space<vmem>> -> memref<1x80xf32, #tpu.memory_space<vmem>>
    %dma_wait3A_184 = tpu.memref_squeeze %dma_wait3A_183 : memref<1x80xf32, #tpu.memory_space<vmem>> -> memref<80xf32, #tpu.memory_space<vmem>>
    %dma_wait3A_185 = arith.constant 0 : i32
    %dma_wait3A_186 = tpu.memref_slice %arg4[%dma_wait3A_185] : memref<320000xf32, #tpu.memory_space<hbm>> -> memref<80xf32, #tpu.memory_space<hbm>>
    %dma_wait3A_187 = tpu.memref_slice %arg13[%dma_wait3A_181] : memref<5x!tpu.dma_semaphore, #tpu.memory_space<semaphore_mem>> -> memref<1x!tpu.dma_semaphore, #tpu.memory_space<semaphore_mem>>
    %dma_wait3A_188 = tpu.memref_squeeze %dma_wait3A_187 : memref<1x!tpu.dma_semaphore, #tpu.memory_space<semaphore_mem>> -> memref<!tpu.dma_semaphore, #tpu.memory_space<semaphore_mem>>
    %dma_wait3A_189 = arith.constant 0 : i32
    %dma_wait3A_190 = tpu.memref_slice %arg4[%dma_wait3A_189] : memref<320000xf32, #tpu.memory_space<hbm>> -> memref<80xf32, #tpu.memory_space<hbm>>
    %dma_wait3A_191 = arith.constant 0 : i32
    %dma_wait3A_192 = tpu.memref_slice %arg9[%dma_wait3A_180, %dma_wait3A_191] : memref<5x80xf32, #tpu.memory_space<vmem>> -> memref<1x80xf32, #tpu.memory_space<vmem>>
    %dma_wait3A_193 = tpu.memref_squeeze %dma_wait3A_192 : memref<1x80xf32, #tpu.memory_space<vmem>> -> memref<80xf32, #tpu.memory_space<vmem>>
    tpu.wait_dma2 semaphore(%dma_wait3A_188 : memref<!tpu.dma_semaphore, #tpu.memory_space<semaphore_mem>>) src(%dma_wait3A_193 : memref<80xf32, #tpu.memory_space<vmem>>) dst(%dma_wait3A_190 : memref<80xf32, #tpu.memory_space<hbm>>)
    %dma_wait3A_194 = arith.constant 4 : i32
    %dma_wait3A_195 = arith.constant 4 : i32
    %dma_wait3A_196 = arith.constant 0 : i32
    %dma_wait3A_197 = tpu.memref_slice %arg9[%dma_wait3A_194, %dma_wait3A_196] : memref<5x80xf32, #tpu.memory_space<vmem>> -> memref<1x80xf32, #tpu.memory_space<vmem>>
    %dma_wait3A_198 = tpu.memref_squeeze %dma_wait3A_197 : memref<1x80xf32, #tpu.memory_space<vmem>> -> memref<80xf32, #tpu.memory_space<vmem>>
    %dma_wait3A_199 = arith.constant 0 : i32
    %dma_wait3A_200 = tpu.memref_slice %arg4[%dma_wait3A_199] : memref<320000xf32, #tpu.memory_space<hbm>> -> memref<80xf32, #tpu.memory_space<hbm>>
    %dma_wait3A_201 = tpu.memref_slice %arg13[%dma_wait3A_195] : memref<5x!tpu.dma_semaphore, #tpu.memory_space<semaphore_mem>> -> memref<1x!tpu.dma_semaphore, #tpu.memory_space<semaphore_mem>>
    %dma_wait3A_202 = tpu.memref_squeeze %dma_wait3A_201 : memref<1x!tpu.dma_semaphore, #tpu.memory_space<semaphore_mem>> -> memref<!tpu.dma_semaphore, #tpu.memory_space<semaphore_mem>>
    %dma_wait3A_203 = arith.constant 0 : i32
    %dma_wait3A_204 = tpu.memref_slice %arg4[%dma_wait3A_203] : memref<320000xf32, #tpu.memory_space<hbm>> -> memref<80xf32, #tpu.memory_space<hbm>>
    %dma_wait3A_205 = arith.constant 0 : i32
    %dma_wait3A_206 = tpu.memref_slice %arg9[%dma_wait3A_194, %dma_wait3A_205] : memref<5x80xf32, #tpu.memory_space<vmem>> -> memref<1x80xf32, #tpu.memory_space<vmem>>
    %dma_wait3A_207 = tpu.memref_squeeze %dma_wait3A_206 : memref<1x80xf32, #tpu.memory_space<vmem>> -> memref<80xf32, #tpu.memory_space<vmem>>
    tpu.wait_dma2 semaphore(%dma_wait3A_202 : memref<!tpu.dma_semaphore, #tpu.memory_space<semaphore_mem>>) src(%dma_wait3A_207 : memref<80xf32, #tpu.memory_space<vmem>>) dst(%dma_wait3A_204 : memref<80xf32, #tpu.memory_space<hbm>>)
    return
  }
}

</mosaic_0001>

<sc_bundles>
// kernel: kernel.3.cloned.1.call-start
scs
__scs_entry_jumppad:
0x0: {  	(pc) =	sbr.rel $0x88, $3  }
0x1: {  	(tag) =	ssettag $0x0;
	lr =	simm.s32 $0x1  }
0x2: {  	[smem:$0x3F9F] =	sst lr;
	_ =	strace $0xD0000000  }
0x3: {  	_ = 	snop  }
0x4: {  	_ = 	snop  }
0x5: {  	_ = 	snop  }
0x6: {  	_ = 	snop  }
0x7: {  	_ = 	snop  }
__scs_overlays_trampoline_lowered:
0x8: {  	[smem:$0x3FAE] =	sst s0  }
0x9: {  	[smem:$0x3FAF] =	sst s1  }
0xa: {  	[smem:$0x3FB0] =	sst s2  }
0xb: {  	[smem:$0x3FB1] =	sst s3  }
0xc: {  	[smem:$0x3FB2] =	sst s4  }
0xd: {  	[smem:$0x3FB3] =	sst s5  }
0xe: {  	[smem:$0x3FB4] =	sst s6  }
0xf: {  	[smem:$0x3FB5] =	sst s7  }
0x10: {  	[smem:$0x3FB6] =	sst s8  }
0x11: {  	[smem:$0x3FB7] =	sst s9;
	s0 =	simm.s32 @!p0 $0x0  }
0x12: {  	s1 =	sld [smem:$0x3F9D];
	s0 =	simm.s32 @p0 $0x1  }
0x13: {  	[smem:$0x3FB8] =	sst s0;
	s0 =	simm.s32 @!p1 $0x0  }
0x14: {  	s2 =	sld [smem:$0x3F9C];
	s0 =	simm.s32 @p1 $0x1  }
0x15: {  	[smem:$0x3FB9] =	sst s0;
	s0 =	simm.s32 @!p2 $0x0  }
0x16: {  	s3 =	sld [smem:$0x3FDB];
	s0 =	simm.s32 @p2 $0x1  }
0x17: {  	s4 =	simm.s32 $0x1BF5;
	[smem:$0x3FBB] =	sst s0  }
0x18: {  	s0 =	sld [smem:$0x3F9E];
	_ =	swait.ge [sflag:s4], $0x0  }
0x19: {  	s7 =	sld [smem:$0x3F9F]  }
0x1a: {  	s8 =	sadd.s32 $0xFFFFE003, lr  }
0x1b: {  	s9 =	sadd.s32 $0xFFFFFEF7, lr;
	s5 =	simm.s32 $0xFFFFFFFF;
	p2 =	slt.u32 s8, $0xFFFFF086  }
0x1c: {  	p1 =	slt.u32 s9, $0xF7A;
	s5 =	simm.s32 @!p2 $0x0  }
0x1d: {  	s5 =	simm.s32 @p1 $0x1;
	p0 =	seq.s32 s7, s2  }
0x1e: {  	s7 =	smul.u32 @!p0 $0xF7A, s2;
	p2 =	seq.s32 @!p0 s5, $0x0  }
0x1f: {  	s9 =	smul.u32 $0xF7A, s1;
	s8 =	simm.s32 @!p0 $0x1BF5;
	p2 =	por !p2, p0  }
0x20: {  	[sflag:s8] =	ssyncset.s32 @!p0 $0xFFFFF086;
	s6 =	sadd.s32 @!p0 s3, s7;
	s7 =	simm.s32 @!p0 $0x108  }
0x21: {  	s3 =	sadd.s32 s3, s9;
	s6 =	sadd.s32 @!p0 $0x88, s6;
	s7 =	simm.s32 @p2 $0x1082  }
0x22: {  	[simem:s7], [sflag:s8] =	dma.local @!p0 [hbm:s6], $0xF7A  }
0x23: {  	s9 =	sor.u32 $0xD0000000, s2;
	s6 =	simm.s32 $0x108;
	_ =	swait.ge @!p0 [sflag:s8], $0x0  }
0x24: {  	s3 =	sadd.s32 $0x88, s3;
	s6 =	simm.s32 @!p1 $0x1082;
	[sflag:s4] =	ssyncset.s32 $0xFFFFF086  }
0x25: {  	[simem:s6], [sflag:s4] =	dma.local [hbm:s3], $0xF7A  }
0x26: {  	[smem:$0x3F9F] =	sst s1;
	(tag) =	ssettag s2;
	_ =	strace s9  }
0x27: {  	s1 =	sld [smem:$0x3FAF]  }
0x28: {  	s2 =	sld [smem:$0x3FB0]  }
0x29: {  	s4 =	sld [smem:$0x3FB2]  }
0x2a: {  	p0 =	seq.s32 s5, $0x0;
	s5 =	sld [smem:$0x3FB3]  }
0x2b: {  	s6 =	sld [smem:$0x3FB4]  }
0x2c: {  	s7 =	sld [smem:$0x3FB5]  }
0x2d: {  	s3 =	simm.s32 $0x108;
	s8 =	sld [smem:$0x3FB6]  }
0x2e: {  	s3 =	simm.s32 @!p0 $0x1082;
	s9 =	sld [smem:$0x3FB7]  }
0x2f: {  	lr =	sadd.s32 s0, s3;
	s0 =	sld [smem:$0x3FAE]  }
0x30: {  	s3 =	sld [smem:$0x3FB1]  }
0x31: {  	[smem:$0x3FBA] =	sst s10  }
0x32: {  	s10 =	sld [smem:$0x3FB8];
	_ =	sdelay $0x3  }
0x33: {  	p0 =	seq.s32 s10, $0x1;
	s10 =	sld [smem:$0x3FBA];
	_ =	sdelay $0x3  }
0x34: {  	[smem:$0x3FBA] =	sst s10  }
0x35: {  	s10 =	sld [smem:$0x3FB9];
	_ =	sdelay $0x3  }
0x36: {  	p1 =	seq.s32 s10, $0x1;
	s10 =	sld [smem:$0x3FBA];
	_ =	sdelay $0x3  }
0x37: {  	[smem:$0x3FBA] =	sst s10  }
0x38: {  	s10 =	sld [smem:$0x3FBB]  }
0x39: {  	_ = 	snop;
	(pc) =	sbr.ind lr, $3  }
0x3a: {  	_ = 	snop  }
0x3b: {  	_ = 	snop  }
0x3c: {  	p2 =	seq.s32 s10, $0x1;
	s10 =	sld [smem:$0x3FBA]  }
0x3d: {  	_ =	shalt  }
0x3e: {  	_ =	shalt  }
0x3f: {  	_ =	shalt  }
0x40: {  	_ =	shalt  }
0x41: {  	_ =	shalt  }
0x42: {  	_ =	shalt  }
0x43: {  	_ =	shalt  }
0x44: {  	_ =	shalt  }
0x45: {  	_ =	shalt  }
0x46: {  	_ =	shalt  }
0x47: {  	_ =	shalt  }
0x48: {  	_ =	shalt  }
0x49: {  	_ =	shalt  }
0x4a: {  	_ =	shalt  }
0x4b: {  	_ =	shalt  }
0x4c: {  	_ =	shalt  }
0x4d: {  	_ =	shalt  }
0x4e: {  	_ =	shalt  }
0x4f: {  	_ =	shalt  }
0x50: {  	_ =	shalt  }
0x51: {  	_ =	shalt  }
0x52: {  	_ =	shalt  }
0x53: {  	_ =	shalt  }
0x54: {  	_ =	shalt  }
0x55: {  	_ =	shalt  }
0x56: {  	_ =	shalt  }
0x57: {  	_ =	shalt  }
0x58: {  	_ =	shalt  }
0x59: {  	_ =	shalt  }
0x5a: {  	_ =	shalt  }
0x5b: {  	_ =	shalt  }
0x5c: {  	_ =	shalt  }
0x5d: {  	_ =	shalt  }
0x5e: {  	_ =	shalt  }
0x5f: {  	_ =	shalt  }
0x60: {  	_ =	shalt  }
0x61: {  	_ =	shalt  }
0x62: {  	_ =	shalt  }
0x63: {  	_ =	shalt  }
0x64: {  	_ =	shalt  }
0x65: {  	_ =	shalt  }
0x66: {  	_ =	shalt  }
0x67: {  	_ =	shalt  }
0x68: {  	_ =	shalt  }
0x69: {  	_ =	shalt  }
0x6a: {  	_ =	shalt  }
0x6b: {  	_ =	shalt  }
0x6c: {  	_ =	shalt  }
0x6d: {  	_ =	shalt  }
0x6e: {  	_ =	shalt  }
0x6f: {  	_ =	shalt  }
0x70: {  	_ =	shalt  }
0x71: {  	_ =	shalt  }
0x72: {  	_ =	shalt  }
0x73: {  	_ =	shalt  }
0x74: {  	_ =	shalt  }
0x75: {  	_ =	shalt  }
0x76: {  	_ =	shalt  }
0x77: {  	_ =	shalt  }
0x78: {  	_ =	shalt  }
0x79: {  	_ =	shalt  }
0x7a: {  	_ =	shalt  }
0x7b: {  	_ =	shalt  }
0x7c: {  	_ =	shalt  }
0x7d: {  	_ =	shalt  }
0x7e: {  	_ =	shalt  }
0x7f: {  	_ =	shalt  }
0x80: {  	_ =	shalt  }
0x81: {  	_ =	shalt  }
0x82: {  	_ =	shalt  }
0x83: {  	_ =	shalt  }
0x84: {  	_ =	shalt  }
0x85: {  	_ =	shalt  }
0x86: {  	_ =	shalt  }
0x87: {  	_ =	shalt  }
.Lfunc_end0:
.L_simem_size_0:
called_computation_lowered:
.L_overlay_start_0:
0x88: {  	s2 =	sld [smem:$0x3FD9]  }
0x89: {  	s3 =	sld [smem:$0x3FFE];
	_ =	sdelay $0x1  }
0x8a: {  	s1 =	srdreg.scid  }
0x8b: {  	s0 =	sand.u32 $0x1, s1  }
0x8c: {  	s17 =	sshll.u32 s0, $0xA;
	s2 =	sadd.s32 s3, s2  }
0x8d: {  	s2 =	sadd.s32 s2, s17  }
0x8e: {  	[smem:$0x3FC6] =	sst s2  }
0x8f: {  	_ = 	snop  }
0x90: {  	s2 =	sld [smem:$0x3FC9]  }
0x91: {  	s18 =	sld [smem:$0x3FD0];
	(tm) =	ssettm $0x1  }
0x92: {  	s4 =	sld [smem:$0x3FFB];
	_ =	sdelay $0x3  }
0x93: {  	_ =	strace s4  }
0x94: {  	s4 =	sld [smem:$0x3FFC];
	_ =	sdelay $0x3  }
0x95: {  	_ =	strace s4  }
0x96: {  	s4 =	sld [smem:$0x3FFD];
	_ =	sdelay $0x3  }
0x97: {  	_ =	strace s4  }
0x98: {  	_ =	strace $0x8FFFFFFF  }
0x99: {  	s19 =	sld [smem:$0x3FDB];
	_ =	sdelay $0x1  }
0x9a: {  	s5 =	simm.s32 $_scs_section_size  }
0x9b: {  	s6 =	simm.s32 $_size__tile_overlayer_lowered;
	s7 =	simm.s32 $_tile_overlayer_lowered  }
0x9c: {  	s22 =	simm.s32 $0x1BFF;
	s21 =	sshll.u32 s7, $0x1;
	s4 =	sadd.s32 s5, s19  }
0x9d: {  	s8 =	simm.s32 $0x0;
	s20 =	sshll.u32 s6, $0x1;
	s6 =	sadd.s32 s21, s4  }
0x9e: {  	[timem:s8], [sflag:s22] =	dma.local [hbm:s6], s20  }
0x9f: {  	_ =	swait.ge [sflag:s22], s20  }
0xa0: {  	s5 =	ssub.s32 $0x0, s20;
	[sflag:s22] =	ssyncset.done $0x0  }
0xa1: {  	[sflag:s22] =	ssyncadd.s32 s5;
	_ =	sdelay $0x1  }
0xa2: {  	s23 =	simm.s32 $0x1B8B  }
0xa3: {  	_ =	swait.ge [sflag:s23], $0x1  }
0xa4: {  	[sflag:s23] =	ssyncset.done $0x0  }
0xa5: {  	s25 =	simm.s32 $0x1B8E;
	s24 =	sld [smem:$0x3FFE];
	[sflag:s23] =	ssyncadd.s32 $0xFFFFFFFF  }
0xa6: {  	s26 =	simm.s32 $execute0_lowered;
	[smem:$0x3FD2] =	sst s25  }
0xa7: {  	s6 =	sshll.u32 s26, $0x1;
	_ =	strace $0x80000046;
	[dreg:$0x1] =	wrdreg $0xFFFFFFFF  }
0xa8: {  	s28 =	simm.s32 $_size_execute0_lowered;
	s4 =	sadd.s32 s4, s6;
	[dreg:$0x0] =	wrdreg $0x0  }
0xa9: {  	s6 =	sshll.u32 s28, $0x1;
	[dreg:$0x2] =	wrdreg s4  }
0xaa: {  	[dreg:$0x3] =	wrdreg s6  }
0xab: {  	[dreg:$0x4] =	wrdreg $0xC0  }
0xac: {  	_ =	task [dreg:s8], $0x5FFFF  }
0xad: {  	[dreg:$0x1] =	wrdreg $0xFFFFFFFF  }
0xae: {  	[dreg:$0x0] =	wrdreg $0x60  }
0xaf: {  	[dreg:$0x2] =	wrdreg s2  }
0xb0: {  	[dreg:$0x3] =	wrdreg s24  }
0xb1: {  	[dreg:$0x4] =	wrdreg s18  }
0xb2: {  	[dreg:$0x5] =	wrdreg $0x9  }
0xb3: {  	_ =	task.clear_ibuf [dreg:s8], $0x6FFFF;
	_ =	strace $0x90000046  }
0xb4: {  	s29 =	simm.s32 $0x9;
	_ =	strace $0x80000048  }
0xb5: {  	_ =	swait.ge [sflag:s29], $0x1  }
0xb6: {  	[sflag:s29] =	ssyncadd.s32 $0xFFFFFFFF  }
0xb7: {  	_ =	strace $0x90000048  }
0xb8: {  	_ =	sfence  }
0xb9: {  	s30 =	sld [smem:$0x0];
	_ =	sdelay $0x2  }
0xba: {  	s31 =	sshll.u32 s1, $0xD;
	s1 =	sshrl.u32 s1, $0x2  }
0xbb: {  	s3 =	sand.u32 $0x4000, s31;
	s1 =	sadd.s32 s1, s30  }
0xbc: {  	s0 =	sor.u32 s3, s0;
	s1 =	sshll.u32 s1, $0x11  }
0xbd: {  	s0 =	sor.u32 s1, s0  }
0xbe: {  	s0 =	sadd.s32 $0x8F2B, s0  }
0xbf: {  	[sflag:s0] =	ssyncadd.remote.s32 $0x1  }
0xc0: {  	_ =	sfence.sel $0xFFFF  }
0xc1: {  	[dreg:$0x0] =	wrdreg $0xFFFFFFFF;
	(pc) =	sbr.abs _section_cstart, $3  }
0xc2: {  	[dreg:$0x1] =	wrdreg $0xFFFFFFFF  }
0xc3: {  	_ =	task.clear_ibuf [dreg:s8], $0x2FFFF;
	_ =	strace $0x9FFFFFFF  }
0xc4: {  	(tm) =	ssettm $0x7FFFFFFF  }
0xc5: {  	_ =	shalt  }
tec
execute0_lowered:
.L_overlay_start_1:
0x0: {  	(tag) =	ssettag $0x1  }
0x1: {  	v0 =	vlaneseq.u32;
	s1 =	rddreg [dreg:$0x0]  }
0x2: {  	s4 =	rddreg [dreg:$0x1];
	s3 =	simm.s32 $0x0;
	v16 =	vmul.u32 $0x11, v0  }
0x3: {  	[smem:$0x7FF] =	sst s3  }
0x4: {  	s7 =	rddreg [dreg:$0x2];
	_ =	strace $0x80000047;
	v0 =	vadd.s32 $0x331, v16;
	[tilespmem:$0x1FCB0] =	vst v16  }
0x5: {  	v14 =	vadd.s32 $0x332, v16;
	[tilespmem:$0x1FC00] =	vst v0  }
0x6: {  	v4 =	vadd.s32 $0x333, v16;
	[tilespmem:$0x1FC10] =	vst v14  }
0x7: {  	v5 =	vadd.s32 $0x334, v16;
	[tilespmem:$0x1FC20] =	vst v4  }
0x8: {  	v6 =	vadd.s32 $0x335, v16;
	[tilespmem:$0x1FC30] =	vst v5  }
0x9: {  	v7 =	vadd.s32 $0x336, v16;
	[tilespmem:$0x1FC40] =	vst v6  }
0xa: {  	v8 =	vadd.s32 $0x337, v16;
	[tilespmem:$0x1FC50] =	vst v7  }
0xb: {  	v9 =	vadd.s32 $0x338, v16;
	[tilespmem:$0x1FC60] =	vst v8  }
0xc: {  	v10 =	vadd.s32 $0x33A, v16;
	[tilespmem:$0x1FC70] =	vst v9  }
0xd: {  	v11 =	vadd.s32 $0x33C, v16;
	[tilespmem:$0x1FC80] =	vst v10  }
0xe: {  	v12 =	vadd.s32 $0x33D, v16;
	[tilespmem:$0x1FC90] =	vst v11  }
0xf: {  	v17 =	vadd.s32 $0x1, v16;
	[tilespmem:$0x1FCA0] =	vst v12  }
0x10: {  	v18 =	vadd.s32 $0x2, v16;
	[tilespmem:$0x1FCC0] =	vst v17  }
0x11: {  	v19 =	vadd.s32 $0x3, v16;
	[tilespmem:$0x1FCD0] =	vst v18  }
0x12: {  	v20 =	vadd.s32 $0x4, v16;
	[tilespmem:$0x1FCE0] =	vst v19  }
0x13: {  	v21 =	vadd.s32 $0x5, v16;
	[tilespmem:$0x1FCF0] =	vst v20  }
0x14: {  	v22 =	vadd.s32 $0x6, v16;
	[tilespmem:$0x1FD00] =	vst v21  }
0x15: {  	v23 =	vadd.s32 $0x7, v16;
	[tilespmem:$0x1FD10] =	vst v22  }
0x16: {  	v24 =	vadd.s32 $0x8, v16;
	[tilespmem:$0x1FD20] =	vst v23  }
0x17: {  	v25 =	vadd.s32 $0x9, v16;
	[tilespmem:$0x1FD30] =	vst v24  }
0x18: {  	v26 =	vadd.s32 $0xA, v16;
	[tilespmem:$0x1FD40] =	vst v25  }
0x19: {  	v27 =	vadd.s32 $0xB, v16;
	[tilespmem:$0x1FD50] =	vst v26  }
0x1a: {  	v28 =	vadd.s32 $0xC, v16;
	[tilespmem:$0x1FD60] =	vst v27  }
0x1b: {  	v29 =	vadd.s32 $0xD, v16;
	[tilespmem:$0x1FD70] =	vst v28  }
0x1c: {  	v30 =	vadd.s32 $0xE, v16;
	[tilespmem:$0x1FD80] =	vst v29  }
0x1d: {  	v31 =	vadd.s32 $0xF, v16;
	[tilespmem:$0x1FD90] =	vst v30  }
0x1e: {  	v32 =	vadd.s32 $0x110, v16;
	[tilespmem:$0x1FDA0] =	vst v31  }
0x1f: {  	v33 =	vadd.s32 $0x111, v16;
	[tilespmem:$0x1FDB0] =	vst v32  }
0x20: {  	v34 =	vadd.s32 $0x112, v16;
	[tilespmem:$0x1FDC0] =	vst v33  }
0x21: {  	v35 =	vadd.s32 $0x113, v16;
	[tilespmem:$0x1FDD0] =	vst v34  }
0x22: {  	v36 =	vadd.s32 $0x114, v16;
	[tilespmem:$0x1FDE0] =	vst v35  }
0x23: {  	v37 =	vadd.s32 $0x115, v16;
	[tilespmem:$0x1FDF0] =	vst v36  }
0x24: {  	v38 =	vadd.s32 $0x116, v16;
	[tilespmem:$0x1FE00] =	vst v37  }
0x25: {  	v39 =	vadd.s32 $0x117, v16;
	[tilespmem:$0x1FE10] =	vst v38  }
0x26: {  	v40 =	vadd.s32 $0x118, v16;
	[tilespmem:$0x1FE20] =	vst v39  }
0x27: {  	v41 =	vadd.s32 $0x119, v16;
	[tilespmem:$0x1FE30] =	vst v40  }
0x28: {  	v42 =	vadd.s32 $0x11A, v16;
	[tilespmem:$0x1FE40] =	vst v41  }
0x29: {  	v43 =	vadd.s32 $0x11B, v16;
	[tilespmem:$0x1FE50] =	vst v42  }
0x2a: {  	v44 =	vadd.s32 $0x11C, v16;
	[tilespmem:$0x1FE60] =	vst v43  }
0x2b: {  	v45 =	vadd.s32 $0x11D, v16;
	[tilespmem:$0x1FE70] =	vst v44  }
0x2c: {  	v46 =	vadd.s32 $0x11E, v16;
	[tilespmem:$0x1FE80] =	vst v45  }
0x2d: {  	v47 =	vadd.s32 $0x11F, v16;
	[tilespmem:$0x1FE90] =	vst v46  }
0x2e: {  	v48 =	vadd.s32 $0x220, v16;
	[tilespmem:$0x1FEA0] =	vst v47  }
0x2f: {  	v49 =	vadd.s32 $0x221, v16;
	[tilespmem:$0x1FEB0] =	vst v48  }
0x30: {  	v50 =	vadd.s32 $0x222, v16;
	[tilespmem:$0x1FEC0] =	vst v49  }
0x31: {  	v51 =	vadd.s32 $0x223, v16;
	[tilespmem:$0x1FED0] =	vst v50  }
0x32: {  	v15 =	vadd.s32 $0x224, v16;
	[tilespmem:$0x1FEE0] =	vst v51  }
0x33: {  	v52 =	vadd.s32 $0x225, v16;
	[tilespmem:$0x1FEF0] =	vst v15  }
0x34: {  	v53 =	vadd.s32 $0x226, v16;
	[tilespmem:$0x1FF00] =	vst v52  }
0x35: {  	v54 =	vadd.s32 $0x227, v16;
	[tilespmem:$0x1FF10] =	vst v53  }
0x36: {  	v55 =	vadd.s32 $0x228, v16;
	[tilespmem:$0x1FF20] =	vst v54  }
0x37: {  	v56 =	vadd.s32 $0x229, v16;
	[tilespmem:$0x1FF30] =	vst v55  }
0x38: {  	s0 =	srdreg.scid;
	s5 =	stileid.u32;
	v57 =	vadd.s32 $0x22A, v16;
	[tilespmem:$0x1FF40] =	vst v56  }
0x39: {  	s9 =	simm.s32 $0x2780;
	s10 =	simm.s32 $0x50;
	s22 =	simm.s32 $0x2870;
	v58 =	vadd.s32 $0x22B, v16;
	[tilespmem:$0x1FF50] =	vst v57  }
0x3a: {  	s23 =	simm.s32 $0x18F00;
	s24 =	simm.s32 $0x140;
	s25 =	simm.s32 $0xEF00;
	v59 =	vadd.s32 $0x22C, v16;
	[tilespmem:$0x1FF60] =	vst v58  }
0x3b: {  	s28 =	simm.s32 $0x1B700;
	s29 =	simm.s32 $0x1E300;
	s30 =	simm.s32 $0xB;
	v60 =	vadd.s32 $0x22D, v16;
	[tilespmem:$0x1FF70] =	vst v59  }
0x3c: {  	s0 =	sand.u32 $0x1, s0;
	s2 =	sshll.u32 s5, $0x1;
	s5 =	smul.u32 $0x4E20, s5;
	v61 =	vadd.s32 $0x22E, v16;
	[tilespmem:$0x1FF80] =	vst v60  }
0x3d: {  	s31 =	simm.s32 $0xC;
	s2 =	sor.u32 s0, s2;
	s6 =	smul.u32 $0x2710, s0;
	v62 =	vadd.s32 $0x22F, v16;
	[tilespmem:$0x1FF90] =	vst v61  }
0x3e: {  	s11 =	simm.s32 $0xF;
	s0 =	ssub.s32 $0x2, s0;
	s2 =	smul.u32 $0x2710, s2;
	v63 =	vadd.s32 $0x330, v16;
	[tilespmem:$0x1FFA0] =	vst v62  }
0x3f: {  	s12 =	simm.s32 $0x0;
	s26 =	sshrl.u32 s0, $0x1;
	v13 =	vadd.s32 $0x339, v16;
	s5 =	sadd.s32 s6, s5;
	[tilespmem:$0x1FFB0] =	vst v63  }
0x40: {  	s0 =	ssub.s32 s0, s26;
	s26 =	simm.s32 $0x28C0;
	v14 =	vadd.s32 $0x33B, v16;
	[tilespmem:$0x1FFC0] =	vst v13;
	s2 =	sshrl.u32 s2, $0x3  }
0x41: {  	v10 =	vadd.s32 $0x33E, v16;
	s8 =	sshrl.u32 s5, $0x3;
	s6 =	smax.u32 s0, $0x1;
	s0 =	simm.s32 $0xE;
	[tilespmem:$0x1FFD0] =	vst v14  }
0x42: {  	v12 =	vadd.s32 $0x33F, v16;
	[tilespmem:$0x1FFE0] =	vst v10;
	s2 =	sadd.s32 s2, s4;
	s15 =	sadd.s32 s8, s7;
	s8 =	simm.s32 $0x10  }
0x43: {  	[tilespmem:$0x1FFF0] =	vst v12;
	s4 =	sadd.s32 $0x400, s2;
	s5 =	sadd.s32 $0xA040, s2;
	s2 =	simm.s32 $0xD  }
.LBB2_1:
0x44: {  	[tilespmem:s3], [sflag:$0x10] =	stream.linear.gather [hbm4b:s4+s3], $0x2710, $0x38;
	[tilespmem:$0x1E880] =	vst v63  }
0x45: {  	_ =	swait.ge [sflag:s8], $0x2710  }
0x46: {  	[sflag:s8] =	ssyncset.done $0x0  }
0x47: {  	[sflag:s8] =	ssyncadd.s32 $0xFFFFD8F0  }
0x48: {  	[tilespmem:s9], [sflag:$0x10] =	stream.linear.gather [hbm4b:s5+s3], $0x2710, $0x38;
	[tilespmem:$0x1E880] =	vst v63  }
0x49: {  	_ =	swait.ge [sflag:s8], $0x2710  }
0x4a: {  	[sflag:s8] =	ssyncset.done $0x0  }
0x4b: {  	s7 =	simm.s32 $0x4F00;
	[sflag:s8] =	ssyncadd.s32 $0xFFFFD8F0  }
0x4c: {  	[tilespmem:s7], [sflag:$0x1] =	stream.indirect.gather [hbm4b:s1+s10], $0x80, s3, s10, $0xb8;
	[tilespmem:$0x1E880] =	vst v63  }
0x4d: {  	s21 =	simm.s32 $0x11700  }
0x4e: {  	[tilespmem:s21], [sflag:$0x6] =	stream.indirect.gather [hbm4b:s1+s10], $0x80, s9, s10, $0xb8;
	[tilespmem:$0x1E880] =	vst v63  }
0x4f: {  	s13 =	simm.s32 $0x7700  }
0x50: {  	[tilespmem:s13], [sflag:$0x2] =	stream.indirect.gather [hbm4b:s1+s10], $0x80, s10, s10, $0xb8;
	[tilespmem:$0x1E880] =	vst v63  }
0x51: {  	s14 =	simm.s32 $0x27D0;
	s13 =	simm.s32 $0x13F00  }
0x52: {  	[tilespmem:s13], [sflag:$0x7] =	stream.indirect.gather [hbm4b:s1+s10], $0x80, s14, s10, $0xb8;
	[tilespmem:$0x1E880] =	vst v63  }
0x53: {  	s16 =	simm.s32 $0xA0;
	s17 =	simm.s32 $0x9F00  }
0x54: {  	[tilespmem:s17], [sflag:$0x3] =	stream.indirect.gather [hbm4b:s1+s10], $0x80, s16, s10, $0xb8;
	[tilespmem:$0x1E880] =	vst v63  }
0x55: {  	s18 =	simm.s32 $0x2820;
	s19 =	simm.s32 $0x16700  }
0x56: {  	[tilespmem:s19], [sflag:$0x8] =	stream.indirect.gather [hbm4b:s1+s10], $0x80, s18, s10, $0xb8;
	[tilespmem:$0x1E880] =	vst v63  }
0x57: {  	s20 =	simm.s32 $0xF0;
	s21 =	simm.s32 $0xC700  }
0x58: {  	[tilespmem:s21], [sflag:$0x4] =	stream.indirect.gather [hbm4b:s1+s10], $0x80, s20, s10, $0xb8;
	[tilespmem:$0x1E880] =	vst v63  }
0x59: {  	_ = 	snop  }
0x5a: {  	[tilespmem:s23], [sflag:$0x9] =	stream.indirect.gather [hbm4b:s1+s10], $0x80, s22, s10, $0xb8;
	[tilespmem:$0x1E880] =	vst v63  }
0x5b: {  	s7 =	smov.u32 s15  }
0x5c: {  	[tilespmem:s25], [sflag:$0x5] =	stream.indirect.gather [hbm4b:s1+s10], $0x80, s24, s10, $0xb8;
	[tilespmem:$0x1E880] =	vst v63  }
0x5d: {  	s13 =	simm.s32 $0x190;
	s14 =	simm.s32 $0x2910;
	s16 =	simm.s32 $0x0  }
0x5e: {  	[tilespmem:s28], [sflag:$0xA] =	stream.indirect.gather [hbm4b:s1+s10], $0x80, s26, s10, $0xb8;
	[tilespmem:$0x1E880] =	vst v63  }
.LBB2_2:
0x5f: {  	s17 =	smul.u32 $0xCD, s16;
	_ =	sdelay $0x1  }
0x60: {  	s17 =	sshrl.u32 s17, $0xA  }
0x61: {  	s17 =	sand.u32 $0x3F, s17  }
0x62: {  	s17 =	smul.u32 $0x5, s17;
	_ =	sdelay $0x1  }
0x63: {  	s17 =	ssub.s32 s16, s17  }
0x64: {  	s19 =	sand.u32 $0xFF, s17  }
0x65: {  	s17 =	sadd.s32 $0x1, s19  }
0x66: {  	_ =	swait.ge [sflag:s17], $0x2800  }
0x67: {  	[sflag:s17] =	ssyncset.done $0x0  }
0x68: {  	s18 =	sadd.s32 $0x6, s19;
	[sflag:s17] =	ssyncadd.s32 $0xFFFFD800  }
0x69: {  	_ =	swait.ge [sflag:s18], $0x2800  }
0x6a: {  	p0 =	slt.u32 s16, $0x5;
	[sflag:s18] =	ssyncset.done $0x0  }
0x6b: {  	s21 =	sadd.s32 @!p0 $0xB, s19;
	[sflag:s18] =	ssyncadd.s32 $0xFFFFD800  }
0x6c: {  	_ =	swait.ge @!p0 [sflag:s21], $0x50  }
0x6d: {  	s20 =	smul.u32 $0x2800, s19;
	[sflag:s21] =	ssyncset.done @!p0 $0x0  }
0x6e: {  	[sflag:s21] =	ssyncadd.s32 @!p0 $0xFFFFFFB0  }
0x6f: {  	v0 =	vld [tilespmem:s20+$0x4F00]  }
0x70: {  	v1 =	vld [tilespmem:s20+$0x11700]  }
0x71: {  	v2 =	vld [tilespmem:s20+$0x4F40]  }
0x72: {  	v3 =	vld [tilespmem:s20+$0x11740]  }
0x73: {  	v4 =	vld [tilespmem:s20+$0x4F10]  }
0x74: {  	v5 =	vld [tilespmem:s20+$0x11710]  }
0x75: {  	v6 =	vld [tilespmem:s20+$0x4F50]  }
0x76: {  	v7 =	vld [tilespmem:s20+$0x11750]  }
0x77: {  	v8 =	vld [tilespmem:s20+$0x4F20]  }
0x78: {  	v9 =	vld [tilespmem:s20+$0x11720]  }
0x79: {  	v10 =	vld [tilespmem:s20+$0x4F60]  }
0x7a: {  	v11 =	vld [tilespmem:s20+$0x11760]  }
0x7b: {  	v12 =	vld [tilespmem:s20+$0x4F30]  }
0x7c: {  	v13 =	vld [tilespmem:s20+$0x11730]  }
0x7d: {  	v14 =	vld [tilespmem:s20+$0x4F70]  }
0x7e: {  	v48 =	vld [tilespmem:s20+$0x11770];
	v0 =	vmul.f32 v1, v0;
	v47 =	vmul.f32 v5, v4  }
0x7f: {  	v2 =	vmul.f32 v3, v2;
	v49 =	vmul.f32 v7, v6  }
0x80: {  	v50 =	vmul.f32 v9, v8  }
0x81: {  	v51 =	vmul.f32 v11, v10;
	v0 =	vadd.f32 v47, v0;
	v2 =	vadd.f32 v49, v2  }
0x82: {  	v53 =	vmul.f32 v13, v12  }
0x83: {  	v54 =	vmul.f32 v48, v14;
	v0 =	vadd.f32 v50, v0;
	v52 =	vadd.f32 v51, v2;
	_ =	sdelay $0x1  }
0x84: {  	v0 =	vadd.f32 v53, v0;
	v1 =	vadd.f32 v54, v52;
	_ =	sdelay $0x1  }
0x85: {  	v0 =	vadd.f32 v1, v0;
	_ =	sdelay $0x1  }
0x86: {  	[tilespmem:$0x1E300] =	vst v0  }
0x87: {  	v0 =	vld [tilespmem:s20+$0x5700]  }
0x88: {  	v55 =	vld [tilespmem:s20+$0x11F00]  }
0x89: {  	v56 =	vld [tilespmem:s20+$0x5740]  }
0x8a: {  	v57 =	vld [tilespmem:s20+$0x11F40]  }
0x8b: {  	v58 =	vld [tilespmem:s20+$0x5710]  }
0x8c: {  	v59 =	vld [tilespmem:s20+$0x11F10]  }
0x8d: {  	v60 =	vld [tilespmem:s20+$0x5750]  }
0x8e: {  	v61 =	vld [tilespmem:s20+$0x11F50]  }
0x8f: {  	v62 =	vld [tilespmem:s20+$0x5720]  }
0x90: {  	v63 =	vld [tilespmem:s20+$0x11F20]  }
0x91: {  	v16 =	vld [tilespmem:s20+$0x5760]  }
0x92: {  	v17 =	vld [tilespmem:s20+$0x11F60]  }
0x93: {  	v18 =	vld [tilespmem:s20+$0x5730]  }
0x94: {  	v19 =	vld [tilespmem:s20+$0x11F30]  }
0x95: {  	v20 =	vld [tilespmem:s20+$0x5770]  }
0x96: {  	v22 =	vld [tilespmem:s20+$0x11F70];
	v0 =	vmul.f32 v55, v0;
	v21 =	vmul.f32 v59, v58  }
0x97: {  	v2 =	vmul.f32 v57, v56;
	v23 =	vmul.f32 v61, v60  }
0x98: {  	v24 =	vmul.f32 v63, v62  }
0x99: {  	v25 =	vmul.f32 v17, v16;
	v0 =	vadd.f32 v21, v0;
	v2 =	vadd.f32 v23, v2  }
0x9a: {  	v27 =	vmul.f32 v19, v18  }
0x9b: {  	v28 =	vmul.f32 v22, v20;
	v0 =	vadd.f32 v24, v0;
	v26 =	vadd.f32 v25, v2;
	_ =	sdelay $0x1  }
0x9c: {  	v44 =	vld [tilespmem:s20+$0x4FE0];
	v0 =	vadd.f32 v27, v0;
	v1 =	vadd.f32 v28, v26  }
0x9d: {  	v46 =	vld [tilespmem:s20+$0x117E0]  }
0x9e: {  	v48 =	vld [tilespmem:s20+$0x4FB0];
	v0 =	vadd.f32 v1, v0  }
0x9f: {  	v50 =	vld [tilespmem:s20+$0x117B0]  }
0xa0: {  	v53 =	vld [tilespmem:s20+$0x4FF0];
	[tilespmem:$0x1E410] =	vst v0  }
0xa1: {  	v0 =	vld [tilespmem:s20+$0x5F00]  }
0xa2: {  	v29 =	vld [tilespmem:s20+$0x12700]  }
0xa3: {  	v30 =	vld [tilespmem:s20+$0x5F40]  }
0xa4: {  	v31 =	vld [tilespmem:s20+$0x12740]  }
0xa5: {  	v32 =	vld [tilespmem:s20+$0x5F10]  }
0xa6: {  	v33 =	vld [tilespmem:s20+$0x12710]  }
0xa7: {  	v34 =	vld [tilespmem:s20+$0x5F50]  }
0xa8: {  	v35 =	vld [tilespmem:s20+$0x12750]  }
0xa9: {  	v36 =	vld [tilespmem:s20+$0x5F20]  }
0xaa: {  	v37 =	vld [tilespmem:s20+$0x12720]  }
0xab: {  	v38 =	vld [tilespmem:s20+$0x5F60]  }
0xac: {  	v39 =	vld [tilespmem:s20+$0x12760]  }
0xad: {  	v40 =	vld [tilespmem:s20+$0x5F30]  }
0xae: {  	v41 =	vld [tilespmem:s20+$0x12730]  }
0xaf: {  	v42 =	vld [tilespmem:s20+$0x5F70]  }
0xb0: {  	v15 =	vld [tilespmem:s20+$0x12770];
	v0 =	vmul.f32 v29, v0;
	v43 =	vmul.f32 v33, v32  }
0xb1: {  	v16 =	vld [tilespmem:s20+$0x4F80];
	v2 =	vmul.f32 v31, v30;
	v45 =	vmul.f32 v35, v34  }
0xb2: {  	v18 =	vld [tilespmem:s20+$0x11780];
	v47 =	vmul.f32 v37, v36  }
0xb3: {  	v19 =	vld [tilespmem:s20+$0x4FC0];
	v49 =	vmul.f32 v39, v38;
	v0 =	vadd.f32 v43, v0;
	v2 =	vadd.f32 v45, v2  }
0xb4: {  	v20 =	vld [tilespmem:s20+$0x117C0];
	v51 =	vmul.f32 v41, v40  }
0xb5: {  	v22 =	vld [tilespmem:s20+$0x11790];
	v52 =	vmul.f32 v15, v42;
	v0 =	vadd.f32 v47, v0;
	v2 =	vadd.f32 v49, v2  }
0xb6: {  	v21 =	vld [tilespmem:s20+$0x4F90]  }
0xb7: {  	v23 =	vld [tilespmem:s20+$0x4FD0];
	v0 =	vadd.f32 v51, v0;
	v2 =	vadd.f32 v52, v2  }
0xb8: {  	v24 =	vld [tilespmem:s20+$0x117D0]  }
0xb9: {  	v25 =	vld [tilespmem:s20+$0x4FA0];
	v0 =	vadd.f32 v2, v0  }
0xba: {  	v26 =	vld [tilespmem:s20+$0x117A0]  }
0xbb: {  	v56 =	vld [tilespmem:s20+$0x117F0];
	[tilespmem:$0x1E520] =	vst v0  }
0xbc: {  	v0 =	vld [tilespmem:s20+$0x6700]  }
0xbd: {  	v54 =	vmul.f32 v18, v16;
	v57 =	vmul.f32 v20, v19;
	v63 =	vld [tilespmem:s20+$0x12F00]  }
0xbe: {  	v55 =	vmul.f32 v22, v21;
	v58 =	vmul.f32 v24, v23;
	v24 =	vld [tilespmem:s20+$0x6740]  }
0xbf: {  	v59 =	vmul.f32 v26, v25;
	v25 =	vld [tilespmem:s20+$0x12F40]  }
0xc0: {  	v4 =	vmul.f32 v46, v44;
	v3 =	vadd.f32 v55, v54;
	v1 =	vadd.f32 v58, v57;
	v26 =	vld [tilespmem:s20+$0x6710]  }
0xc1: {  	v61 =	vmul.f32 v50, v48;
	v43 =	vld [tilespmem:s20+$0x12F10]  }
0xc2: {  	v62 =	vmul.f32 v56, v53;
	v60 =	vadd.f32 v59, v3;
	v1 =	vadd.f32 v4, v1;
	v45 =	vld [tilespmem:s20+$0x6750]  }
0xc3: {  	v47 =	vld [tilespmem:s20+$0x12F50]  }
0xc4: {  	v1 =	vadd.f32 v62, v1;
	v2 =	vadd.f32 v61, v60;
	v49 =	vld [tilespmem:s20+$0x6720]  }
0xc5: {  	v50 =	vld [tilespmem:s20+$0x12F20]  }
0xc6: {  	v1 =	vadd.f32 v1, v2;
	v52 =	vld [tilespmem:s20+$0x6760]  }
0xc7: {  	v53 =	vld [tilespmem:s20+$0x12F60]  }
0xc8: {  	v54 =	vld [tilespmem:s20+$0x6730];
	[tilespmem:$0x1E311] =	vst v1  }
0xc9: {  	v1 =	vld [tilespmem:s20+$0x5780]  }
0xca: {  	v27 =	vld [tilespmem:s20+$0x11F80]  }
0xcb: {  	v28 =	vld [tilespmem:s20+$0x57C0]  }
0xcc: {  	v29 =	vld [tilespmem:s20+$0x11FC0]  }
0xcd: {  	v30 =	vld [tilespmem:s20+$0x5790]  }
0xce: {  	v31 =	vld [tilespmem:s20+$0x11F90]  }
0xcf: {  	v32 =	vld [tilespmem:s20+$0x57D0]  }
0xd0: {  	v33 =	vld [tilespmem:s20+$0x11FD0]  }
0xd1: {  	v34 =	vld [tilespmem:s20+$0x57A0]  }
0xd2: {  	v35 =	vld [tilespmem:s20+$0x11FA0]  }
0xd3: {  	v36 =	vld [tilespmem:s20+$0x57E0]  }
0xd4: {  	v37 =	vld [tilespmem:s20+$0x11FE0]  }
0xd5: {  	v38 =	vld [tilespmem:s20+$0x57B0]  }
0xd6: {  	v39 =	vld [tilespmem:s20+$0x11FB0];
	v0 =	vmul.f32 v63, v0  }
0xd7: {  	v40 =	vld [tilespmem:s20+$0x57F0];
	v62 =	vmul.f32 v43, v26;
	v2 =	vmul.f32 v25, v24  }
0xd8: {  	v42 =	vld [tilespmem:s20+$0x11FF0];
	v1 =	vmul.f32 v27, v1;
	v41 =	vmul.f32 v31, v30  }
0xd9: {  	v55 =	vld [tilespmem:s20+$0x12F30];
	v7 =	vmul.f32 v29, v28;
	v44 =	vmul.f32 v33, v32  }
0xda: {  	v56 =	vld [tilespmem:s20+$0x6770];
	v23 =	vmul.f32 v50, v49;
	v46 =	vmul.f32 v35, v34  }
0xdb: {  	v57 =	vld [tilespmem:s20+$0x12F70];
	v48 =	vmul.f32 v37, v36;
	v1 =	vadd.f32 v41, v1;
	v7 =	vadd.f32 v44, v7  }
0xdc: {  	v25 =	vmul.f32 v53, v52;
	v52 =	vld [tilespmem:s20+$0x5000];
	v51 =	vmul.f32 v39, v38;
	v0 =	vadd.f32 v62, v0  }
0xdd: {  	v53 =	vld [tilespmem:s20+$0x11800];
	v9 =	vmul.f32 v42, v40;
	v1 =	vadd.f32 v46, v1;
	v7 =	vadd.f32 v48, v7  }
0xde: {  	v28 =	vmul.f32 v55, v54;
	v54 =	vld [tilespmem:s20+$0x5040];
	v0 =	vadd.f32 v23, v0  }
0xdf: {  	v55 =	vld [tilespmem:s20+$0x11840];
	v1 =	vadd.f32 v51, v1;
	v7 =	vadd.f32 v9, v7  }
0xe0: {  	v62 =	vld [tilespmem:s20+$0x5060]  }
0xe1: {  	v0 =	vadd.f32 v28, v0;
	v28 =	vld [tilespmem:s20+$0x5030];
	v1 =	vadd.f32 v7, v1  }
0xe2: {  	v7 =	vmul.f32 v57, v56;
	v56 =	vld [tilespmem:s20+$0x5010]  }
0xe3: {  	v57 =	vld [tilespmem:s20+$0x11810];
	[tilespmem:$0x1E421] =	vst v1  }
0xe4: {  	v1 =	vld [tilespmem:s20+$0x5F80]  }
0xe5: {  	v58 =	vld [tilespmem:s20+$0x12780]  }
0xe6: {  	v59 =	vld [tilespmem:s20+$0x5FC0]  }
0xe7: {  	v60 =	vld [tilespmem:s20+$0x127C0]  }
0xe8: {  	v61 =	vld [tilespmem:s20+$0x5F90]  }
0xe9: {  	v17 =	vmul.f32 v47, v45;
	v63 =	vld [tilespmem:s20+$0x12790]  }
0xea: {  	v22 =	vld [tilespmem:s20+$0x5FD0]  }
0xeb: {  	v2 =	vadd.f32 v17, v2;
	v24 =	vld [tilespmem:s20+$0x127D0]  }
0xec: {  	v26 =	vld [tilespmem:s20+$0x5FA0]  }
0xed: {  	v2 =	vadd.f32 v25, v2;
	v27 =	vld [tilespmem:s20+$0x127A0]  }
0xee: {  	v29 =	vld [tilespmem:s20+$0x5FE0]  }
0xef: {  	v2 =	vadd.f32 v7, v2;
	v30 =	vld [tilespmem:s20+$0x127E0]  }
0xf0: {  	v31 =	vld [tilespmem:s20+$0x5FB0]  }
0xf1: {  	v32 =	vld [tilespmem:s20+$0x127B0];
	v0 =	vadd.f32 v2, v0  }
0xf2: {  	v33 =	vld [tilespmem:s20+$0x5FF0]  }
0xf3: {  	v35 =	vld [tilespmem:s20+$0x127F0];
	[tilespmem:$0x1E630] =	vst v0  }
0xf4: {  	v0 =	vld [tilespmem:s20+$0x6F00]  }
0xf5: {  	v38 =	vld [tilespmem:s20+$0x13700]  }
0xf6: {  	v39 =	vld [tilespmem:s20+$0x6F40]  }
0xf7: {  	v41 =	vld [tilespmem:s20+$0x13740]  }
0xf8: {  	v43 =	vld [tilespmem:s20+$0x6F10]  }
0xf9: {  	v44 =	vld [tilespmem:s20+$0x13710]  }
0xfa: {  	v46 =	vld [tilespmem:s20+$0x6F50];
	v1 =	vmul.f32 v58, v1;
	v34 =	vmul.f32 v63, v61  }
0xfb: {  	v47 =	vld [tilespmem:s20+$0x13750];
	v36 =	vmul.f32 v60, v59;
	v6 =	vmul.f32 v24, v22  }
0xfc: {  	v49 =	vld [tilespmem:s20+$0x6F20];
	v3 =	vmul.f32 v27, v26  }
0xfd: {  	v50 =	vld [tilespmem:s20+$0x13720];
	v8 =	vmul.f32 v30, v29;
	v37 =	vadd.f32 v34, v1;
	v6 =	vadd.f32 v6, v36  }
0xfe: {  	v7 =	vmul.f32 v32, v31;
	v58 =	vld [tilespmem:s20+$0x5050]  }
0xff: {  	v42 =	vmul.f32 v35, v33;
	v59 =	vld [tilespmem:s20+$0x11850];
	v40 =	vadd.f32 v3, v37;
	v6 =	vadd.f32 v8, v6  }
0x100: {  	v60 =	vld [tilespmem:s20+$0x5020]  }
0x101: {  	v61 =	vld [tilespmem:s20+$0x11820];
	v7 =	vadd.f32 v7, v40;
	v45 =	vadd.f32 v42, v6  }
0x102: {  	v27 =	vld [tilespmem:s20+$0x11860]  }
0x103: {  	v29 =	vld [tilespmem:s20+$0x11830];
	v48 =	vadd.f32 v45, v7  }
0x104: {  	v30 =	vld [tilespmem:s20+$0x5070];
	[tilespmem:$0x1F7D0] =	vst v0  }
0x105: {  	v0 =	vld [tilespmem:s20+$0x11870];
	[tilespmem:$0x1E531] =	vst v48  }
0x106: {  	v10 =	vld [tilespmem:s20+$0x6780]  }
0x107: {  	v11 =	vld [tilespmem:s20+$0x12F80]  }
0x108: {  	[tilespmem:$0x1F7E0] =	vst v38;
	v12 =	vld [tilespmem:s20+$0x67C0]  }
0x109: {  	[tilespmem:$0x1F810] =	vst v39;
	v13 =	vld [tilespmem:s20+$0x12FC0]  }
0x10a: {  	[tilespmem:$0x1F820] =	vst v41;
	v51 =	vld [tilespmem:s20+$0x6790]  }
0x10b: {  	[tilespmem:$0x1F7F0] =	vst v43;
	v1 =	vld [tilespmem:s20+$0x12F90]  }
0x10c: {  	[tilespmem:$0x1F800] =	vst v44;
	v3 =	vld [tilespmem:s20+$0x67D0]  }
0x10d: {  	[tilespmem:$0x1F830] =	vst v46;
	v5 =	vld [tilespmem:s20+$0x12FD0]  }
0x10e: {  	[tilespmem:$0x1F840] =	vst v47;
	v7 =	vld [tilespmem:s20+$0x67A0]  }
0x10f: {  	v15 =	vmul.f32 v53, v52;
	v63 =	vmul.f32 v57, v56;
	[tilespmem:$0x1F850] =	vst v49;
	v40 =	vld [tilespmem:s20+$0x12FA0]  }
0x110: {  	v18 =	vmul.f32 v55, v54;
	[tilespmem:$0x1F860] =	vst v50;
	v2 =	vmul.f32 v59, v58;
	v42 =	vld [tilespmem:s20+$0x67E0]  }
0x111: {  	v15 =	vadd.f32 v63, v15;
	v43 =	vld [tilespmem:s20+$0x12FE0]  }
0x112: {  	v4 =	vmul.f32 v61, v60;
	v6 =	vmul.f32 v27, v62;
	v18 =	vadd.f32 v2, v18;
	v44 =	vld [tilespmem:s20+$0x67B0]  }
0x113: {  	v41 =	vmul.f32 v29, v28;
	v45 =	vld [tilespmem:s20+$0x12FB0]  }
0x114: {  	v15 =	vadd.f32 v4, v15;
	v18 =	vadd.f32 v6, v18;
	v20 =	vmul.f32 v0, v30;
	v46 =	vld [tilespmem:s20+$0x67F0]  }
0x115: {  	v47 =	vld [tilespmem:s20+$0x12FF0]  }
0x116: {  	v15 =	vadd.f32 v41, v15;
	v18 =	vadd.f32 v20, v18;
	v4 =	vld [tilespmem:s20+$0x6F60]  }
0x117: {  	v9 =	vld [tilespmem:s20+$0x6F30]  }
0x118: {  	v38 =	vld [tilespmem:s20+$0x5080];
	v15 =	vadd.f32 v18, v15  }
0x119: {  	v39 =	vld [tilespmem:s20+$0x11880]  }
0x11a: {  	v41 =	vld [tilespmem:s20+$0x118C0];
	[tilespmem:$0x1E322] =	vst v15  }
0x11b: {  	v15 =	vld [tilespmem:s20+$0x5800]  }
0x11c: {  	v48 =	vld [tilespmem:s20+$0x12000]  }
0x11d: {  	v49 =	vld [tilespmem:s20+$0x5840]  }
0x11e: {  	v50 =	vld [tilespmem:s20+$0x12040]  }
0x11f: {  	v31 =	vld [tilespmem:s20+$0x5810]  }
0x120: {  	v32 =	vld [tilespmem:s20+$0x12010]  }
0x121: {  	v33 =	vld [tilespmem:s20+$0x5850]  }
0x122: {  	v34 =	vld [tilespmem:s20+$0x12050]  }
0x123: {  	v35 =	vld [tilespmem:s20+$0x5820]  }
0x124: {  	v36 =	vld [tilespmem:s20+$0x12020]  }
0x125: {  	v52 =	vld [tilespmem:s20+$0x5860]  }
0x126: {  	v54 =	vld [tilespmem:s20+$0x12060]  }
0x127: {  	v56 =	vld [tilespmem:s20+$0x5830]  }
0x128: {  	v58 =	vld [tilespmem:s20+$0x12030]  }
0x129: {  	v60 =	vld [tilespmem:s20+$0x5870]  }
0x12a: {  	v63 =	vld [tilespmem:s20+$0x12070]  }
0x12b: {  	v55 =	vmul.f32 v40, v7;
	v7 =	vld [tilespmem:s20+$0x13760]  }
0x12c: {  	v12 =	vmul.f32 v13, v12;
	v13 =	vld [tilespmem:s20+$0x13770]  }
0x12d: {  	v40 =	vld [tilespmem:s20+$0x50C0]  }
0x12e: {  	v57 =	vmul.f32 v43, v42;
	v42 =	vld [tilespmem:s20+$0x5090]  }
0x12f: {  	v43 =	vld [tilespmem:s20+$0x11890]  }
0x130: {  	v10 =	vmul.f32 v11, v10;
	v59 =	vmul.f32 v45, v44;
	v44 =	vld [tilespmem:s20+$0x50D0]  }
0x131: {  	v51 =	vmul.f32 v1, v51;
	v53 =	vmul.f32 v5, v3;
	v45 =	vld [tilespmem:s20+$0x118D0]  }
0x132: {  	v18 =	vmul.f32 v47, v46;
	v46 =	vld [tilespmem:s20+$0x50A0]  }
0x133: {  	v47 =	vld [tilespmem:s20+$0x118A0];
	v10 =	vadd.f32 v51, v10;
	v12 =	vadd.f32 v53, v12  }
0x134: {  	v1 =	vld [tilespmem:s20+$0x50B0]  }
0x135: {  	v3 =	vld [tilespmem:s20+$0x118B0];
	v10 =	vadd.f32 v55, v10;
	v12 =	vadd.f32 v57, v12  }
0x136: {  	[tilespmem:$0x1F8D0] =	vst v9;
	v9 =	vld [tilespmem:s20+$0x118F0];
	v61 =	vmul.f32 v48, v15;
	v62 =	vmul.f32 v32, v31  }
0x137: {  	v19 =	vmul.f32 v63, v60;
	v63 =	vld [tilespmem:s20+$0x118E0];
	v11 =	vadd.f32 v59, v10;
	v18 =	vadd.f32 v18, v12  }
0x138: {  	v5 =	vmul.f32 v50, v49;
	v6 =	vmul.f32 v34, v33;
	v10 =	vld [tilespmem:s20+$0x13730]  }
0x139: {  	v12 =	vld [tilespmem:s20+$0x6F70];
	v18 =	vadd.f32 v18, v11  }
0x13a: {  	v14 =	vmul.f32 v54, v52;
	v20 =	vadd.f32 v62, v61;
	v25 =	vadd.f32 v6, v5;
	v61 =	vld [tilespmem:s20+$0x50E0]  }
0x13b: {  	v8 =	vmul.f32 v36, v35;
	v6 =	vld [tilespmem:s20+$0x50F0];
	[tilespmem:$0x1E641] =	vst v18  }
0x13c: {  	v21 =	vadd.f32 v14, v25;
	v14 =	vld [tilespmem:s20+$0x6F80]  }
0x13d: {  	v22 =	vmul.f32 v58, v56;
	v20 =	vadd.f32 v8, v20;
	v15 =	vld [tilespmem:s20+$0x13780]  }
0x13e: {  	v16 =	vld [tilespmem:s20+$0x6FC0]  }
0x13f: {  	v22 =	vadd.f32 v22, v20;
	v19 =	vadd.f32 v19, v21;
	v17 =	vld [tilespmem:s20+$0x137C0]  }
0x140: {  	v21 =	vld [tilespmem:s20+$0x6F90]  }
0x141: {  	v25 =	vld [tilespmem:s20+$0x137D0];
	v22 =	vadd.f32 v19, v22  }
0x142: {  	v26 =	vld [tilespmem:s20+$0x137A0]  }
0x143: {  	v34 =	vld [tilespmem:s20+$0x137F0];
	[tilespmem:$0x1E432] =	vst v22  }
0x144: {  	v22 =	vld [tilespmem:s20+$0x6000]  }
0x145: {  	v18 =	vld [tilespmem:s20+$0x12800]  }
0x146: {  	v19 =	vld [tilespmem:s20+$0x6040]  }
0x147: {  	v48 =	vld [tilespmem:s20+$0x12840]  }
0x148: {  	v49 =	vld [tilespmem:s20+$0x6010]  }
0x149: {  	[tilespmem:$0x1F880] =	vst v7;
	v7 =	vmul.f32 v39, v38;
	v8 =	vmul.f32 v43, v42;
	v50 =	vld [tilespmem:s20+$0x12810]  }
0x14a: {  	v11 =	vmul.f32 v45, v44;
	[tilespmem:$0x1F8E0] =	vst v10;
	v10 =	vmul.f32 v41, v40;
	v51 =	vld [tilespmem:s20+$0x6050]  }
0x14b: {  	[tilespmem:$0x1F900] =	vst v13;
	v33 =	vadd.f32 v8, v7;
	v52 =	vld [tilespmem:s20+$0x12850]  }
0x14c: {  	[tilespmem:$0x1F8F0] =	vst v12;
	v12 =	vmul.f32 v47, v46;
	v27 =	vmul.f32 v63, v61;
	v35 =	vadd.f32 v11, v10;
	v53 =	vld [tilespmem:s20+$0x6020]  }
0x14d: {  	v28 =	vmul.f32 v3, v1;
	[tilespmem:$0x1F890] =	vst v14;
	v54 =	vld [tilespmem:s20+$0x12820]  }
0x14e: {  	v13 =	vadd.f32 v12, v33;
	[tilespmem:$0x1F8A0] =	vst v15;
	v55 =	vld [tilespmem:s20+$0x6060];
	v14 =	vadd.f32 v27, v35;
	v15 =	vmul.f32 v9, v6  }
0x14f: {  	v56 =	vld [tilespmem:s20+$0x12860]  }
0x150: {  	v28 =	vadd.f32 v28, v13;
	v57 =	vld [tilespmem:s20+$0x6030];
	v29 =	vadd.f32 v15, v14  }
0x151: {  	v58 =	vld [tilespmem:s20+$0x12830]  }
0x152: {  	v59 =	vld [tilespmem:s20+$0x6070];
	v28 =	vadd.f32 v29, v28  }
0x153: {  	v37 =	vld [tilespmem:s20+$0x12870]  }
0x154: {  	v27 =	vld [tilespmem:s20+$0x6FE0];
	[tilespmem:$0x1E333] =	vst v28  }
0x155: {  	v28 =	vld [tilespmem:s20+$0x5880]  }
0x156: {  	v22 =	vmul.f32 v18, v22;
	v18 =	vld [tilespmem:s20+$0x12080]  }
0x157: {  	v24 =	vmul.f32 v48, v19;
	v19 =	vld [tilespmem:s20+$0x58C0]  }
0x158: {  	v20 =	vld [tilespmem:s20+$0x120C0]  }
0x159: {  	v48 =	vld [tilespmem:s20+$0x5890]  }
0x15a: {  	v60 =	vmul.f32 v50, v49;
	v49 =	vld [tilespmem:s20+$0x12090]  }
0x15b: {  	v50 =	vld [tilespmem:s20+$0x58D0]  }
0x15c: {  	v62 =	vmul.f32 v52, v51;
	v51 =	vld [tilespmem:s20+$0x120D0]  }
0x15d: {  	v52 =	vld [tilespmem:s20+$0x58A0]  }
0x15e: {  	v0 =	vmul.f32 v54, v53;
	v53 =	vld [tilespmem:s20+$0x120A0]  }
0x15f: {  	v2 =	vmul.f32 v56, v55;
	v22 =	vadd.f32 v60, v22;
	v24 =	vadd.f32 v62, v24;
	v54 =	vld [tilespmem:s20+$0x58E0]  }
0x160: {  	[tilespmem:$0x1F870] =	vst v4;
	v4 =	vmul.f32 v58, v57;
	v55 =	vld [tilespmem:s20+$0x120E0]  }
0x161: {  	v5 =	vmul.f32 v37, v59;
	v56 =	vld [tilespmem:s20+$0x58B0];
	v23 =	vadd.f32 v0, v22;
	v24 =	vadd.f32 v2, v24  }
0x162: {  	v57 =	vld [tilespmem:s20+$0x120B0]  }
0x163: {  	v58 =	vld [tilespmem:s20+$0x58F0];
	v30 =	vadd.f32 v4, v23;
	v31 =	vadd.f32 v5, v24  }
0x164: {  	v60 =	vld [tilespmem:s20+$0x120F0]  }
0x165: {  	v22 =	vld [tilespmem:s20+$0x13790];
	v30 =	vadd.f32 v31, v30  }
0x166: {  	v23 =	vld [tilespmem:s20+$0x6FD0]  }
0x167: {  	v24 =	vld [tilespmem:s20+$0x6FA0];
	[tilespmem:$0x1E542] =	vst v30  }
0x168: {  	v30 =	vld [tilespmem:s20+$0x6800]  }
0x169: {  	[tilespmem:$0x1F8B0] =	vst v16;
	v16 =	vld [tilespmem:s20+$0x13000]  }
0x16a: {  	v32 =	vld [tilespmem:s20+$0x6840]  }
0x16b: {  	v29 =	vld [tilespmem:s20+$0x13040]  }
0x16c: {  	[tilespmem:$0x1F8C0] =	vst v17;
	v17 =	vld [tilespmem:s20+$0x6810]  }
0x16d: {  	v61 =	vld [tilespmem:s20+$0x13010]  }
0x16e: {  	v63 =	vld [tilespmem:s20+$0x6850]  }
0x16f: {  	v1 =	vld [tilespmem:s20+$0x13050]  }
0x170: {  	v3 =	vld [tilespmem:s20+$0x6820]  }
0x171: {  	v4 =	vld [tilespmem:s20+$0x13020]  }
0x172: {  	v6 =	vld [tilespmem:s20+$0x6860]  }
0x173: {  	v28 =	vmul.f32 v18, v28;
	v59 =	vmul.f32 v49, v48;
	v7 =	vld [tilespmem:s20+$0x13060]  }
0x174: {  	v35 =	vmul.f32 v20, v19;
	v62 =	vmul.f32 v51, v50;
	v8 =	vld [tilespmem:s20+$0x6830]  }
0x175: {  	v0 =	vmul.f32 v53, v52;
	v28 =	vadd.f32 v59, v28;
	v9 =	vld [tilespmem:s20+$0x13030]  }
0x176: {  	v2 =	vmul.f32 v55, v54;
	v35 =	vadd.f32 v62, v35;
	v10 =	vld [tilespmem:s20+$0x6870]  }
0x177: {  	v5 =	vmul.f32 v57, v56;
	v28 =	vadd.f32 v0, v28;
	v11 =	vld [tilespmem:s20+$0x13070]  }
0x178: {  	v35 =	vadd.f32 v2, v35;
	v2 =	vld [tilespmem:s20+$0x11900]  }
0x179: {  	v28 =	vadd.f32 v5, v28;
	v5 =	vld [tilespmem:s20+$0x5110]  }
0x17a: {  	v15 =	vmul.f32 v61, v17;
	v17 =	vmul.f32 v1, v63;
	v1 =	vld [tilespmem:s20+$0x5100]  }
0x17b: {  	v37 =	vmul.f32 v60, v58;
	v19 =	vmul.f32 v4, v3;
	v3 =	vld [tilespmem:s20+$0x5140]  }
0x17c: {  	v4 =	vld [tilespmem:s20+$0x11940]  }
0x17d: {  	v35 =	vadd.f32 v37, v35;
	v43 =	vmul.f32 v7, v6;
	v6 =	vld [tilespmem:s20+$0x11910]  }
0x17e: {  	v7 =	vld [tilespmem:s20+$0x5150]  }
0x17f: {  	v28 =	vadd.f32 v35, v28;
	v54 =	vmul.f32 v9, v8;
	v8 =	vld [tilespmem:s20+$0x11950]  }
0x180: {  	v9 =	vld [tilespmem:s20+$0x5120]  }
0x181: {  	v56 =	vmul.f32 v11, v10;
	v11 =	vld [tilespmem:s20+$0x11970];
	[tilespmem:$0x1E443] =	vst v28  }
0x182: {  	v28 =	vld [tilespmem:s20+$0x6080]  }
0x183: {  	v12 =	vld [tilespmem:s20+$0x12880]  }
0x184: {  	v13 =	vld [tilespmem:s20+$0x60C0]  }
0x185: {  	v14 =	vld [tilespmem:s20+$0x128C0]  }
0x186: {  	v48 =	vld [tilespmem:s20+$0x6090]  }
0x187: {  	v49 =	vld [tilespmem:s20+$0x12890]  }
0x188: {  	v50 =	vld [tilespmem:s20+$0x60D0]  }
0x189: {  	v51 =	vld [tilespmem:s20+$0x128D0]  }
0x18a: {  	v52 =	vld [tilespmem:s20+$0x60A0]  }
0x18b: {  	v30 =	vmul.f32 v16, v30;
	v16 =	vld [tilespmem:s20+$0x128A0]  }
0x18c: {  	v18 =	vld [tilespmem:s20+$0x60E0]  }
0x18d: {  	v29 =	vmul.f32 v29, v32;
	v20 =	vld [tilespmem:s20+$0x128E0]  }
0x18e: {  	v53 =	vld [tilespmem:s20+$0x60B0]  }
0x18f: {  	v29 =	vadd.f32 v17, v29;
	v55 =	vld [tilespmem:s20+$0x128B0]  }
0x190: {  	v30 =	vadd.f32 v15, v30;
	v57 =	vld [tilespmem:s20+$0x60F0]  }
0x191: {  	v60 =	vld [tilespmem:s20+$0x128F0];
	v29 =	vadd.f32 v43, v29  }
0x192: {  	v15 =	vld [tilespmem:s20+$0x51D0];
	v30 =	vadd.f32 v19, v30  }
0x193: {  	v32 =	vadd.f32 v56, v29;
	v29 =	vld [tilespmem:s20+$0x6FB0]  }
0x194: {  	v31 =	vadd.f32 v54, v30;
	v30 =	vld [tilespmem:s20+$0x137B0]  }
0x195: {  	v54 =	vld [tilespmem:s20+$0x5160]  }
0x196: {  	v56 =	vld [tilespmem:s20+$0x5130];
	v58 =	vmul.f32 v12, v28  }
0x197: {  	v59 =	vmul.f32 v49, v48;
	v28 =	vld [tilespmem:s20+$0x137E0];
	v61 =	vmul.f32 v14, v13  }
0x198: {  	v62 =	vmul.f32 v51, v50;
	v36 =	vmul.f32 v55, v53;
	v53 =	vld [tilespmem:s20+$0x11920]  }
0x199: {  	v33 =	vmul.f32 v16, v52;
	v38 =	vmul.f32 v20, v18;
	v55 =	vld [tilespmem:s20+$0x11960];
	v32 =	vadd.f32 v32, v31  }
0x19a: {  	v0 =	vmul.f32 v60, v57;
	v57 =	vld [tilespmem:s20+$0x11930];
	v37 =	vadd.f32 v59, v58;
	v41 =	vadd.f32 v62, v61  }
0x19b: {  	v31 =	vld [tilespmem:s20+$0x6FF0]  }
0x19c: {  	v58 =	vld [tilespmem:s20+$0x5170];
	[tilespmem:$0x1E652] =	vst v32;
	v33 =	vadd.f32 v33, v37;
	v63 =	vadd.f32 v38, v41  }
0x19d: {  	v32 =	vld [tilespmem:s20+$0x7000]  }
0x19e: {  	v35 =	vld [tilespmem:s20+$0x13800];
	v39 =	vadd.f32 v36, v33;
	v37 =	vadd.f32 v0, v63  }
0x19f: {  	v38 =	vld [tilespmem:s20+$0x13810]  }
0x1a0: {  	v33 =	vld [tilespmem:s20+$0x7040];
	v39 =	vadd.f32 v37, v39  }
0x1a1: {  	v36 =	vld [tilespmem:s20+$0x13840]  }
0x1a2: {  	v37 =	vld [tilespmem:s20+$0x7010];
	[tilespmem:$0x1E553] =	vst v39  }
0x1a3: {  	v39 =	vld [tilespmem:s20+$0x6880]  }
0x1a4: {  	v40 =	vld [tilespmem:s20+$0x13080]  }
0x1a5: {  	v41 =	vld [tilespmem:s20+$0x68C0]  }
0x1a6: {  	v42 =	vld [tilespmem:s20+$0x130C0]  }
0x1a7: {  	v44 =	vmul.f32 v2, v1;
	v10 =	vmul.f32 v6, v5;
	v43 =	vld [tilespmem:s20+$0x6890]  }
0x1a8: {  	v46 =	vmul.f32 v4, v3;
	v12 =	vmul.f32 v8, v7;
	v49 =	vld [tilespmem:s20+$0x13090]  }
0x1a9: {  	v44 =	vadd.f32 v10, v44;
	v50 =	vld [tilespmem:s20+$0x68D0]  }
0x1aa: {  	v46 =	vadd.f32 v12, v46;
	v13 =	vmul.f32 v53, v9;
	v19 =	vmul.f32 v55, v54;
	v14 =	vld [tilespmem:s20+$0x130D0]  }
0x1ab: {  	v3 =	vmul.f32 v57, v56;
	v52 =	vld [tilespmem:s20+$0x68A0]  }
0x1ac: {  	v44 =	vadd.f32 v13, v44;
	v46 =	vadd.f32 v19, v46;
	v48 =	vmul.f32 v11, v58;
	v20 =	vld [tilespmem:s20+$0x130A0]  }
0x1ad: {  	v4 =	vld [tilespmem:s20+$0x68E0]  }
0x1ae: {  	v44 =	vadd.f32 v3, v44;
	v46 =	vadd.f32 v48, v46;
	v5 =	vld [tilespmem:s20+$0x130E0]  }
0x1af: {  	v47 =	vld [tilespmem:s20+$0x68B0]  }
0x1b0: {  	v48 =	vld [tilespmem:s20+$0x130B0];
	v44 =	vadd.f32 v46, v44  }
0x1b1: {  	v46 =	vld [tilespmem:s20+$0x68F0]  }
0x1b2: {  	v55 =	vld [tilespmem:s20+$0x130F0];
	[tilespmem:$0x1E344] =	vst v44  }
0x1b3: {  	v44 =	vld [tilespmem:s20+$0x5900]  }
0x1b4: {  	v6 =	vld [tilespmem:s20+$0x12100]  }
0x1b5: {  	v7 =	vld [tilespmem:s20+$0x5940]  }
0x1b6: {  	v8 =	vld [tilespmem:s20+$0x12140]  }
0x1b7: {  	v59 =	vld [tilespmem:s20+$0x5910]  }
0x1b8: {  	v60 =	vld [tilespmem:s20+$0x12110]  }
0x1b9: {  	v61 =	vld [tilespmem:s20+$0x5950]  }
0x1ba: {  	v62 =	vld [tilespmem:s20+$0x12150]  }
0x1bb: {  	v63 =	vld [tilespmem:s20+$0x5920]  }
0x1bc: {  	v9 =	vld [tilespmem:s20+$0x12120]  }
0x1bd: {  	v1 =	vld [tilespmem:s20+$0x5960]  }
0x1be: {  	v17 =	vld [tilespmem:s20+$0x12160]  }
0x1bf: {  	v11 =	vld [tilespmem:s20+$0x5930]  }
0x1c0: {  	v39 =	vmul.f32 v40, v39;
	v13 =	vmul.f32 v14, v50;
	v14 =	vld [tilespmem:s20+$0x12130]  }
0x1c1: {  	v45 =	vmul.f32 v20, v52;
	v20 =	vmul.f32 v5, v4;
	v4 =	vld [tilespmem:s20+$0x5970]  }
0x1c2: {  	v10 =	vmul.f32 v42, v41;
	v12 =	vmul.f32 v49, v43;
	v40 =	vld [tilespmem:s20+$0x13850]  }
0x1c3: {  	v49 =	vld [tilespmem:s20+$0x13830]  }
0x1c4: {  	v41 =	vadd.f32 v12, v39;
	v39 =	vld [tilespmem:s20+$0x7050];
	v43 =	vadd.f32 v13, v10  }
0x1c5: {  	v10 =	vmul.f32 v48, v47;
	v47 =	vld [tilespmem:s20+$0x13860]  }
0x1c6: {  	v46 =	vmul.f32 v55, v46;
	v48 =	vld [tilespmem:s20+$0x7030];
	v45 =	vadd.f32 v45, v41;
	v50 =	vadd.f32 v20, v43  }
0x1c7: {  	v44 =	vmul.f32 v6, v44;
	v5 =	vmul.f32 v60, v59;
	v6 =	vld [tilespmem:s20+$0x12170]  }
0x1c8: {  	v1 =	vmul.f32 v17, v1;
	v41 =	vld [tilespmem:s20+$0x7020];
	v17 =	vadd.f32 v10, v45;
	v12 =	vadd.f32 v46, v50  }
0x1c9: {  	v0 =	vmul.f32 v9, v63;
	v43 =	vld [tilespmem:s20+$0x13820];
	v44 =	vadd.f32 v5, v44  }
0x1ca: {  	v45 =	vld [tilespmem:s20+$0x7070];
	v17 =	vadd.f32 v12, v17  }
0x1cb: {  	v42 =	vmul.f32 v14, v11;
	v46 =	vld [tilespmem:s20+$0x13870];
	v0 =	vadd.f32 v0, v44  }
0x1cc: {  	v7 =	vmul.f32 v8, v7;
	v8 =	vmul.f32 v62, v61;
	v44 =	vld [tilespmem:s20+$0x7060];
	[tilespmem:$0x1E663] =	vst v17  }
0x1cd: {  	v0 =	vadd.f32 v42, v0;
	v42 =	vld [tilespmem:s20+$0x7080]  }
0x1ce: {  	v9 =	vadd.f32 v8, v7;
	v52 =	vld [tilespmem:s20+$0x13880]  }
0x1cf: {  	v50 =	vld [tilespmem:s20+$0x70C0]  }
0x1d0: {  	v1 =	vadd.f32 v1, v9;
	v11 =	vmul.f32 v6, v4;
	v51 =	vld [tilespmem:s20+$0x138C0]  }
0x1d1: {  	v54 =	vld [tilespmem:s20+$0x13890]  }
0x1d2: {  	v1 =	vadd.f32 v11, v1;
	v56 =	vld [tilespmem:s20+$0x70D0]  }
0x1d3: {  	v58 =	vld [tilespmem:s20+$0x138D0]  }
0x1d4: {  	v55 =	vld [tilespmem:s20+$0x70A0];
	v0 =	vadd.f32 v1, v0  }
0x1d5: {  	v57 =	vld [tilespmem:s20+$0x138A0]  }
0x1d6: {  	v59 =	vld [tilespmem:s20+$0x70E0];
	[tilespmem:$0x1E454] =	vst v0  }
0x1d7: {  	v0 =	vld [tilespmem:s20+$0x6100]  }
0x1d8: {  	v13 =	vld [tilespmem:s20+$0x12900]  }
0x1d9: {  	v14 =	vld [tilespmem:s20+$0x6140]  }
0x1da: {  	v16 =	vld [tilespmem:s20+$0x12940]  }
0x1db: {  	v18 =	vld [tilespmem:s20+$0x6110]  }
0x1dc: {  	v19 =	vld [tilespmem:s20+$0x12910]  }
0x1dd: {  	v20 =	vld [tilespmem:s20+$0x6150]  }
0x1de: {  	v4 =	vld [tilespmem:s20+$0x12950]  }
0x1df: {  	v5 =	vld [tilespmem:s20+$0x6120]  }
0x1e0: {  	v6 =	vld [tilespmem:s20+$0x12920]  }
0x1e1: {  	v7 =	vld [tilespmem:s20+$0x6160]  }
0x1e2: {  	v8 =	vld [tilespmem:s20+$0x12960]  }
0x1e3: {  	v9 =	vld [tilespmem:s20+$0x6130]  }
0x1e4: {  	v10 =	vld [tilespmem:s20+$0x12930]  }
0x1e5: {  	v11 =	vld [tilespmem:s20+$0x6170]  }
0x1e6: {  	v0 =	vmul.f32 v13, v0;
	v12 =	vmul.f32 v19, v18;
	v13 =	vld [tilespmem:s20+$0x12970]  }
0x1e7: {  	v17 =	vmul.f32 v16, v14;
	v53 =	vmul.f32 v4, v20;
	v18 =	vld [tilespmem:s20+$0x5180]  }
0x1e8: {  	v14 =	vmul.f32 v6, v5;
	v16 =	vld [tilespmem:s20+$0x11980]  }
0x1e9: {  	v19 =	vmul.f32 v8, v7;
	v0 =	vadd.f32 v12, v0;
	v17 =	vadd.f32 v53, v17;
	v53 =	vld [tilespmem:s20+$0x7090]  }
0x1ea: {  	v60 =	vmul.f32 v10, v9;
	v12 =	vld [tilespmem:s20+$0x5190]  }
0x1eb: {  	v0 =	vadd.f32 v14, v0;
	v20 =	vadd.f32 v19, v17;
	v19 =	vld [tilespmem:s20+$0x119C0];
	v62 =	vmul.f32 v13, v11  }
0x1ec: {  	v14 =	vld [tilespmem:s20+$0x119D0]  }
0x1ed: {  	v11 =	vld [tilespmem:s20+$0x11990];
	v0 =	vadd.f32 v60, v0;
	v1 =	vadd.f32 v62, v20  }
0x1ee: {  	v60 =	vld [tilespmem:s20+$0x138E0]  }
0x1ef: {  	v50 =	vmul.f32 v51, v50;
	v20 =	vld [tilespmem:s20+$0x51C0];
	v51 =	vmul.f32 v54, v53;
	v0 =	vadd.f32 v1, v0  }
0x1f0: {  	v53 =	vmul.f32 v58, v56;
	v58 =	vmul.f32 v57, v55;
	v55 =	vld [tilespmem:s20+$0x11A20]  }
0x1f1: {  	v57 =	vld [tilespmem:s20+$0x11A60];
	[tilespmem:$0x1E564] =	vst v0  }
0x1f2: {  	v7 =	vld [tilespmem:s20+$0x6900]  }
0x1f3: {  	v4 =	vld [tilespmem:s20+$0x13100]  }
0x1f4: {  	v17 =	vld [tilespmem:s20+$0x6940]  }
0x1f5: {  	v61 =	vld [tilespmem:s20+$0x13140]  }
0x1f6: {  	v62 =	vld [tilespmem:s20+$0x6910]  }
0x1f7: {  	v63 =	vld [tilespmem:s20+$0x13110]  }
0x1f8: {  	v1 =	vld [tilespmem:s20+$0x6950]  }
0x1f9: {  	v0 =	vld [tilespmem:s20+$0x13150]  }
0x1fa: {  	v3 =	vld [tilespmem:s20+$0x6920]  }
0x1fb: {  	v2 =	vld [tilespmem:s20+$0x13120]  }
0x1fc: {  	v6 =	vld [tilespmem:s20+$0x6960]  }
0x1fd: {  	v5 =	vld [tilespmem:s20+$0x13160]  }
0x1fe: {  	v9 =	vld [tilespmem:s20+$0x6930]  }
0x1ff: {  	v8 =	vld [tilespmem:s20+$0x13130]  }
0x200: {  	v13 =	vld [tilespmem:s20+$0x6970]  }
0x201: {  	v10 =	vld [tilespmem:s20+$0x13170];
	v19 =	vmul.f32 v19, v20  }
0x202: {  	v4 =	vmul.f32 v4, v7;
	v7 =	vmul.f32 v63, v62;
	v62 =	vld [tilespmem:s20+$0x51A0]  }
0x203: {  	v17 =	vmul.f32 v61, v17;
	v0 =	vmul.f32 v0, v1;
	v1 =	vld [tilespmem:s20+$0x119A0]  }
0x204: {  	v2 =	vmul.f32 v2, v3;
	v3 =	vld [tilespmem:s20+$0x51E0];
	v5 =	vmul.f32 v5, v6  }
0x205: {  	v63 =	vmul.f32 v8, v9;
	v8 =	vld [tilespmem:s20+$0x119B0];
	v4 =	vadd.f32 v7, v4;
	v0 =	vadd.f32 v0, v17  }
0x206: {  	v7 =	vld [tilespmem:s20+$0x51B0];
	v17 =	vmul.f32 v16, v18;
	v18 =	vmul.f32 v11, v12  }
0x207: {  	v6 =	vld [tilespmem:s20+$0x119E0];
	v13 =	vmul.f32 v10, v13;
	v2 =	vadd.f32 v2, v4;
	v0 =	vadd.f32 v5, v0  }
0x208: {  	v20 =	vmul.f32 v14, v15;
	v16 =	vadd.f32 v18, v17;
	v1 =	vmul.f32 v1, v62;
	v62 =	vld [tilespmem:$0x1F7D0]  }
0x209: {  	v2 =	vadd.f32 v63, v2;
	v0 =	vadd.f32 v13, v0;
	v63 =	vld [tilespmem:$0x1F7E0]  }
0x20a: {  	v10 =	vld [tilespmem:s20+$0x119F0];
	v17 =	vadd.f32 v20, v19  }
0x20b: {  	v61 =	vld [tilespmem:s20+$0x70B0];
	v18 =	vadd.f32 v1, v16;
	v20 =	vmul.f32 v8, v7;
	v0 =	vadd.f32 v0, v2  }
0x20c: {  	v4 =	vld [tilespmem:s20+$0x51F0]  }
0x20d: {  	[tilespmem:$0x1E674] =	vst v0;
	v0 =	vadd.f32 v20, v18;
	v20 =	vld [tilespmem:$0x1F830]  }
0x20e: {  	v11 =	vmul.f32 v63, v62;
	v62 =	vld [tilespmem:$0x1F840]  }
0x20f: {  	v5 =	vld [tilespmem:s20+$0x138B0];
	v3 =	vmul.f32 v6, v3  }
0x210: {  	v16 =	vld [tilespmem:$0x1F7F0]  }
0x211: {  	v19 =	vadd.f32 v3, v17;
	v17 =	vld [tilespmem:$0x1F800]  }
0x212: {  	v63 =	vld [tilespmem:$0x1F850]  }
0x213: {  	v15 =	vmul.f32 v62, v20;
	v20 =	vld [tilespmem:$0x1F860]  }
0x214: {  	v6 =	vld [tilespmem:s20+$0x70F0]  }
0x215: {  	v1 =	vld [tilespmem:s20+$0x138F0]  }
0x216: {  	v18 =	vld [tilespmem:$0x1F810];
	v12 =	vmul.f32 v17, v16  }
0x217: {  	v62 =	vld [tilespmem:$0x1F870]  }
0x218: {  	v11 =	vadd.f32 v12, v11;
	v12 =	vmul.f32 v20, v63;
	v63 =	vld [tilespmem:$0x1F880]  }
0x219: {  	v7 =	vld [tilespmem:s20+$0x7100]  }
0x21a: {  	v4 =	vmul.f32 v10, v4;
	v8 =	vld [tilespmem:s20+$0x13900]  }
0x21b: {  	v3 =	vld [tilespmem:s20+$0x7140]  }
0x21c: {  	v2 =	vadd.f32 v4, v19;
	v19 =	vld [tilespmem:$0x1F820]  }
0x21d: {  	v17 =	vmul.f32 v63, v62;
	v62 =	vld [tilespmem:$0x1F890]  }
0x21e: {  	v63 =	vld [tilespmem:$0x1F8A0]  }
0x21f: {  	v4 =	vld [tilespmem:s20+$0x13940]  }
0x220: {  	v9 =	vld [tilespmem:s20+$0x13910]  }
0x221: {  	v40 =	vmul.f32 v40, v39;
	v39 =	vld [tilespmem:s20+$0x13950];
	v14 =	vmul.f32 v19, v18  }
0x222: {  	v54 =	vld [tilespmem:s20+$0x13930]  }
0x223: {  	v0 =	vadd.f32 v2, v0;
	v14 =	vadd.f32 v15, v14;
	v15 =	vmul.f32 v63, v62;
	v62 =	vld [tilespmem:$0x1F8B0]  }
0x224: {  	v63 =	vld [tilespmem:$0x1F8C0]  }
0x225: {  	v59 =	vmul.f32 v60, v59;
	v60 =	vld [tilespmem:s20+$0x7170];
	[tilespmem:$0x1E355] =	vst v0  }
0x226: {  	v10 =	vld [tilespmem:s20+$0x5980]  }
0x227: {  	v13 =	vld [tilespmem:s20+$0x12180]  }
0x228: {  	v16 =	vld [tilespmem:s20+$0x59C0]  }
0x229: {  	v11 =	vadd.f32 v12, v11;
	v12 =	vmul.f32 v63, v62;
	v62 =	vld [tilespmem:$0x1F8D0]  }
0x22a: {  	v63 =	vld [tilespmem:$0x1F8E0]  }
0x22b: {  	v18 =	vld [tilespmem:s20+$0x121C0]  }
0x22c: {  	v19 =	vmul.f32 v22, v21;
	v22 =	vld [tilespmem:s20+$0x12190]  }
0x22d: {  	v30 =	vmul.f32 v30, v29;
	v29 =	vld [tilespmem:s20+$0x59B0]  }
0x22e: {  	v37 =	vmul.f32 v38, v37;
	v38 =	vmul.f32 v36, v33;
	v33 =	vld [tilespmem:s20+$0x121B0]  }
0x22f: {  	v21 =	vmul.f32 v25, v23;
	v23 =	vmul.f32 v63, v62;
	v63 =	vld [tilespmem:$0x1F8F0]  }
0x230: {  	v62 =	vmul.f32 v28, v27;
	v28 =	vld [tilespmem:$0x1F900]  }
0x231: {  	v20 =	vld [tilespmem:s20+$0x5990]  }
0x232: {  	v14 =	vadd.f32 v17, v14;
	v17 =	vmul.f32 v26, v24;
	v24 =	vld [tilespmem:s20+$0x121D0]  }
0x233: {  	v26 =	vld [tilespmem:s20+$0x59A0];
	v15 =	vadd.f32 v19, v15  }
0x234: {  	v19 =	vld [tilespmem:s20+$0x59D0]  }
0x235: {  	v15 =	vadd.f32 v17, v15;
	v17 =	vld [tilespmem:s20+$0x59E0];
	v25 =	vmul.f32 v28, v63  }
0x236: {  	v34 =	vmul.f32 v34, v31;
	v35 =	vmul.f32 v35, v32;
	v12 =	vadd.f32 v21, v12;
	v27 =	vld [tilespmem:s20+$0x121E0]  }
0x237: {  	v10 =	vmul.f32 v13, v10;
	v11 =	vadd.f32 v23, v11;
	v23 =	vld [tilespmem:s20+$0x121A0];
	v14 =	vadd.f32 v25, v14  }
0x238: {  	v36 =	vld [tilespmem:s20+$0x59F0];
	v16 =	vmul.f32 v18, v16;
	v12 =	vadd.f32 v62, v12;
	v62 =	vadd.f32 v37, v35  }
0x239: {  	v37 =	vmul.f32 v22, v20;
	v11 =	vadd.f32 v14, v11;
	v14 =	vadd.f32 v40, v38;
	v38 =	vld [tilespmem:s20+$0x121F0]  }
0x23a: {  	v2 =	vld [tilespmem:s20+$0x7110];
	v35 =	vmul.f32 v49, v48;
	v40 =	vmul.f32 v24, v19  }
0x23b: {  	v0 =	vld [tilespmem:s20+$0x7150];
	v12 =	vadd.f32 v34, v12;
	v34 =	vmul.f32 v47, v44;
	v10 =	vadd.f32 v37, v10  }
0x23c: {  	v48 =	vld [tilespmem:s20+$0x13960];
	v17 =	vmul.f32 v27, v17;
	v44 =	vmul.f32 v23, v26;
	v16 =	vadd.f32 v40, v16  }
0x23d: {  	v49 =	vmul.f32 v33, v29;
	v47 =	vld [tilespmem:s20+$0x7160];
	v63 =	vmul.f32 v43, v41  }
0x23e: {  	v43 =	vld [tilespmem:s20+$0x7120];
	v10 =	vadd.f32 v44, v10;
	v16 =	vadd.f32 v17, v16;
	v20 =	vmul.f32 v38, v36  }
0x23f: {  	v15 =	vadd.f32 v30, v15;
	v41 =	vmul.f32 v46, v45;
	v45 =	vld [tilespmem:s20+$0x13920]  }
0x240: {  	v46 =	vmul.f32 v52, v42;
	v52 =	vld [tilespmem:s20+$0x7130];
	v10 =	vadd.f32 v49, v10;
	v16 =	vadd.f32 v20, v16  }
0x241: {  	v12 =	vadd.f32 v12, v15;
	v15 =	vadd.f32 v63, v62;
	v62 =	vld [tilespmem:s20+$0x13970]  }
0x242: {  	v56 =	vadd.f32 v51, v46;
	v46 =	vld [tilespmem:s20+$0x5200];
	v63 =	vadd.f32 v16, v10  }
0x243: {  	v51 =	vld [tilespmem:s20+$0x11A10]  }
0x244: {  	v21 =	vmul.f32 v48, v47;
	v47 =	vld [tilespmem:s20+$0x11A00];
	[tilespmem:$0x1E465] =	vst v63  }
0x245: {  	v22 =	vld [tilespmem:s20+$0x6180]  }
0x246: {  	v23 =	vld [tilespmem:s20+$0x12980]  }
0x247: {  	v28 =	vld [tilespmem:s20+$0x61C0]  }
0x248: {  	v29 =	vld [tilespmem:s20+$0x129C0]  }
0x249: {  	v30 =	vld [tilespmem:s20+$0x6190]  }
0x24a: {  	v7 =	vmul.f32 v8, v7;
	v2 =	vmul.f32 v9, v2;
	v31 =	vld [tilespmem:s20+$0x12990]  }
0x24b: {  	v5 =	vmul.f32 v5, v61;
	v32 =	vld [tilespmem:s20+$0x61D0]  }
0x24c: {  	v3 =	vmul.f32 v4, v3;
	v0 =	vmul.f32 v39, v0;
	v2 =	vadd.f32 v2, v7;
	v33 =	vld [tilespmem:s20+$0x129D0]  }
0x24d: {  	v1 =	vmul.f32 v1, v6;
	v14 =	vadd.f32 v34, v14;
	v16 =	vadd.f32 v53, v50;
	v34 =	vld [tilespmem:s20+$0x61A0]  }
0x24e: {  	v0 =	vadd.f32 v0, v3;
	v15 =	vadd.f32 v35, v15;
	v18 =	vmul.f32 v45, v43;
	v35 =	vld [tilespmem:s20+$0x129A0]  }
0x24f: {  	v26 =	vmul.f32 v54, v52;
	v17 =	vadd.f32 v58, v56;
	v20 =	vadd.f32 v59, v16;
	v36 =	vld [tilespmem:s20+$0x61E0]  }
0x250: {  	v0 =	vadd.f32 v21, v0;
	v2 =	vadd.f32 v18, v2;
	v27 =	vmul.f32 v62, v60;
	v37 =	vld [tilespmem:s20+$0x129E0]  }
0x251: {  	v4 =	vadd.f32 v5, v17;
	v38 =	vld [tilespmem:s20+$0x61B0];
	v1 =	vadd.f32 v1, v20  }
0x252: {  	v2 =	vadd.f32 v26, v2;
	v0 =	vadd.f32 v27, v0;
	v39 =	vld [tilespmem:s20+$0x129B0]  }
0x253: {  	v14 =	vadd.f32 v41, v14;
	v40 =	vld [tilespmem:s20+$0x61F0];
	v1 =	vadd.f32 v1, v4  }
0x254: {  	v0 =	vadd.f32 v0, v2;
	v41 =	vld [tilespmem:s20+$0x129F0];
	v6 =	vmul.f32 v23, v22;
	v3 =	vmul.f32 v31, v30  }
0x255: {  	v48 =	vld [tilespmem:s20+$0x5240];
	[tilespmem:$0x1E773] =	vst v1;
	v5 =	vmul.f32 v29, v28;
	v1 =	vmul.f32 v33, v32  }
0x256: {  	v52 =	vld [tilespmem:s20+$0x5250];
	[tilespmem:$0x1E784] =	vst v0;
	v0 =	vmul.f32 v35, v34  }
0x257: {  	v54 =	vld [tilespmem:s20+$0x5220];
	v43 =	vmul.f32 v37, v36;
	v42 =	vadd.f32 v3, v6;
	v1 =	vadd.f32 v1, v5  }
0x258: {  	v49 =	vld [tilespmem:s20+$0x11A40];
	v44 =	vmul.f32 v39, v38  }
0x259: {  	v60 =	vld [tilespmem:s20+$0x5270];
	v45 =	vmul.f32 v41, v40;
	v0 =	vadd.f32 v0, v42;
	v1 =	vadd.f32 v43, v1  }
0x25a: {  	v62 =	vld [tilespmem:s20+$0x11A70]  }
0x25b: {  	v56 =	vld [tilespmem:s20+$0x5260];
	v0 =	vadd.f32 v44, v0;
	v1 =	vadd.f32 v45, v1  }
0x25c: {  	v58 =	vld [tilespmem:s20+$0x5230]  }
0x25d: {  	v50 =	vld [tilespmem:s20+$0x5210];
	v0 =	vadd.f32 v1, v0  }
0x25e: {  	v53 =	vld [tilespmem:s20+$0x11A50]  }
0x25f: {  	v59 =	vld [tilespmem:s20+$0x11A30];
	[tilespmem:$0x1E575] =	vst v0  }
0x260: {  	v0 =	vld [tilespmem:s20+$0x6980]  }
0x261: {  	v1 =	vld [tilespmem:s20+$0x13180]  }
0x262: {  	v2 =	vld [tilespmem:s20+$0x69C0]  }
0x263: {  	v3 =	vld [tilespmem:s20+$0x131C0]  }
0x264: {  	v7 =	vmul.f32 v49, v48;
	v27 =	vmul.f32 v53, v52;
	v4 =	vld [tilespmem:s20+$0x6990]  }
0x265: {  	v61 =	vmul.f32 v51, v50;
	v5 =	vmul.f32 v47, v46;
	v63 =	vld [tilespmem:s20+$0x13190]  }
0x266: {  	v7 =	vadd.f32 v27, v7;
	v28 =	vld [tilespmem:s20+$0x69D0]  }
0x267: {  	v29 =	vmul.f32 v55, v54;
	v31 =	vmul.f32 v57, v56;
	v5 =	vadd.f32 v61, v5;
	v30 =	vld [tilespmem:s20+$0x131D0]  }
0x268: {  	v9 =	vmul.f32 v62, v60;
	v32 =	vld [tilespmem:s20+$0x69A0]  }
0x269: {  	v34 =	vmul.f32 v59, v58;
	v7 =	vadd.f32 v31, v7;
	v5 =	vadd.f32 v29, v5;
	v33 =	vld [tilespmem:s20+$0x131A0]  }
0x26a: {  	v35 =	vld [tilespmem:s20+$0x69E0]  }
0x26b: {  	v7 =	vadd.f32 v9, v7;
	v5 =	vadd.f32 v34, v5;
	v36 =	vld [tilespmem:s20+$0x131E0]  }
0x26c: {  	v37 =	vld [tilespmem:s20+$0x69B0]  }
0x26d: {  	v5 =	vadd.f32 v7, v5;
	v38 =	vld [tilespmem:s20+$0x131B0]  }
0x26e: {  	v39 =	vld [tilespmem:s20+$0x69F0]  }
0x26f: {  	v40 =	vld [tilespmem:s20+$0x131F0];
	[tilespmem:$0x1E366] =	vst v5  }
0x270: {  	v5 =	vld [tilespmem:s20+$0x5A00]  }
0x271: {  	v41 =	vld [tilespmem:s20+$0x12200]  }
0x272: {  	v42 =	vld [tilespmem:s20+$0x5A40]  }
0x273: {  	v43 =	vld [tilespmem:s20+$0x12240]  }
0x274: {  	v44 =	vld [tilespmem:s20+$0x5A10]  }
0x275: {  	v45 =	vld [tilespmem:s20+$0x12210]  }
0x276: {  	v46 =	vld [tilespmem:s20+$0x5A50]  }
0x277: {  	v47 =	vld [tilespmem:s20+$0x12250]  }
0x278: {  	v48 =	vld [tilespmem:s20+$0x5A20]  }
0x279: {  	v49 =	vld [tilespmem:s20+$0x12220]  }
0x27a: {  	v58 =	vld [tilespmem:s20+$0x5A70]  }
0x27b: {  	v61 =	vld [tilespmem:s20+$0x12270];
	v0 =	vmul.f32 v1, v0;
	v51 =	vmul.f32 v63, v4  }
0x27c: {  	v50 =	vld [tilespmem:s20+$0x5A60];
	v2 =	vmul.f32 v3, v2;
	v53 =	vmul.f32 v30, v28  }
0x27d: {  	v52 =	vld [tilespmem:s20+$0x12260];
	v55 =	vmul.f32 v33, v32  }
0x27e: {  	v54 =	vld [tilespmem:s20+$0x5A30];
	v57 =	vmul.f32 v36, v35;
	v0 =	vadd.f32 v51, v0;
	v2 =	vadd.f32 v53, v2  }
0x27f: {  	v14 =	vadd.f32 v14, v15;
	v56 =	vld [tilespmem:s20+$0x12230];
	v8 =	vmul.f32 v38, v37;
	v7 =	vmul.f32 v40, v39  }
0x280: {  	v15 =	vmul.f32 v61, v58;
	v58 =	vld [tilespmem:s20+$0x11A80];
	v0 =	vadd.f32 v55, v0;
	v2 =	vadd.f32 v57, v2  }
0x281: {  	v59 =	vmul.f32 v41, v5;
	v60 =	vmul.f32 v45, v44;
	v61 =	vld [tilespmem:s20+$0x5290]  }
0x282: {  	v57 =	vld [tilespmem:s20+$0x5280];
	v0 =	vadd.f32 v8, v0;
	v2 =	vadd.f32 v7, v2  }
0x283: {  	v62 =	vmul.f32 v43, v42;
	v63 =	vmul.f32 v47, v46;
	v1 =	vadd.f32 v60, v59;
	v59 =	vld [tilespmem:s20+$0x52C0]  }
0x284: {  	v60 =	vld [tilespmem:s20+$0x11AC0];
	v0 =	vadd.f32 v2, v0  }
0x285: {  	v3 =	vadd.f32 v63, v62;
	v62 =	vld [tilespmem:s20+$0x11A90]  }
0x286: {  	v63 =	vld [tilespmem:s20+$0x52D0];
	[tilespmem:$0x1E685] =	vst v0  }
0x287: {  	v18 =	vld [tilespmem:s20+$0x7180]  }
0x288: {  	v19 =	vld [tilespmem:s20+$0x13980]  }
0x289: {  	v36 =	vld [tilespmem:s20+$0x71C0]  }
0x28a: {  	v38 =	vld [tilespmem:s20+$0x139C0]  }
0x28b: {  	v13 =	vmul.f32 v49, v48;
	v4 =	vmul.f32 v52, v50;
	v40 =	vld [tilespmem:s20+$0x7190]  }
0x28c: {  	v42 =	vld [tilespmem:s20+$0x13990]  }
0x28d: {  	[tilespmem:$0x1E762] =	vst v14;
	v14 =	vmul.f32 v56, v54;
	v1 =	vadd.f32 v13, v1;
	v3 =	vadd.f32 v4, v3;
	v43 =	vld [tilespmem:s20+$0x71D0]  }
0x28e: {  	v47 =	vld [tilespmem:s20+$0x139D0]  }
0x28f: {  	v1 =	vadd.f32 v14, v1;
	v16 =	vadd.f32 v15, v3;
	v48 =	vld [tilespmem:s20+$0x71A0]  }
0x290: {  	v49 =	vld [tilespmem:s20+$0x139A0]  }
0x291: {  	v17 =	vadd.f32 v16, v1;
	v50 =	vld [tilespmem:s20+$0x71E0]  }
0x292: {  	v51 =	vld [tilespmem:s20+$0x139E0]  }
0x293: {  	v52 =	vld [tilespmem:s20+$0x71B0];
	[tilespmem:$0x1E476] =	vst v17  }
0x294: {  	v0 =	vld [tilespmem:s20+$0x6200]  }
0x295: {  	v20 =	vld [tilespmem:s20+$0x12A00]  }
0x296: {  	v21 =	vld [tilespmem:s20+$0x6240]  }
0x297: {  	v22 =	vld [tilespmem:s20+$0x12A40]  }
0x298: {  	v23 =	vld [tilespmem:s20+$0x6210]  }
0x299: {  	v24 =	vld [tilespmem:s20+$0x12A10]  }
0x29a: {  	v25 =	vld [tilespmem:s20+$0x6250]  }
0x29b: {  	v26 =	vld [tilespmem:s20+$0x12A50]  }
0x29c: {  	v27 =	vld [tilespmem:s20+$0x6220]  }
0x29d: {  	v28 =	vld [tilespmem:s20+$0x12A20]  }
0x29e: {  	v29 =	vld [tilespmem:s20+$0x6260]  }
0x29f: {  	v30 =	vld [tilespmem:s20+$0x12A60]  }
0x2a0: {  	v31 =	vld [tilespmem:s20+$0x6230]  }
0x2a1: {  	v32 =	vld [tilespmem:s20+$0x12A30]  }
0x2a2: {  	v33 =	vld [tilespmem:s20+$0x6270]  }
0x2a3: {  	v35 =	vld [tilespmem:s20+$0x12A70]  }
0x2a4: {  	v0 =	vmul.f32 v20, v0;
	v2 =	vmul.f32 v22, v21;
	v21 =	vld [tilespmem:s20+$0x11AD0]  }
0x2a5: {  	v34 =	vmul.f32 v24, v23;
	v37 =	vmul.f32 v26, v25;
	v22 =	vld [tilespmem:s20+$0x52A0]  }
0x2a6: {  	v39 =	vmul.f32 v28, v27;
	v23 =	vld [tilespmem:s20+$0x11AA0]  }
0x2a7: {  	v41 =	vmul.f32 v30, v29;
	v24 =	vld [tilespmem:s20+$0x52E0];
	v0 =	vadd.f32 v34, v0;
	v2 =	vadd.f32 v37, v2  }
0x2a8: {  	v45 =	vmul.f32 v32, v31;
	v25 =	vld [tilespmem:s20+$0x11AE0]  }
0x2a9: {  	v46 =	vmul.f32 v35, v33;
	v26 =	vld [tilespmem:s20+$0x52B0];
	v0 =	vadd.f32 v39, v0;
	v44 =	vadd.f32 v41, v2  }
0x2aa: {  	v27 =	vld [tilespmem:s20+$0x11AB0]  }
0x2ab: {  	v28 =	vld [tilespmem:s20+$0x52F0];
	v0 =	vadd.f32 v45, v0;
	v1 =	vadd.f32 v46, v44  }
0x2ac: {  	v30 =	vld [tilespmem:s20+$0x11AF0]  }
0x2ad: {  	v34 =	vmul.f32 v23, v22;
	v23 =	vld [tilespmem:s20+$0x139B0];
	v0 =	vadd.f32 v1, v0  }
0x2ae: {  	[tilespmem:$0x1F950] =	vst v36;
	v36 =	vmul.f32 v25, v24;
	v25 =	vld [tilespmem:s20+$0x71F0]  }
0x2af: {  	v39 =	vmul.f32 v27, v26;
	v26 =	vld [tilespmem:s20+$0x139F0];
	[tilespmem:$0x1E586] =	vst v0  }
0x2b0: {  	v0 =	vld [tilespmem:s20+$0x6A00]  }
0x2b1: {  	v53 =	vld [tilespmem:s20+$0x13200]  }
0x2b2: {  	v54 =	vld [tilespmem:s20+$0x6A40]  }
0x2b3: {  	v55 =	vld [tilespmem:s20+$0x13240]  }
0x2b4: {  	v5 =	vmul.f32 v58, v57;
	v7 =	vmul.f32 v60, v59;
	v56 =	vld [tilespmem:s20+$0x6A10]  }
0x2b5: {  	v29 =	vmul.f32 v62, v61;
	v32 =	vmul.f32 v21, v63;
	v31 =	vld [tilespmem:s20+$0x13210]  }
0x2b6: {  	v33 =	vld [tilespmem:s20+$0x6A50]  }
0x2b7: {  	v5 =	vadd.f32 v29, v5;
	v7 =	vadd.f32 v32, v7;
	v35 =	vld [tilespmem:s20+$0x13250]  }
0x2b8: {  	v37 =	vld [tilespmem:s20+$0x6A20]  }
0x2b9: {  	[tilespmem:$0x1F960] =	vst v38;
	v9 =	vmul.f32 v30, v28;
	v5 =	vadd.f32 v34, v5;
	v7 =	vadd.f32 v36, v7;
	v38 =	vld [tilespmem:s20+$0x13220]  }
0x2ba: {  	[tilespmem:$0x1F930] =	vst v40;
	v40 =	vld [tilespmem:s20+$0x6A60]  }
0x2bb: {  	v5 =	vadd.f32 v39, v5;
	v41 =	vld [tilespmem:s20+$0x13260];
	v7 =	vadd.f32 v9, v7  }
0x2bc: {  	[tilespmem:$0x1F940] =	vst v42;
	v42 =	vld [tilespmem:s20+$0x6A30]  }
0x2bd: {  	[tilespmem:$0x1F970] =	vst v43;
	v43 =	vld [tilespmem:s20+$0x13230];
	v5 =	vadd.f32 v7, v5  }
0x2be: {  	v44 =	vld [tilespmem:s20+$0x6A70]  }
0x2bf: {  	v45 =	vld [tilespmem:s20+$0x13270];
	[tilespmem:$0x1E377] =	vst v5  }
0x2c0: {  	v5 =	vld [tilespmem:s20+$0x5A80]  }
0x2c1: {  	[tilespmem:$0x1F980] =	vst v47;
	v46 =	vld [tilespmem:s20+$0x12280]  }
0x2c2: {  	[tilespmem:$0x1F990] =	vst v48;
	v47 =	vld [tilespmem:s20+$0x5AC0]  }
0x2c3: {  	[tilespmem:$0x1F9A0] =	vst v49;
	v48 =	vld [tilespmem:s20+$0x122C0]  }
0x2c4: {  	[tilespmem:$0x1F9D0] =	vst v52;
	v49 =	vld [tilespmem:s20+$0x5A90];
	v0 =	vmul.f32 v53, v0;
	v52 =	vmul.f32 v31, v56  }
0x2c5: {  	[tilespmem:$0x1F9B0] =	vst v50;
	v50 =	vld [tilespmem:s20+$0x12290];
	v2 =	vmul.f32 v55, v54;
	v54 =	vmul.f32 v35, v33  }
0x2c6: {  	[tilespmem:$0x1F9C0] =	vst v51;
	v51 =	vld [tilespmem:s20+$0x5AD0];
	v56 =	vmul.f32 v38, v37  }
0x2c7: {  	v53 =	vld [tilespmem:s20+$0x122D0];
	v58 =	vmul.f32 v41, v40;
	v0 =	vadd.f32 v52, v0;
	v2 =	vadd.f32 v54, v2  }
0x2c8: {  	[tilespmem:$0x1E751] =	vst v12;
	v55 =	vld [tilespmem:s20+$0x5AA0];
	v61 =	vmul.f32 v43, v42  }
0x2c9: {  	[tilespmem:$0x1E740] =	vst v11;
	v57 =	vld [tilespmem:s20+$0x122A0];
	v7 =	vmul.f32 v45, v44;
	v0 =	vadd.f32 v56, v0;
	v2 =	vadd.f32 v58, v2  }
0x2ca: {  	[tilespmem:$0x1F910] =	vst v18;
	v59 =	vld [tilespmem:s20+$0x5AE0]  }
0x2cb: {  	[tilespmem:$0x1F920] =	vst v19;
	v60 =	vld [tilespmem:s20+$0x122E0];
	v0 =	vadd.f32 v61, v0;
	v2 =	vadd.f32 v7, v2  }
0x2cc: {  	[tilespmem:$0x1F9E0] =	vst v23;
	v62 =	vld [tilespmem:s20+$0x5AB0]  }
0x2cd: {  	[tilespmem:$0x1F9F0] =	vst v25;
	v63 =	vld [tilespmem:s20+$0x122B0];
	v0 =	vadd.f32 v2, v0  }
0x2ce: {  	[tilespmem:$0x1FA00] =	vst v26;
	v16 =	vld [tilespmem:s20+$0x5AF0]  }
0x2cf: {  	v21 =	vld [tilespmem:s20+$0x122F0];
	[tilespmem:$0x1E696] =	vst v0  }
0x2d0: {  	v28 =	vld [tilespmem:s20+$0x7200]  }
0x2d1: {  	v30 =	vld [tilespmem:s20+$0x13A00]  }
0x2d2: {  	v32 =	vld [tilespmem:s20+$0x7240]  }
0x2d3: {  	v33 =	vld [tilespmem:s20+$0x13A40]  }
0x2d4: {  	v34 =	vld [tilespmem:s20+$0x7210]  }
0x2d5: {  	v35 =	vld [tilespmem:s20+$0x13A10]  }
0x2d6: {  	v36 =	vld [tilespmem:s20+$0x7250]  }
0x2d7: {  	v37 =	vld [tilespmem:s20+$0x13A50]  }
0x2d8: {  	v4 =	vmul.f32 v53, v51;
	v53 =	vld [tilespmem:s20+$0x5300]  }
0x2d9: {  	v5 =	vmul.f32 v46, v5;
	v20 =	vmul.f32 v50, v49;
	v54 =	vld [tilespmem:s20+$0x11B00]  }
0x2da: {  	v24 =	vmul.f32 v48, v47;
	v6 =	vmul.f32 v57, v55;
	v55 =	vld [tilespmem:s20+$0x5340]  }
0x2db: {  	v56 =	vld [tilespmem:s20+$0x11B40]  }
0x2dc: {  	v1 =	vmul.f32 v60, v59;
	v5 =	vadd.f32 v20, v5;
	v27 =	vadd.f32 v4, v24;
	v57 =	vld [tilespmem:s20+$0x5310]  }
0x2dd: {  	v31 =	vmul.f32 v63, v62;
	v58 =	vld [tilespmem:s20+$0x11B10]  }
0x2de: {  	v3 =	vmul.f32 v21, v16;
	v29 =	vadd.f32 v6, v5;
	v0 =	vadd.f32 v1, v27;
	v59 =	vld [tilespmem:s20+$0x5350]  }
0x2df: {  	v60 =	vld [tilespmem:s20+$0x11B50]  }
0x2e0: {  	v1 =	vadd.f32 v31, v29;
	v61 =	vld [tilespmem:s20+$0x5320];
	v0 =	vadd.f32 v3, v0  }
0x2e1: {  	v62 =	vld [tilespmem:s20+$0x11B20]  }
0x2e2: {  	v18 =	vld [tilespmem:s20+$0x5360];
	v0 =	vadd.f32 v0, v1  }
0x2e3: {  	v20 =	vld [tilespmem:s20+$0x11B60]  }
0x2e4: {  	v22 =	vld [tilespmem:s20+$0x5330];
	[tilespmem:$0x1E487] =	vst v0  }
0x2e5: {  	v0 =	vld [tilespmem:s20+$0x6280]  }
0x2e6: {  	v38 =	vld [tilespmem:s20+$0x12A80]  }
0x2e7: {  	v39 =	vld [tilespmem:s20+$0x62C0]  }
0x2e8: {  	v40 =	vld [tilespmem:s20+$0x12AC0]  }
0x2e9: {  	v41 =	vld [tilespmem:s20+$0x6290]  }
0x2ea: {  	v42 =	vld [tilespmem:s20+$0x12A90]  }
0x2eb: {  	v43 =	vld [tilespmem:s20+$0x62D0]  }
0x2ec: {  	v44 =	vld [tilespmem:s20+$0x12AD0]  }
0x2ed: {  	v45 =	vld [tilespmem:s20+$0x62A0]  }
0x2ee: {  	v46 =	vld [tilespmem:s20+$0x12AA0]  }
0x2ef: {  	v47 =	vld [tilespmem:s20+$0x62E0]  }
0x2f0: {  	v48 =	vld [tilespmem:s20+$0x12AE0]  }
0x2f1: {  	v49 =	vld [tilespmem:s20+$0x62B0]  }
0x2f2: {  	v50 =	vld [tilespmem:s20+$0x12AB0]  }
0x2f3: {  	v51 =	vld [tilespmem:s20+$0x62F0]  }
0x2f4: {  	v52 =	vld [tilespmem:s20+$0x12AF0];
	v0 =	vmul.f32 v38, v0;
	v63 =	vmul.f32 v42, v41  }
0x2f5: {  	v24 =	vld [tilespmem:s20+$0x11B30];
	v2 =	vmul.f32 v40, v39;
	v19 =	vmul.f32 v44, v43  }
0x2f6: {  	v14 =	vld [tilespmem:s20+$0x11C90];
	[tilespmem:$0x1FA40] =	vst v33;
	v21 =	vmul.f32 v46, v45  }
0x2f7: {  	v12 =	vld [tilespmem:$0x1F920];
	[tilespmem:$0x1FA60] =	vst v35;
	v23 =	vmul.f32 v48, v47;
	v0 =	vadd.f32 v63, v0;
	v2 =	vadd.f32 v19, v2  }
0x2f8: {  	[tilespmem:$0x1FA70] =	vst v36;
	v35 =	vld [tilespmem:s20+$0x5370];
	v36 =	vmul.f32 v54, v53;
	v33 =	vmul.f32 v50, v49  }
0x2f9: {  	[tilespmem:$0x1FA50] =	vst v34;
	v34 =	vmul.f32 v52, v51;
	v38 =	vld [tilespmem:s20+$0x11B70];
	v0 =	vadd.f32 v21, v0;
	v2 =	vadd.f32 v23, v2  }
0x2fa: {  	[tilespmem:$0x1FA80] =	vst v37;
	v37 =	vmul.f32 v58, v57;
	v39 =	vld [tilespmem:s20+$0x7220];
	v40 =	vmul.f32 v56, v55  }
0x2fb: {  	v41 =	vmul.f32 v60, v59;
	v42 =	vld [tilespmem:s20+$0x13A20];
	v0 =	vadd.f32 v33, v0;
	v2 =	vadd.f32 v34, v2  }
0x2fc: {  	v4 =	vmul.f32 v20, v18;
	v3 =	vadd.f32 v37, v36;
	v44 =	vld [tilespmem:s20+$0x7260]  }
0x2fd: {  	v43 =	vmul.f32 v62, v61;
	v45 =	vld [tilespmem:s20+$0x13A60];
	v1 =	vadd.f32 v41, v40;
	v0 =	vadd.f32 v2, v0  }
0x2fe: {  	v47 =	vld [tilespmem:s20+$0x7230];
	v48 =	vmul.f32 v24, v22  }
0x2ff: {  	v50 =	vld [tilespmem:s20+$0x13A30];
	v46 =	vadd.f32 v43, v3;
	v1 =	vadd.f32 v4, v1;
	v49 =	vmul.f32 v38, v35;
	[tilespmem:$0x1E597] =	vst v0  }
0x300: {  	v0 =	vld [tilespmem:s20+$0x6A80]  }
0x301: {  	v1 =	vadd.f32 v49, v1;
	v2 =	vadd.f32 v48, v46;
	v3 =	vld [tilespmem:s20+$0x13280]  }
0x302: {  	v4 =	vld [tilespmem:s20+$0x6AC0]  }
0x303: {  	v1 =	vadd.f32 v1, v2;
	v2 =	vld [tilespmem:s20+$0x132C0]  }
0x304: {  	v51 =	vld [tilespmem:s20+$0x6A90]  }
0x305: {  	v23 =	vld [tilespmem:s20+$0x13290]  }
0x306: {  	v25 =	vld [tilespmem:s20+$0x6AD0]  }
0x307: {  	v27 =	vld [tilespmem:s20+$0x132D0]  }
0x308: {  	v37 =	vld [tilespmem:s20+$0x6AA0]  }
0x309: {  	v38 =	vld [tilespmem:s20+$0x132A0]  }
0x30a: {  	v40 =	vld [tilespmem:s20+$0x6AE0]  }
0x30b: {  	v41 =	vld [tilespmem:s20+$0x132E0]  }
0x30c: {  	[tilespmem:$0x1FAA0] =	vst v42;
	v42 =	vld [tilespmem:s20+$0x6AB0]  }
0x30d: {  	v43 =	vld [tilespmem:s20+$0x132B0];
	[tilespmem:$0x1E388] =	vst v1  }
0x30e: {  	v1 =	vld [tilespmem:s20+$0x5B00]  }
0x30f: {  	v52 =	vld [tilespmem:s20+$0x12300]  }
0x310: {  	v53 =	vld [tilespmem:s20+$0x5B40]  }
0x311: {  	v54 =	vld [tilespmem:s20+$0x12340]  }
0x312: {  	v55 =	vld [tilespmem:s20+$0x5B10]  }
0x313: {  	v56 =	vld [tilespmem:s20+$0x12310]  }
0x314: {  	v57 =	vld [tilespmem:s20+$0x5B50]  }
0x315: {  	v58 =	vld [tilespmem:s20+$0x12350]  }
0x316: {  	v59 =	vld [tilespmem:s20+$0x5B20]  }
0x317: {  	v60 =	vld [tilespmem:s20+$0x12320]  }
0x318: {  	v61 =	vld [tilespmem:s20+$0x5B60]  }
0x319: {  	v62 =	vld [tilespmem:s20+$0x12360]  }
0x31a: {  	v63 =	vld [tilespmem:s20+$0x5B30]  }
0x31b: {  	v19 =	vld [tilespmem:s20+$0x12330]  }
0x31c: {  	[tilespmem:$0x1FAB0] =	vst v44;
	v44 =	vld [tilespmem:s20+$0x6AF0];
	v0 =	vmul.f32 v3, v0  }
0x31d: {  	v20 =	vld [tilespmem:s20+$0x5B70];
	v51 =	vmul.f32 v23, v51;
	v1 =	vmul.f32 v52, v1  }
0x31e: {  	v22 =	vld [tilespmem:s20+$0x12370];
	v21 =	vmul.f32 v56, v55;
	v7 =	vmul.f32 v54, v53  }
0x31f: {  	[tilespmem:$0x1FAC0] =	vst v45;
	v45 =	vld [tilespmem:s20+$0x132F0];
	v24 =	vmul.f32 v58, v57;
	v26 =	vmul.f32 v60, v59  }
0x320: {  	[tilespmem:$0x1FA90] =	vst v39;
	v36 =	vmul.f32 v62, v61;
	v39 =	vmul.f32 v19, v63;
	v19 =	vld [tilespmem:s20+$0x7270]  }
0x321: {  	v55 =	vmul.f32 v38, v37;
	v37 =	vld [tilespmem:s20+$0x5380];
	v1 =	vadd.f32 v21, v1;
	v7 =	vadd.f32 v24, v7  }
0x322: {  	v2 =	vmul.f32 v2, v4;
	v0 =	vadd.f32 v51, v0;
	v38 =	vld [tilespmem:s20+$0x11B80]  }
0x323: {  	v9 =	vmul.f32 v22, v20;
	v51 =	vld [tilespmem:s20+$0x11BA0];
	v1 =	vadd.f32 v26, v1;
	v7 =	vadd.f32 v36, v7  }
0x324: {  	v53 =	vmul.f32 v27, v25;
	v60 =	vmul.f32 v43, v42;
	v42 =	vld [tilespmem:s20+$0x5420]  }
0x325: {  	v21 =	vld [tilespmem:s20+$0x13A70];
	v1 =	vadd.f32 v39, v1;
	v7 =	vadd.f32 v9, v7  }
0x326: {  	v2 =	vadd.f32 v53, v2;
	v53 =	vld [tilespmem:s20+$0x11BE0]  }
0x327: {  	v0 =	vadd.f32 v55, v0;
	v55 =	vld [tilespmem:s20+$0x11BB0];
	v1 =	vadd.f32 v7, v1  }
0x328: {  	v39 =	vld [tilespmem:s20+$0x53C0]  }
0x329: {  	v7 =	vmul.f32 v45, v44;
	v45 =	vld [tilespmem:s20+$0x11BC0];
	[tilespmem:$0x1E498] =	vst v1  }
0x32a: {  	v1 =	vld [tilespmem:s20+$0x6300]  }
0x32b: {  	v46 =	vld [tilespmem:s20+$0x12B00]  }
0x32c: {  	[tilespmem:$0x1FB70] =	vst v47;
	v47 =	vld [tilespmem:s20+$0x6340]  }
0x32d: {  	v48 =	vld [tilespmem:s20+$0x12B40]  }
0x32e: {  	v49 =	vld [tilespmem:s20+$0x6310]  }
0x32f: {  	[tilespmem:$0x1FB80] =	vst v50;
	v50 =	vld [tilespmem:s20+$0x12B10]  }
0x330: {  	v52 =	vld [tilespmem:s20+$0x6350]  }
0x331: {  	v57 =	vmul.f32 v41, v40;
	v54 =	vld [tilespmem:s20+$0x12B50]  }
0x332: {  	v56 =	vld [tilespmem:s20+$0x6320]  }
0x333: {  	v2 =	vadd.f32 v57, v2;
	v58 =	vld [tilespmem:s20+$0x12B20]  }
0x334: {  	v59 =	vld [tilespmem:s20+$0x6360]  }
0x335: {  	v0 =	vadd.f32 v60, v0;
	v2 =	vadd.f32 v7, v2;
	v61 =	vld [tilespmem:s20+$0x12B60]  }
0x336: {  	v62 =	vld [tilespmem:s20+$0x6330]  }
0x337: {  	v63 =	vld [tilespmem:s20+$0x12B30];
	v0 =	vadd.f32 v2, v0  }
0x338: {  	v16 =	vld [tilespmem:s20+$0x6370]  }
0x339: {  	v18 =	vld [tilespmem:s20+$0x12B70];
	[tilespmem:$0x1E6A7] =	vst v0  }
0x33a: {  	v24 =	vld [tilespmem:s20+$0x7280]  }
0x33b: {  	v26 =	vld [tilespmem:s20+$0x13A80]  }
0x33c: {  	v27 =	vld [tilespmem:s20+$0x72C0]  }
0x33d: {  	v31 =	vld [tilespmem:s20+$0x13AC0]  }
0x33e: {  	[tilespmem:$0x1FA30] =	vst v32;
	v32 =	vld [tilespmem:s20+$0x7290]  }
0x33f: {  	v33 =	vld [tilespmem:s20+$0x13A90]  }
0x340: {  	v34 =	vld [tilespmem:s20+$0x72D0]  }
0x341: {  	v35 =	vld [tilespmem:s20+$0x13AD0]  }
0x342: {  	v36 =	vld [tilespmem:s20+$0x72A0]  }
0x343: {  	v7 =	vmul.f32 v45, v39;
	v45 =	vld [tilespmem:s20+$0x72E0]  }
0x344: {  	v43 =	vld [tilespmem:s20+$0x72B0]  }
0x345: {  	v1 =	vmul.f32 v46, v1;
	v17 =	vmul.f32 v50, v49;
	v46 =	vld [tilespmem:s20+$0x5390]  }
0x346: {  	v20 =	vmul.f32 v48, v47;
	v5 =	vmul.f32 v54, v52;
	v47 =	vld [tilespmem:s20+$0x11B90]  }
0x347: {  	v23 =	vmul.f32 v58, v56;
	v48 =	vld [tilespmem:s20+$0x53D0]  }
0x348: {  	v3 =	vmul.f32 v61, v59;
	v49 =	vld [tilespmem:s20+$0x11BD0];
	v22 =	vadd.f32 v17, v1;
	v25 =	vadd.f32 v5, v20  }
0x349: {  	[tilespmem:$0x1FA10] =	vst v28;
	v29 =	vmul.f32 v63, v62;
	v50 =	vld [tilespmem:s20+$0x53A0]  }
0x34a: {  	[tilespmem:$0x1FA20] =	vst v30;
	v30 =	vmul.f32 v18, v16;
	v52 =	vld [tilespmem:s20+$0x53E0];
	v0 =	vadd.f32 v23, v22;
	v28 =	vadd.f32 v3, v25  }
0x34b: {  	v54 =	vld [tilespmem:s20+$0x53B0]  }
0x34c: {  	v56 =	vld [tilespmem:s20+$0x53F0];
	v0 =	vadd.f32 v29, v0;
	v1 =	vadd.f32 v30, v28  }
0x34d: {  	v58 =	vld [tilespmem:s20+$0x11BF0]  }
0x34e: {  	v62 =	vmul.f32 v51, v50;
	v50 =	vld [tilespmem:s20+$0x13AE0];
	v0 =	vadd.f32 v1, v0  }
0x34f: {  	v60 =	vmul.f32 v49, v48;
	v49 =	vld [tilespmem:s20+$0x13AB0]  }
0x350: {  	v51 =	vld [tilespmem:s20+$0x72F0];
	[tilespmem:$0x1E5A8] =	vst v0  }
0x351: {  	v0 =	vld [tilespmem:s20+$0x6B00]  }
0x352: {  	v1 =	vld [tilespmem:s20+$0x13300]  }
0x353: {  	v2 =	vld [tilespmem:s20+$0x6B40]  }
0x354: {  	v3 =	vld [tilespmem:s20+$0x13340]  }
0x355: {  	v4 =	vld [tilespmem:s20+$0x6B10]  }
0x356: {  	v5 =	vmul.f32 v38, v37;
	v57 =	vmul.f32 v47, v46;
	v59 =	vld [tilespmem:s20+$0x13310]  }
0x357: {  	v61 =	vld [tilespmem:s20+$0x6B50]  }
0x358: {  	[tilespmem:$0x1FB90] =	vst v19;
	v19 =	vmul.f32 v53, v52;
	v5 =	vadd.f32 v57, v5;
	v7 =	vadd.f32 v60, v7;
	v63 =	vld [tilespmem:s20+$0x13350]  }
0x359: {  	v22 =	vmul.f32 v55, v54;
	v20 =	vld [tilespmem:s20+$0x6B20]  }
0x35a: {  	[tilespmem:$0x1FBA0] =	vst v21;
	v9 =	vmul.f32 v58, v56;
	v5 =	vadd.f32 v62, v5;
	v7 =	vadd.f32 v19, v7;
	v21 =	vld [tilespmem:s20+$0x13320]  }
0x35b: {  	v23 =	vld [tilespmem:s20+$0x6B60]  }
0x35c: {  	[tilespmem:$0x1FAD0] =	vst v24;
	v24 =	vld [tilespmem:s20+$0x13360];
	v5 =	vadd.f32 v22, v5;
	v7 =	vadd.f32 v9, v7  }
0x35d: {  	v25 =	vld [tilespmem:s20+$0x6B30]  }
0x35e: {  	[tilespmem:$0x1FAE0] =	vst v26;
	v26 =	vld [tilespmem:s20+$0x13330];
	v5 =	vadd.f32 v7, v5  }
0x35f: {  	[tilespmem:$0x1FAF0] =	vst v27;
	v27 =	vld [tilespmem:s20+$0x6B70]  }
0x360: {  	v28 =	vld [tilespmem:s20+$0x13370];
	[tilespmem:$0x1E399] =	vst v5  }
0x361: {  	v5 =	vld [tilespmem:s20+$0x5B80]  }
0x362: {  	v29 =	vld [tilespmem:s20+$0x12380]  }
0x363: {  	v30 =	vld [tilespmem:s20+$0x5BC0]  }
0x364: {  	[tilespmem:$0x1FB00] =	vst v31;
	v31 =	vld [tilespmem:s20+$0x123C0]  }
0x365: {  	[tilespmem:$0x1FB10] =	vst v32;
	v32 =	vld [tilespmem:s20+$0x5B90]  }
0x366: {  	[tilespmem:$0x1FB20] =	vst v33;
	v33 =	vld [tilespmem:s20+$0x12390]  }
0x367: {  	[tilespmem:$0x1FB30] =	vst v34;
	v34 =	vld [tilespmem:s20+$0x5BD0]  }
0x368: {  	[tilespmem:$0x1FB40] =	vst v35;
	v35 =	vld [tilespmem:s20+$0x123D0]  }
0x369: {  	[tilespmem:$0x1FB50] =	vst v36;
	v36 =	vld [tilespmem:s20+$0x5BA0]  }
0x36a: {  	v37 =	vld [tilespmem:s20+$0x123A0]  }
0x36b: {  	v39 =	vld [tilespmem:s20+$0x5BE0]  }
0x36c: {  	v41 =	vld [tilespmem:s20+$0x123E0]  }
0x36d: {  	v53 =	vld [tilespmem:s20+$0x5BB0]  }
0x36e: {  	v55 =	vld [tilespmem:s20+$0x123B0]  }
0x36f: {  	v57 =	vld [tilespmem:s20+$0x5BF0]  }
0x370: {  	v0 =	vmul.f32 v1, v0;
	v38 =	vmul.f32 v59, v4;
	v60 =	vld [tilespmem:s20+$0x123F0]  }
0x371: {  	v2 =	vmul.f32 v3, v2;
	v40 =	vmul.f32 v63, v61;
	v61 =	vld [tilespmem:s20+$0x13AA0]  }
0x372: {  	v52 =	vmul.f32 v21, v20;
	v0 =	vadd.f32 v38, v0;
	v38 =	vld [tilespmem:s20+$0x5410]  }
0x373: {  	v54 =	vmul.f32 v24, v23;
	v2 =	vadd.f32 v40, v2;
	v40 =	vld [tilespmem:s20+$0x5450]  }
0x374: {  	v56 =	vmul.f32 v26, v25;
	v0 =	vadd.f32 v52, v0;
	v52 =	vld [tilespmem:s20+$0x13AF0]  }
0x375: {  	v7 =	vmul.f32 v28, v27;
	v2 =	vadd.f32 v54, v2;
	v63 =	vmul.f32 v35, v34;
	v34 =	vld [tilespmem:s20+$0x5400]  }
0x376: {  	v58 =	vmul.f32 v29, v5;
	v59 =	vmul.f32 v33, v32;
	v35 =	vld [tilespmem:s20+$0x11C00]  }
0x377: {  	v15 =	vmul.f32 v37, v36;
	v36 =	vld [tilespmem:s20+$0x5440];
	v0 =	vadd.f32 v56, v0;
	v2 =	vadd.f32 v7, v2  }
0x378: {  	v37 =	vld [tilespmem:s20+$0x11C40]  }
0x379: {  	v4 =	vmul.f32 v41, v39;
	v39 =	vld [tilespmem:s20+$0x11C10];
	v3 =	vadd.f32 v59, v58;
	v0 =	vadd.f32 v2, v0  }
0x37a: {  	v62 =	vmul.f32 v31, v30;
	v41 =	vld [tilespmem:s20+$0x11C50]  }
0x37b: {  	v16 =	vadd.f32 v15, v3;
	v15 =	vld [tilespmem:s20+$0x5490];
	[tilespmem:$0x1E6B8] =	vst v0  }
0x37c: {  	v1 =	vadd.f32 v63, v62;
	v46 =	vld [tilespmem:s20+$0x7300]  }
0x37d: {  	v48 =	vld [tilespmem:s20+$0x13B00]  }
0x37e: {  	v18 =	vmul.f32 v60, v57;
	v1 =	vadd.f32 v4, v1;
	v44 =	vld [tilespmem:s20+$0x7340]  }
0x37f: {  	v17 =	vmul.f32 v55, v53;
	v47 =	vld [tilespmem:s20+$0x13B40]  }
0x380: {  	v1 =	vadd.f32 v18, v1;
	v18 =	vld [tilespmem:s20+$0x11C20]  }
0x381: {  	v19 =	vadd.f32 v17, v16;
	v53 =	vld [tilespmem:s20+$0x7310]  }
0x382: {  	v55 =	vld [tilespmem:s20+$0x13B10]  }
0x383: {  	v54 =	vld [tilespmem:s20+$0x7350];
	v0 =	vadd.f32 v1, v19  }
0x384: {  	v57 =	vld [tilespmem:s20+$0x13B50]  }
0x385: {  	v56 =	vld [tilespmem:s20+$0x7320];
	[tilespmem:$0x1E4A9] =	vst v0  }
0x386: {  	v0 =	vld [tilespmem:s20+$0x6380]  }
0x387: {  	v20 =	vld [tilespmem:s20+$0x12B80]  }
0x388: {  	v2 =	vld [tilespmem:s20+$0x63C0]  }
0x389: {  	v21 =	vld [tilespmem:s20+$0x12BC0]  }
0x38a: {  	v22 =	vld [tilespmem:s20+$0x6390]  }
0x38b: {  	v23 =	vld [tilespmem:s20+$0x12B90]  }
0x38c: {  	v24 =	vld [tilespmem:s20+$0x63D0]  }
0x38d: {  	v25 =	vld [tilespmem:s20+$0x12BD0]  }
0x38e: {  	v26 =	vld [tilespmem:s20+$0x63A0]  }
0x38f: {  	v27 =	vld [tilespmem:s20+$0x12BA0]  }
0x390: {  	v28 =	vld [tilespmem:s20+$0x63E0]  }
0x391: {  	v29 =	vld [tilespmem:s20+$0x12BE0]  }
0x392: {  	v30 =	vld [tilespmem:s20+$0x63B0]  }
0x393: {  	v31 =	vld [tilespmem:s20+$0x12BB0]  }
0x394: {  	v32 =	vld [tilespmem:s20+$0x63F0]  }
0x395: {  	v33 =	vld [tilespmem:s20+$0x12BF0]  }
0x396: {  	v58 =	vld [tilespmem:s20+$0x13B20];
	v0 =	vmul.f32 v20, v0;
	v19 =	vmul.f32 v23, v22  }
0x397: {  	v20 =	vld [tilespmem:s20+$0x5460];
	v2 =	vmul.f32 v21, v2;
	v21 =	vmul.f32 v25, v24  }
0x398: {  	v22 =	vld [tilespmem:s20+$0x11C60];
	v23 =	vmul.f32 v27, v26  }
0x399: {  	v24 =	vld [tilespmem:s20+$0x5430];
	v25 =	vmul.f32 v29, v28;
	v0 =	vadd.f32 v19, v0;
	v2 =	vadd.f32 v21, v2  }
0x39a: {  	v26 =	vld [tilespmem:s20+$0x11C30];
	v27 =	vmul.f32 v31, v30;
	v28 =	vmul.f32 v33, v32  }
0x39b: {  	v29 =	vld [tilespmem:s20+$0x5470];
	v30 =	vmul.f32 v35, v34;
	v0 =	vadd.f32 v23, v0;
	v2 =	vadd.f32 v25, v2  }
0x39c: {  	v31 =	vmul.f32 v39, v38;
	v32 =	vld [tilespmem:s20+$0x11C70];
	v33 =	vmul.f32 v37, v36  }
0x39d: {  	v63 =	vld [tilespmem:s20+$0x7360];
	v34 =	vmul.f32 v41, v40;
	v0 =	vadd.f32 v27, v0;
	v2 =	vadd.f32 v28, v2  }
0x39e: {  	v59 =	vld [tilespmem:s20+$0x7330];
	v35 =	vmul.f32 v18, v42;
	v3 =	vadd.f32 v31, v30  }
0x39f: {  	v60 =	vld [tilespmem:s20+$0x13B30];
	v1 =	vadd.f32 v34, v33;
	v4 =	vmul.f32 v22, v20;
	v0 =	vadd.f32 v2, v0  }
0x3a0: {  	[tilespmem:$0x1FB60] =	vst v61;
	v61 =	vld [tilespmem:s20+$0x7370];
	v36 =	vadd.f32 v35, v3  }
0x3a1: {  	v62 =	vld [tilespmem:s20+$0x13B70];
	v37 =	vmul.f32 v26, v24;
	v38 =	vmul.f32 v32, v29;
	v1 =	vadd.f32 v4, v1;
	[tilespmem:$0x1E5B9] =	vst v0  }
0x3a2: {  	v20 =	vld [tilespmem:s20+$0x6B80]  }
0x3a3: {  	v2 =	vadd.f32 v37, v36;
	v1 =	vadd.f32 v38, v1;
	v18 =	vld [tilespmem:s20+$0x13380]  }
0x3a4: {  	v19 =	vld [tilespmem:s20+$0x6BC0]  }
0x3a5: {  	v1 =	vadd.f32 v1, v2;
	v4 =	vld [tilespmem:s20+$0x133C0]  }
0x3a6: {  	v11 =	vld [tilespmem:s20+$0x6BD0]  }
0x3a7: {  	v36 =	vld [tilespmem:s20+$0x133D0];
	[tilespmem:$0x1E3AA] =	vst v1  }
0x3a8: {  	v1 =	vld [tilespmem:s20+$0x5C00]  }
0x3a9: {  	v39 =	vld [tilespmem:s20+$0x12400]  }
0x3aa: {  	v40 =	vld [tilespmem:s20+$0x5C40]  }
0x3ab: {  	v41 =	vld [tilespmem:s20+$0x12440]  }
0x3ac: {  	v42 =	vld [tilespmem:s20+$0x5C10]  }
0x3ad: {  	v21 =	vld [tilespmem:s20+$0x12410]  }
0x3ae: {  	v22 =	vld [tilespmem:s20+$0x5C50]  }
0x3af: {  	v23 =	vld [tilespmem:s20+$0x12450]  }
0x3b0: {  	v24 =	vld [tilespmem:s20+$0x5C20]  }
0x3b1: {  	v25 =	vld [tilespmem:s20+$0x12420]  }
0x3b2: {  	v26 =	vld [tilespmem:s20+$0x5C60]  }
0x3b3: {  	v27 =	vld [tilespmem:s20+$0x12460]  }
0x3b4: {  	v28 =	vld [tilespmem:s20+$0x5C30]  }
0x3b5: {  	v29 =	vld [tilespmem:s20+$0x12430]  }
0x3b6: {  	v30 =	vld [tilespmem:s20+$0x5C70];
	v4 =	vmul.f32 v4, v19  }
0x3b7: {  	v32 =	vld [tilespmem:s20+$0x12470];
	v1 =	vmul.f32 v39, v1;
	v31 =	vmul.f32 v21, v42  }
0x3b8: {  	v5 =	vld [tilespmem:s20+$0x6B90];
	v7 =	vmul.f32 v41, v40;
	v33 =	vmul.f32 v23, v22  }
0x3b9: {  	v10 =	vld [tilespmem:s20+$0x13390];
	v11 =	vmul.f32 v36, v11;
	v34 =	vmul.f32 v25, v24  }
0x3ba: {  	v37 =	vld [tilespmem:s20+$0x6BA0];
	v35 =	vmul.f32 v27, v26;
	v1 =	vadd.f32 v31, v1;
	v7 =	vadd.f32 v33, v7  }
0x3bb: {  	v4 =	vadd.f32 v11, v4;
	v11 =	vld [tilespmem:$0x1F910];
	v38 =	vmul.f32 v29, v28  }
0x3bc: {  	v9 =	vmul.f32 v32, v30;
	v39 =	vld [tilespmem:s20+$0x133A0];
	v1 =	vadd.f32 v34, v1;
	v7 =	vadd.f32 v35, v7  }
0x3bd: {  	v40 =	vld [tilespmem:s20+$0x6BE0]  }
0x3be: {  	v41 =	vld [tilespmem:s20+$0x133E0];
	v1 =	vadd.f32 v38, v1;
	v7 =	vadd.f32 v9, v7  }
0x3bf: {  	v42 =	vld [tilespmem:s20+$0x6BB0]  }
0x3c0: {  	v21 =	vld [tilespmem:s20+$0x133B0];
	v1 =	vadd.f32 v7, v1  }
0x3c1: {  	v22 =	vld [tilespmem:s20+$0x6BF0]  }
0x3c2: {  	v23 =	vld [tilespmem:s20+$0x133F0];
	[tilespmem:$0x1E4BA] =	vst v1  }
0x3c3: {  	v24 =	vld [tilespmem:s20+$0x6400]  }
0x3c4: {  	v25 =	vld [tilespmem:s20+$0x12C00]  }
0x3c5: {  	v26 =	vld [tilespmem:s20+$0x6440]  }
0x3c6: {  	v27 =	vld [tilespmem:s20+$0x12C40]  }
0x3c7: {  	v28 =	vld [tilespmem:s20+$0x6410]  }
0x3c8: {  	v29 =	vld [tilespmem:s20+$0x12C10]  }
0x3c9: {  	v30 =	vld [tilespmem:s20+$0x6450]  }
0x3ca: {  	v31 =	vld [tilespmem:s20+$0x12C50]  }
0x3cb: {  	v32 =	vld [tilespmem:s20+$0x6420]  }
0x3cc: {  	v33 =	vld [tilespmem:s20+$0x12C20]  }
0x3cd: {  	v34 =	vld [tilespmem:s20+$0x6460]  }
0x3ce: {  	v14 =	vmul.f32 v14, v15;
	v35 =	vld [tilespmem:s20+$0x12C60]  }
0x3cf: {  	v18 =	vmul.f32 v18, v20;
	v5 =	vmul.f32 v10, v5;
	v36 =	vld [tilespmem:s20+$0x6430]  }
0x3d0: {  	v13 =	vmul.f32 v12, v11;
	v6 =	vmul.f32 v39, v37;
	v37 =	vld [tilespmem:s20+$0x12C30]  }
0x3d1: {  	v38 =	vmul.f32 v21, v42;
	v1 =	vmul.f32 v23, v22;
	v39 =	vld [tilespmem:s20+$0x6470]  }
0x3d2: {  	v5 =	vadd.f32 v5, v18;
	v20 =	vld [tilespmem:s20+$0x12C70];
	v18 =	vmul.f32 v25, v24;
	v19 =	vmul.f32 v29, v28  }
0x3d3: {  	v17 =	vld [tilespmem:s20+$0x11C80];
	v21 =	vmul.f32 v27, v26;
	v22 =	vmul.f32 v31, v30  }
0x3d4: {  	v16 =	vld [tilespmem:s20+$0x54D0];
	v8 =	vmul.f32 v41, v40;
	v2 =	vmul.f32 v33, v32  }
0x3d5: {  	v15 =	vld [tilespmem:s20+$0x11CF0];
	v25 =	vmul.f32 v35, v34;
	v23 =	vadd.f32 v19, v18;
	v24 =	vadd.f32 v22, v21  }
0x3d6: {  	v10 =	vld [tilespmem:$0x1F970];
	v5 =	vadd.f32 v6, v5;
	v4 =	vadd.f32 v8, v4;
	v26 =	vmul.f32 v37, v36  }
0x3d7: {  	v11 =	vld [tilespmem:$0x1F980];
	v27 =	vmul.f32 v20, v39;
	v2 =	vadd.f32 v2, v23;
	v3 =	vadd.f32 v25, v24  }
0x3d8: {  	v12 =	vld [tilespmem:$0x1F990];
	v5 =	vadd.f32 v38, v5;
	v1 =	vadd.f32 v1, v4  }
0x3d9: {  	v42 =	vld [tilespmem:s20+$0x13B60];
	v28 =	vadd.f32 v26, v2;
	v3 =	vadd.f32 v27, v3  }
0x3da: {  	v9 =	vld [tilespmem:$0x1F960];
	v1 =	vadd.f32 v1, v5  }
0x3db: {  	v4 =	vld [tilespmem:$0x1FA60];
	v5 =	vadd.f32 v3, v28  }
0x3dc: {  	[tilespmem:$0x1E6C9] =	vst v1;
	v20 =	vld [tilespmem:s20+$0x54C0]  }
0x3dd: {  	v39 =	vld [tilespmem:s20+$0x7380];
	[tilespmem:$0x1E5CA] =	vst v5  }
0x3de: {  	v29 =	vld [tilespmem:s20+$0x6C00]  }
0x3df: {  	v30 =	vld [tilespmem:s20+$0x13400]  }
0x3e0: {  	v31 =	vld [tilespmem:s20+$0x6C40]  }
0x3e1: {  	v32 =	vld [tilespmem:s20+$0x13440]  }
0x3e2: {  	v35 =	vld [tilespmem:s20+$0x6C10]  }
0x3e3: {  	v24 =	vld [tilespmem:s20+$0x13410]  }
0x3e4: {  	v25 =	vld [tilespmem:s20+$0x6C50]  }
0x3e5: {  	v26 =	vld [tilespmem:s20+$0x13450]  }
0x3e6: {  	v27 =	vld [tilespmem:s20+$0x6C20]  }
0x3e7: {  	v36 =	vld [tilespmem:s20+$0x13420]  }
0x3e8: {  	v0 =	vld [tilespmem:s20+$0x6C60]  }
0x3e9: {  	v1 =	vld [tilespmem:s20+$0x13460]  }
0x3ea: {  	v18 =	vld [tilespmem:s20+$0x6C30]  }
0x3eb: {  	v2 =	vld [tilespmem:s20+$0x13430]  }
0x3ec: {  	v3 =	vld [tilespmem:s20+$0x6C70]  }
0x3ed: {  	v34 =	vld [tilespmem:s20+$0x13470];
	v6 =	vmul.f32 v30, v29;
	v33 =	vmul.f32 v24, v35  }
0x3ee: {  	v38 =	vld [tilespmem:s20+$0x13B80];
	v8 =	vmul.f32 v32, v31;
	v35 =	vmul.f32 v26, v25  }
0x3ef: {  	v41 =	vld [tilespmem:s20+$0x73C0];
	v36 =	vmul.f32 v36, v27  }
0x3f0: {  	v40 =	vld [tilespmem:s20+$0x13BC0];
	v0 =	vmul.f32 v1, v0;
	v6 =	vadd.f32 v33, v6;
	v8 =	vadd.f32 v35, v8  }
0x3f1: {  	v37 =	vld [tilespmem:s20+$0x7390];
	v2 =	vmul.f32 v2, v18  }
0x3f2: {  	v22 =	vld [tilespmem:s20+$0x13BA0];
	v3 =	vmul.f32 v34, v3;
	v6 =	vadd.f32 v36, v6;
	v1 =	vadd.f32 v0, v8  }
0x3f3: {  	v21 =	vld [tilespmem:s20+$0x13BE0]  }
0x3f4: {  	v19 =	vld [tilespmem:s20+$0x11CC0];
	v6 =	vadd.f32 v2, v6;
	v7 =	vadd.f32 v3, v1  }
0x3f5: {  	v28 =	vld [tilespmem:s20+$0x73A0]  }
0x3f6: {  	v23 =	vld [tilespmem:s20+$0x13BB0];
	v6 =	vadd.f32 v7, v6  }
0x3f7: {  	v7 =	vld [tilespmem:$0x1F940]  }
0x3f8: {  	[tilespmem:$0x1E6DA] =	vst v6;
	v6 =	vld [tilespmem:$0x1F930]  }
0x3f9: {  	v5 =	vld [tilespmem:$0x1FA10]  }
0x3fa: {  	v22 =	vmul.f32 v22, v28;
	v28 =	vld [tilespmem:s20+$0x5510]  }
0x3fb: {  	v30 =	vld [tilespmem:s20+$0x13B90]  }
0x3fc: {  	v31 =	vld [tilespmem:s20+$0x73D0]  }
0x3fd: {  	v8 =	vld [tilespmem:$0x1F950];
	v0 =	vmul.f32 v7, v6  }
0x3fe: {  	v24 =	vld [tilespmem:s20+$0x13BD0]  }
0x3ff: {  	v0 =	vadd.f32 v0, v13;
	v13 =	vld [tilespmem:$0x1F9A0]  }
0x400: {  	v27 =	vld [tilespmem:s20+$0x73E0]  }
0x401: {  	v1 =	vmul.f32 v11, v10;
	v10 =	vld [tilespmem:$0x1F9D0]  }
0x402: {  	v2 =	vmul.f32 v9, v8;
	v8 =	vld [tilespmem:$0x1F9B0]  }
0x403: {  	v9 =	vld [tilespmem:$0x1F9C0]  }
0x404: {  	v3 =	vmul.f32 v13, v12;
	v13 =	vld [tilespmem:$0x1F9E0]  }
0x405: {  	v26 =	vld [tilespmem:s20+$0x73B0]  }
0x406: {  	v29 =	vld [tilespmem:s20+$0x73F0]  }
0x407: {  	v25 =	vld [tilespmem:s20+$0x13BF0]  }
0x408: {  	v1 =	vadd.f32 v1, v2;
	v2 =	vmul.f32 v9, v8;
	v8 =	vld [tilespmem:$0x1F9F0]  }
0x409: {  	v0 =	vadd.f32 v3, v0;
	v3 =	vmul.f32 v13, v10;
	v13 =	vld [tilespmem:$0x1FA00]  }
0x40a: {  	v18 =	vld [tilespmem:s20+$0x5480]  }
0x40b: {  	v21 =	vmul.f32 v21, v27;
	v27 =	vld [tilespmem:s20+$0x11D40]  }
0x40c: {  	v6 =	vld [tilespmem:$0x1FA20]  }
0x40d: {  	v3 =	vadd.f32 v3, v0;
	v0 =	vld [tilespmem:$0x1FA30]  }
0x40e: {  	v1 =	vadd.f32 v2, v1;
	v2 =	vmul.f32 v13, v8;
	v8 =	vld [tilespmem:$0x1FA40]  }
0x40f: {  	v11 =	vld [tilespmem:s20+$0x11CD0]  }
0x410: {  	v35 =	vld [tilespmem:s20+$0x7400]  }
0x411: {  	v33 =	vld [tilespmem:s20+$0x13C00]  }
0x412: {  	v34 =	vld [tilespmem:s20+$0x7440]  }
0x413: {  	v1 =	vadd.f32 v2, v1;
	v2 =	vmul.f32 v6, v5;
	v5 =	vmul.f32 v8, v0;
	v0 =	vld [tilespmem:$0x1FA50]  }
0x414: {  	v9 =	vld [tilespmem:s20+$0x11CA0]  }
0x415: {  	v12 =	vld [tilespmem:s20+$0x54A0]  }
0x416: {  	v6 =	vld [tilespmem:$0x1FA80]  }
0x417: {  	v1 =	vadd.f32 v1, v3;
	v3 =	vmul.f32 v17, v18;
	v17 =	vld [tilespmem:$0x1FAA0]  }
0x418: {  	v0 =	vmul.f32 v4, v0;
	v4 =	vld [tilespmem:$0x1FA70]  }
0x419: {  	v18 =	vld [tilespmem:$0x1FAB0]  }
0x41a: {  	v0 =	vadd.f32 v0, v2;
	v2 =	vmul.f32 v19, v20;
	v20 =	vld [tilespmem:$0x1FA90]  }
0x41b: {  	v19 =	vld [tilespmem:$0x1FAC0]  }
0x41c: {  	v7 =	vld [tilespmem:s20+$0x11CE0]  }
0x41d: {  	v10 =	vld [tilespmem:s20+$0x54E0];
	v4 =	vmul.f32 v6, v4  }
0x41e: {  	v11 =	vmul.f32 v11, v16;
	v3 =	vadd.f32 v14, v3;
	v14 =	vld [tilespmem:$0x1FAD0]  }
0x41f: {  	v4 =	vadd.f32 v4, v5;
	v5 =	vmul.f32 v9, v12;
	v12 =	vmul.f32 v17, v20;
	v20 =	vld [tilespmem:$0x1FAE0]  }
0x420: {  	v2 =	vadd.f32 v11, v2;
	v11 =	vmul.f32 v19, v18;
	v18 =	vld [tilespmem:$0x1FAF0]  }
0x421: {  	v19 =	vld [tilespmem:$0x1FB00]  }
0x422: {  	v13 =	vld [tilespmem:s20+$0x54B0]  }
0x423: {  	v8 =	vld [tilespmem:s20+$0x11CB0]  }
0x424: {  	v6 =	vld [tilespmem:s20+$0x54F0]  }
0x425: {  	v14 =	vmul.f32 v20, v14;
	v20 =	vld [tilespmem:$0x1FB10]  }
0x426: {  	v0 =	vadd.f32 v12, v0;
	v12 =	vmul.f32 v19, v18;
	v18 =	vld [tilespmem:$0x1FB20]  }
0x427: {  	v32 =	vld [tilespmem:s20+$0x13C40]  }
0x428: {  	v36 =	vld [tilespmem:s20+$0x7410];
	v7 =	vmul.f32 v7, v10  }
0x429: {  	v16 =	vld [tilespmem:s20+$0x13C10]  }
0x42a: {  	v2 =	vadd.f32 v7, v2;
	v7 =	vmul.f32 v8, v13;
	v8 =	vld [tilespmem:s20+$0x13C20];
	v3 =	vadd.f32 v5, v3  }
0x42b: {  	v17 =	vld [tilespmem:$0x1FB30];
	v6 =	vmul.f32 v15, v6;
	v13 =	vmul.f32 v18, v20  }
0x42c: {  	v5 =	vld [tilespmem:s20+$0x7420];
	v3 =	vadd.f32 v7, v3  }
0x42d: {  	v2 =	vadd.f32 v6, v2;
	v7 =	vadd.f32 v13, v14;
	v14 =	vmul.f32 v50, v45;
	v45 =	vld [tilespmem:$0x1FB70]  }
0x42e: {  	v50 =	vld [tilespmem:$0x1FB80]  }
0x42f: {  	v19 =	vld [tilespmem:$0x1FB50];
	v2 =	vadd.f32 v2, v3  }
0x430: {  	v20 =	vld [tilespmem:$0x1FB60]  }
0x431: {  	[tilespmem:$0x1E3BB] =	vst v2;
	v18 =	vld [tilespmem:$0x1FB40]  }
0x432: {  	v53 =	vmul.f32 v55, v53;
	v55 =	vmul.f32 v47, v44;
	v44 =	vld [tilespmem:s20+$0x5C90]  }
0x433: {  	v3 =	vmul.f32 v50, v45;
	v45 =	vld [tilespmem:$0x1FB90]  }
0x434: {  	v50 =	vld [tilespmem:$0x1FBA0]  }
0x435: {  	v57 =	vmul.f32 v57, v54;
	v4 =	vadd.f32 v11, v4;
	v54 =	vld [tilespmem:s20+$0x124A0];
	v11 =	vmul.f32 v20, v19  }
0x436: {  	v43 =	vmul.f32 v49, v43;
	v58 =	vmul.f32 v58, v56;
	v56 =	vld [tilespmem:s20+$0x5CE0]  }
0x437: {  	v42 =	vmul.f32 v42, v63;
	v63 =	vld [tilespmem:s20+$0x5CF0];
	v17 =	vmul.f32 v18, v17;
	v7 =	vadd.f32 v11, v7  }
0x438: {  	v0 =	vadd.f32 v3, v0;
	v3 =	vld [tilespmem:s20+$0x5C80]  }
0x439: {  	v12 =	vadd.f32 v17, v12;
	v18 =	vmul.f32 v50, v45;
	v50 =	vadd.f32 v43, v7;
	v43 =	vld [tilespmem:s20+$0x124C0]  }
0x43a: {  	v45 =	vmul.f32 v52, v51;
	v52 =	vmul.f32 v48, v46;
	v46 =	vld [tilespmem:s20+$0x12490]  }
0x43b: {  	v12 =	vadd.f32 v14, v12;
	v48 =	vld [tilespmem:s20+$0x5CD0]  }
0x43c: {  	v7 =	vadd.f32 v57, v55;
	v57 =	vld [tilespmem:s20+$0x124E0]  }
0x43d: {  	v49 =	vadd.f32 v18, v4;
	v51 =	vadd.f32 v45, v12;
	v12 =	vld [tilespmem:s20+$0x12480]  }
0x43e: {  	v47 =	vmul.f32 v40, v41;
	v24 =	vmul.f32 v24, v31;
	v18 =	vld [tilespmem:s20+$0x5CC0]  }
0x43f: {  	v30 =	vmul.f32 v30, v37;
	v5 =	vmul.f32 v8, v5;
	v0 =	vadd.f32 v49, v0;
	v49 =	vld [tilespmem:s20+$0x124D0]  }
0x440: {  	v14 =	vadd.f32 v24, v47;
	v55 =	vmul.f32 v25, v29;
	v29 =	vld [tilespmem:s20+$0x124F0];
	v2 =	vadd.f32 v53, v52  }
0x441: {  	v45 =	vmul.f32 v38, v39;
	v52 =	vmul.f32 v62, v61;
	v4 =	vadd.f32 v51, v50;
	v51 =	vld [tilespmem:s20+$0x5CA0]  }
0x442: {  	v62 =	vld [tilespmem:s20+$0x124B0];
	v50 =	vmul.f32 v60, v59;
	v59 =	vmul.f32 v32, v34  }
0x443: {  	v14 =	vadd.f32 v21, v14;
	v60 =	vld [tilespmem:s20+$0x5CB0];
	v21 =	vmul.f32 v46, v44;
	v3 =	vmul.f32 v12, v3  }
0x444: {  	v31 =	vld [tilespmem:s20+$0x11D50];
	v19 =	vadd.f32 v30, v45;
	v30 =	vmul.f32 v43, v18;
	v32 =	vmul.f32 v49, v48  }
0x445: {  	v10 =	vld [tilespmem:s20+$0x13C50];
	v2 =	vadd.f32 v58, v2;
	v58 =	vmul.f32 v33, v35;
	v35 =	vmul.f32 v57, v56  }
0x446: {  	v9 =	vld [tilespmem:s20+$0x7450];
	v3 =	vadd.f32 v21, v3;
	v33 =	vmul.f32 v54, v51;
	v34 =	vadd.f32 v32, v30  }
0x447: {  	v15 =	vld [tilespmem:s20+$0x7460];
	v61 =	vmul.f32 v16, v36;
	v8 =	vmul.f32 v29, v63  }
0x448: {  	v6 =	vld [tilespmem:s20+$0x13C60];
	v37 =	vmul.f32 v62, v60;
	v3 =	vadd.f32 v33, v3;
	v36 =	vadd.f32 v35, v34  }
0x449: {  	v13 =	vld [tilespmem:s20+$0x7430]  }
0x44a: {  	[tilespmem:$0x1E795] =	vst v1;
	v20 =	vld [tilespmem:s20+$0x13C70];
	v3 =	vadd.f32 v37, v3;
	v1 =	vadd.f32 v8, v36  }
0x44b: {  	v17 =	vld [tilespmem:s20+$0x13C30]  }
0x44c: {  	v11 =	vld [tilespmem:s20+$0x7470];
	v1 =	vadd.f32 v1, v3  }
0x44d: {  	v24 =	vld [tilespmem:s20+$0x5500]  }
0x44e: {  	v25 =	vld [tilespmem:s20+$0x11D00];
	[tilespmem:$0x1E4CB] =	vst v1  }
0x44f: {  	v40 =	vld [tilespmem:s20+$0x6480]  }
0x450: {  	v1 =	vld [tilespmem:s20+$0x12C80]  }
0x451: {  	v41 =	vld [tilespmem:s20+$0x64C0]  }
0x452: {  	v7 =	vadd.f32 v42, v7;
	v42 =	vld [tilespmem:s20+$0x12CC0]  }
0x453: {  	v9 =	vmul.f32 v10, v9;
	v43 =	vld [tilespmem:s20+$0x6490]  }
0x454: {  	v7 =	vadd.f32 v52, v7;
	v2 =	vadd.f32 v50, v2;
	v44 =	vld [tilespmem:s20+$0x12C90]  }
0x455: {  	v9 =	vadd.f32 v9, v59;
	v45 =	vld [tilespmem:s20+$0x64D0]  }
0x456: {  	v6 =	vmul.f32 v6, v15;
	v2 =	vadd.f32 v7, v2;
	v7 =	vadd.f32 v61, v58;
	v46 =	vld [tilespmem:s20+$0x12CD0]  }
0x457: {  	v13 =	vmul.f32 v17, v13;
	v47 =	vld [tilespmem:s20+$0x64A0]  }
0x458: {  	v11 =	vmul.f32 v20, v11;
	v6 =	vadd.f32 v6, v9;
	v5 =	vadd.f32 v5, v7;
	v48 =	vld [tilespmem:s20+$0x12CA0]  }
0x459: {  	v49 =	vld [tilespmem:s20+$0x64E0]  }
0x45a: {  	v39 =	vadd.f32 v11, v6;
	v38 =	vadd.f32 v13, v5;
	v50 =	vld [tilespmem:s20+$0x12CE0]  }
0x45b: {  	v53 =	vmul.f32 v23, v26;
	v19 =	vadd.f32 v22, v19;
	v51 =	vld [tilespmem:s20+$0x64B0]  }
0x45c: {  	[tilespmem:$0x1E7A6] =	vst v0;
	v0 =	vadd.f32 v39, v38;
	v52 =	vld [tilespmem:s20+$0x12CB0]  }
0x45d: {  	v19 =	vadd.f32 v53, v19;
	v53 =	vld [tilespmem:s20+$0x64F0]  }
0x45e: {  	v14 =	vadd.f32 v55, v14;
	[tilespmem:$0x1E7EA] =	vst v0;
	v55 =	vld [tilespmem:s20+$0x12CF0];
	v0 =	vmul.f32 v1, v40;
	v54 =	vmul.f32 v44, v43  }
0x45f: {  	v26 =	vld [tilespmem:s20+$0x5540];
	[tilespmem:$0x1E7C8] =	vst v2;
	v2 =	vmul.f32 v42, v41;
	v56 =	vmul.f32 v46, v45  }
0x460: {  	v29 =	vld [tilespmem:s20+$0x11D10];
	v57 =	vmul.f32 v48, v47  }
0x461: {  	v30 =	vld [tilespmem:s20+$0x5550];
	v58 =	vmul.f32 v50, v49;
	v0 =	vadd.f32 v54, v0;
	v2 =	vadd.f32 v56, v2  }
0x462: {  	v32 =	vld [tilespmem:s20+$0x5520];
	v60 =	vmul.f32 v52, v51  }
0x463: {  	v33 =	vld [tilespmem:s20+$0x11D20];
	v61 =	vmul.f32 v55, v53;
	v0 =	vadd.f32 v57, v0;
	v59 =	vadd.f32 v58, v2  }
0x464: {  	v34 =	vld [tilespmem:s20+$0x5560]  }
0x465: {  	v35 =	vld [tilespmem:s20+$0x11D60];
	v0 =	vadd.f32 v60, v0;
	v1 =	vadd.f32 v61, v59  }
0x466: {  	v37 =	vld [tilespmem:s20+$0x11D30]  }
0x467: {  	v38 =	vld [tilespmem:s20+$0x5570];
	v0 =	vadd.f32 v1, v0  }
0x468: {  	v36 =	vld [tilespmem:s20+$0x5530]  }
0x469: {  	v40 =	vld [tilespmem:s20+$0x11D70];
	[tilespmem:$0x1E5DB] =	vst v0  }
0x46a: {  	v0 =	vld [tilespmem:s20+$0x6C80]  }
0x46b: {  	v62 =	vld [tilespmem:s20+$0x13480]  }
0x46c: {  	v2 =	vld [tilespmem:s20+$0x6CC0]  }
0x46d: {  	v3 =	vld [tilespmem:s20+$0x134C0]  }
0x46e: {  	v5 =	vmul.f32 v25, v24;
	v39 =	vmul.f32 v29, v28;
	v63 =	vld [tilespmem:s20+$0x6C90]  }
0x46f: {  	v7 =	vmul.f32 v27, v26;
	v42 =	vmul.f32 v31, v30;
	v41 =	vld [tilespmem:s20+$0x13490]  }
0x470: {  	v5 =	vadd.f32 v39, v5;
	v43 =	vld [tilespmem:s20+$0x6CD0]  }
0x471: {  	v44 =	vmul.f32 v33, v32;
	v46 =	vmul.f32 v35, v34;
	v7 =	vadd.f32 v42, v7;
	v45 =	vld [tilespmem:s20+$0x134D0]  }
0x472: {  	v49 =	vmul.f32 v37, v36;
	v47 =	vld [tilespmem:s20+$0x6CA0]  }
0x473: {  	v5 =	vadd.f32 v44, v5;
	v7 =	vadd.f32 v46, v7;
	v9 =	vmul.f32 v40, v38;
	v48 =	vld [tilespmem:s20+$0x134A0]  }
0x474: {  	v50 =	vld [tilespmem:s20+$0x6CE0]  }
0x475: {  	v5 =	vadd.f32 v49, v5;
	v7 =	vadd.f32 v9, v7;
	v51 =	vld [tilespmem:s20+$0x134E0]  }
0x476: {  	v52 =	vld [tilespmem:s20+$0x6CB0]  }
0x477: {  	v5 =	vadd.f32 v7, v5;
	v53 =	vld [tilespmem:s20+$0x134B0]  }
0x478: {  	v54 =	vld [tilespmem:s20+$0x6CF0]  }
0x479: {  	v55 =	vld [tilespmem:s20+$0x134F0];
	[tilespmem:$0x1E3CC] =	vst v5  }
0x47a: {  	v5 =	vld [tilespmem:s20+$0x5D00]  }
0x47b: {  	v56 =	vld [tilespmem:s20+$0x12500]  }
0x47c: {  	v57 =	vld [tilespmem:s20+$0x5D40]  }
0x47d: {  	v58 =	vld [tilespmem:s20+$0x12540]  }
0x47e: {  	v59 =	vld [tilespmem:s20+$0x5D10];
	v0 =	vmul.f32 v62, v0;
	v62 =	vmul.f32 v41, v63  }
0x47f: {  	v60 =	vld [tilespmem:s20+$0x12510];
	v2 =	vmul.f32 v3, v2;
	v23 =	vmul.f32 v45, v43  }
0x480: {  	v61 =	vld [tilespmem:s20+$0x5D50];
	v25 =	vmul.f32 v48, v47  }
0x481: {  	v24 =	vld [tilespmem:s20+$0x5D20];
	v27 =	vmul.f32 v51, v50;
	v0 =	vadd.f32 v62, v0;
	v2 =	vadd.f32 v23, v2  }
0x482: {  	v26 =	vld [tilespmem:s20+$0x12520];
	v30 =	vmul.f32 v53, v52  }
0x483: {  	v28 =	vld [tilespmem:s20+$0x5D60];
	v7 =	vmul.f32 v55, v54;
	v0 =	vadd.f32 v25, v0;
	v2 =	vadd.f32 v27, v2  }
0x484: {  	v29 =	vld [tilespmem:s20+$0x12560]  }
0x485: {  	v31 =	vld [tilespmem:s20+$0x5D30];
	v0 =	vadd.f32 v30, v0;
	v2 =	vadd.f32 v7, v2  }
0x486: {  	v32 =	vld [tilespmem:s20+$0x12530]  }
0x487: {  	v33 =	vld [tilespmem:s20+$0x5D70];
	v0 =	vadd.f32 v2, v0  }
0x488: {  	v63 =	vld [tilespmem:s20+$0x12550]  }
0x489: {  	v36 =	vld [tilespmem:s20+$0x12570];
	[tilespmem:$0x1E6EB] =	vst v0  }
0x48a: {  	v41 =	vld [tilespmem:s20+$0x7480]  }
0x48b: {  	v43 =	vld [tilespmem:s20+$0x13C80]  }
0x48c: {  	v14 =	vadd.f32 v14, v19;
	v34 =	vmul.f32 v56, v5;
	v35 =	vmul.f32 v60, v59;
	v46 =	vld [tilespmem:s20+$0x74C0]  }
0x48d: {  	[tilespmem:$0x1E7B7] =	vst v4;
	v37 =	vmul.f32 v58, v57;
	v4 =	vmul.f32 v63, v61  }
0x48e: {  	[tilespmem:$0x1E7D9] =	vst v14;
	v38 =	vmul.f32 v26, v24  }
0x48f: {  	v40 =	vmul.f32 v29, v28;
	v3 =	vadd.f32 v35, v34;
	v39 =	vadd.f32 v4, v37;
	[tilespmem:$0x1FBB0] =	vst v41  }
0x490: {  	v45 =	vmul.f32 v32, v31;
	[tilespmem:$0x1FBC0] =	vst v43  }
0x491: {  	v42 =	vadd.f32 v38, v3;
	v7 =	vmul.f32 v36, v33;
	v44 =	vadd.f32 v40, v39;
	[tilespmem:$0x1FBD0] =	vst v46  }
0x492: {  	v0 =	vld [tilespmem:s20+$0x13CC0]  }
0x493: {  	v6 =	vadd.f32 v45, v42;
	v7 =	vadd.f32 v7, v44;
	v47 =	vld [tilespmem:s20+$0x7490]  }
0x494: {  	v5 =	vld [tilespmem:s20+$0x13C90]  }
0x495: {  	v48 =	vadd.f32 v7, v6;
	v6 =	vld [tilespmem:s20+$0x74D0]  }
0x496: {  	v7 =	vld [tilespmem:s20+$0x13CD0]  }
0x497: {  	v1 =	vld [tilespmem:s20+$0x11D80]  }
0x498: {  	v2 =	vld [tilespmem:s20+$0x55C0]  }
0x499: {  	v3 =	vld [tilespmem:s20+$0x11DC0]  }
0x49a: {  	v4 =	vld [tilespmem:s20+$0x5590]  }
0x49b: {  	v36 =	vld [tilespmem:s20+$0x11D90]  }
0x49c: {  	v37 =	vld [tilespmem:s20+$0x55D0]  }
0x49d: {  	v38 =	vld [tilespmem:s20+$0x11DD0]  }
0x49e: {  	v39 =	vld [tilespmem:s20+$0x55A0]  }
0x49f: {  	v40 =	vld [tilespmem:s20+$0x11DA0]  }
0x4a0: {  	v42 =	vld [tilespmem:s20+$0x55E0]  }
0x4a1: {  	[tilespmem:$0x1E4DC] =	vst v48;
	v44 =	vld [tilespmem:s20+$0x11DE0]  }
0x4a2: {  	v8 =	vld [tilespmem:s20+$0x6500]  }
0x4a3: {  	v49 =	vld [tilespmem:s20+$0x12D00]  }
0x4a4: {  	v50 =	vld [tilespmem:s20+$0x6540]  }
0x4a5: {  	v51 =	vld [tilespmem:s20+$0x12D40]  }
0x4a6: {  	v52 =	vld [tilespmem:s20+$0x6510]  }
0x4a7: {  	v53 =	vld [tilespmem:s20+$0x12D10]  }
0x4a8: {  	v54 =	vld [tilespmem:s20+$0x6550]  }
0x4a9: {  	v55 =	vld [tilespmem:s20+$0x12D50]  }
0x4aa: {  	v56 =	vld [tilespmem:s20+$0x6520]  }
0x4ab: {  	v57 =	vld [tilespmem:s20+$0x12D20]  }
0x4ac: {  	v58 =	vld [tilespmem:s20+$0x6560]  }
0x4ad: {  	v59 =	vld [tilespmem:s20+$0x12D60]  }
0x4ae: {  	v60 =	vld [tilespmem:s20+$0x6530]  }
0x4af: {  	v61 =	vld [tilespmem:s20+$0x12D30]  }
0x4b0: {  	v62 =	vld [tilespmem:s20+$0x6570]  }
0x4b1: {  	v63 =	vld [tilespmem:s20+$0x12D70];
	v8 =	vmul.f32 v49, v8;
	v41 =	vmul.f32 v53, v52  }
0x4b2: {  	v46 =	vld [tilespmem:s20+$0x55B0];
	[tilespmem:$0x1FBE0] =	vst v0;
	v10 =	vmul.f32 v51, v50;
	v43 =	vmul.f32 v55, v54  }
0x4b3: {  	[tilespmem:$0x1FBF0] =	vst v47;
	v0 =	vld [tilespmem:s20+$0x5580];
	v45 =	vmul.f32 v57, v56;
	v47 =	vmul.f32 v59, v58  }
0x4b4: {  	v48 =	vld [tilespmem:s20+$0x11DB0];
	v49 =	vmul.f32 v61, v60;
	v8 =	vadd.f32 v41, v8;
	v10 =	vadd.f32 v43, v10  }
0x4b5: {  	v12 =	vld [tilespmem:s20+$0x13CE0];
	v55 =	vmul.f32 v3, v2;
	v56 =	vmul.f32 v38, v37  }
0x4b6: {  	v50 =	vmul.f32 v63, v62;
	v51 =	vld [tilespmem:s20+$0x55F0];
	v9 =	vadd.f32 v45, v8;
	v10 =	vadd.f32 v47, v10  }
0x4b7: {  	v13 =	vmul.f32 v44, v42;
	v53 =	vmul.f32 v36, v4;
	v54 =	vld [tilespmem:s20+$0x11DF0];
	v21 =	vadd.f32 v56, v55  }
0x4b8: {  	v52 =	vmul.f32 v1, v0;
	v8 =	vld [tilespmem:s20+$0x74A0];
	v16 =	vadd.f32 v49, v9;
	v17 =	vadd.f32 v50, v10  }
0x4b9: {  	v59 =	vadd.f32 v13, v21;
	v13 =	vld [tilespmem:s20+$0x13CB0]  }
0x4ba: {  	v57 =	vmul.f32 v40, v39;
	v9 =	vld [tilespmem:s20+$0x13CA0];
	v11 =	vadd.f32 v53, v52;
	v16 =	vadd.f32 v17, v16  }
0x4bb: {  	v10 =	vld [tilespmem:s20+$0x74E0]  }
0x4bc: {  	v58 =	vadd.f32 v57, v11;
	v11 =	vld [tilespmem:s20+$0x74B0];
	[tilespmem:$0x1E5EC] =	vst v16  }
0x4bd: {  	v16 =	vld [tilespmem:s20+$0x6D00]  }
0x4be: {  	v17 =	vld [tilespmem:s20+$0x13500]  }
0x4bf: {  	v18 =	vld [tilespmem:s20+$0x6D40]  }
0x4c0: {  	v19 =	vld [tilespmem:s20+$0x6D10]  }
0x4c1: {  	v44 =	vld [tilespmem:s20+$0x13510]  }
0x4c2: {  	v14 =	vmul.f32 v48, v46;
	v46 =	vld [tilespmem:s20+$0x6D50]  }
0x4c3: {  	v48 =	vld [tilespmem:s20+$0x13550]  }
0x4c4: {  	v50 =	vld [tilespmem:s20+$0x6D20]  }
0x4c5: {  	v60 =	vmul.f32 v54, v51;
	v51 =	vld [tilespmem:s20+$0x13520]  }
0x4c6: {  	v53 =	vld [tilespmem:s20+$0x6D60]  }
0x4c7: {  	v15 =	vadd.f32 v60, v59;
	v14 =	vadd.f32 v14, v58;
	v54 =	vld [tilespmem:s20+$0x13560]  }
0x4c8: {  	v55 =	vld [tilespmem:s20+$0x6D30]  }
0x4c9: {  	v56 =	vld [tilespmem:s20+$0x13530];
	v14 =	vadd.f32 v15, v14  }
0x4ca: {  	v57 =	vld [tilespmem:s20+$0x6D70]  }
0x4cb: {  	v15 =	vld [tilespmem:s20+$0x13540];
	[tilespmem:$0x1E3DD] =	vst v14  }
0x4cc: {  	v14 =	vld [tilespmem:s20+$0x5D80]  }
0x4cd: {  	v61 =	vld [tilespmem:s20+$0x12580]  }
0x4ce: {  	v62 =	vld [tilespmem:s20+$0x5DC0]  }
0x4cf: {  	v63 =	vld [tilespmem:s20+$0x125C0]  }
0x4d0: {  	v0 =	vld [tilespmem:s20+$0x5D90]  }
0x4d1: {  	v1 =	vld [tilespmem:s20+$0x12590]  }
0x4d2: {  	v2 =	vld [tilespmem:s20+$0x5DD0]  }
0x4d3: {  	v3 =	vld [tilespmem:s20+$0x125D0]  }
0x4d4: {  	v4 =	vld [tilespmem:s20+$0x5DA0]  }
0x4d5: {  	v36 =	vld [tilespmem:s20+$0x125A0]  }
0x4d6: {  	v37 =	vld [tilespmem:s20+$0x5DE0]  }
0x4d7: {  	v38 =	vld [tilespmem:s20+$0x125E0]  }
0x4d8: {  	v39 =	vld [tilespmem:s20+$0x5DB0]  }
0x4d9: {  	v40 =	vld [tilespmem:s20+$0x125B0]  }
0x4da: {  	v41 =	vld [tilespmem:s20+$0x5DF0];
	v16 =	vmul.f32 v17, v16;
	v15 =	vmul.f32 v15, v18  }
0x4db: {  	v43 =	vld [tilespmem:s20+$0x125F0];
	v14 =	vmul.f32 v61, v14;
	v42 =	vmul.f32 v1, v0  }
0x4dc: {  	v58 =	vld [tilespmem:s20+$0x13570];
	v21 =	vmul.f32 v63, v62;
	v45 =	vmul.f32 v3, v2  }
0x4dd: {  	v18 =	vld [tilespmem:s20+$0x13CF0];
	v47 =	vmul.f32 v36, v4;
	v49 =	vmul.f32 v38, v37  }
0x4de: {  	v4 =	vmul.f32 v51, v50;
	v51 =	vld [tilespmem:s20+$0x5600];
	v14 =	vadd.f32 v42, v14;
	v21 =	vadd.f32 v45, v21  }
0x4df: {  	v52 =	vmul.f32 v40, v39;
	v37 =	vmul.f32 v54, v53;
	v53 =	vld [tilespmem:s20+$0x5640]  }
0x4e0: {  	v23 =	vmul.f32 v43, v41;
	v54 =	vld [tilespmem:s20+$0x11E40];
	v14 =	vadd.f32 v47, v14;
	v21 =	vadd.f32 v49, v21  }
0x4e1: {  	v0 =	vmul.f32 v44, v19;
	v40 =	vmul.f32 v56, v55;
	v55 =	vld [tilespmem:s20+$0x5610]  }
0x4e2: {  	v56 =	vld [tilespmem:s20+$0x11E10];
	v14 =	vadd.f32 v52, v14;
	v21 =	vadd.f32 v23, v21  }
0x4e3: {  	v16 =	vadd.f32 v0, v16;
	v0 =	vld [tilespmem:s20+$0x11E30]  }
0x4e4: {  	v52 =	vld [tilespmem:s20+$0x11E00];
	v14 =	vadd.f32 v21, v14  }
0x4e5: {  	v21 =	vmul.f32 v58, v57;
	v57 =	vld [tilespmem:s20+$0x5650]  }
0x4e6: {  	v58 =	vld [tilespmem:s20+$0x11E50];
	[tilespmem:$0x1E4ED] =	vst v14  }
0x4e7: {  	v14 =	vld [tilespmem:s20+$0x6580]  }
0x4e8: {  	v59 =	vld [tilespmem:s20+$0x12D80]  }
0x4e9: {  	v60 =	vld [tilespmem:s20+$0x65C0]  }
0x4ea: {  	v61 =	vld [tilespmem:s20+$0x12DC0]  }
0x4eb: {  	v62 =	vld [tilespmem:s20+$0x6590]  }
0x4ec: {  	v2 =	vmul.f32 v48, v46;
	v63 =	vld [tilespmem:s20+$0x12D90]  }
0x4ed: {  	v1 =	vld [tilespmem:s20+$0x65D0]  }
0x4ee: {  	v15 =	vadd.f32 v2, v15;
	v3 =	vld [tilespmem:s20+$0x12DD0]  }
0x4ef: {  	v36 =	vld [tilespmem:s20+$0x65A0]  }
0x4f0: {  	v16 =	vadd.f32 v4, v16;
	v15 =	vadd.f32 v37, v15;
	v38 =	vld [tilespmem:s20+$0x12DA0]  }
0x4f1: {  	v39 =	vld [tilespmem:s20+$0x65E0]  }
0x4f2: {  	v16 =	vadd.f32 v40, v16;
	v15 =	vadd.f32 v21, v15;
	v41 =	vld [tilespmem:s20+$0x12DE0]  }
0x4f3: {  	v42 =	vld [tilespmem:s20+$0x65B0]  }
0x4f4: {  	v43 =	vld [tilespmem:s20+$0x12DB0];
	v15 =	vadd.f32 v15, v16  }
0x4f5: {  	v44 =	vld [tilespmem:s20+$0x65F0]  }
0x4f6: {  	v47 =	vld [tilespmem:s20+$0x12DF0];
	[tilespmem:$0x1E6FC] =	vst v15  }
0x4f7: {  	v15 =	vld [tilespmem:s20+$0x7500]  }
0x4f8: {  	v21 =	vld [tilespmem:s20+$0x7510]  }
0x4f9: {  	v25 =	vld [tilespmem:s20+$0x13D10]  }
0x4fa: {  	v22 =	vld [tilespmem:s20+$0x7550]  }
0x4fb: {  	v31 =	vld [tilespmem:s20+$0x7560]  }
0x4fc: {  	v45 =	vmul.f32 v59, v14;
	v14 =	vld [tilespmem:s20+$0x74F0]  }
0x4fd: {  	v46 =	vmul.f32 v63, v62;
	v59 =	vld [tilespmem:s20+$0x5620]  }
0x4fe: {  	v48 =	vmul.f32 v61, v60;
	v19 =	vmul.f32 v3, v1;
	v60 =	vld [tilespmem:s20+$0x11E20]  }
0x4ff: {  	v20 =	vmul.f32 v38, v36;
	v61 =	vld [tilespmem:s20+$0x5660]  }
0x500: {  	v17 =	vmul.f32 v41, v39;
	v62 =	vld [tilespmem:s20+$0x11E60];
	v16 =	vadd.f32 v46, v45;
	v24 =	vadd.f32 v19, v48  }
0x501: {  	v23 =	vmul.f32 v43, v42;
	v63 =	vld [tilespmem:s20+$0x5630]  }
0x502: {  	v50 =	vmul.f32 v47, v44;
	v1 =	vld [tilespmem:s20+$0x5670];
	v49 =	vadd.f32 v20, v16;
	v17 =	vadd.f32 v17, v24  }
0x503: {  	v3 =	vld [tilespmem:s20+$0x11E70]  }
0x504: {  	v19 =	vld [tilespmem:s20+$0x13D00];
	v23 =	vadd.f32 v23, v49;
	v17 =	vadd.f32 v50, v17  }
0x505: {  	v16 =	vld [tilespmem:s20+$0x7540]  }
0x506: {  	v20 =	vld [tilespmem:s20+$0x13D40];
	v17 =	vadd.f32 v17, v23  }
0x507: {  	v24 =	vld [tilespmem:s20+$0x13D50]  }
0x508: {  	v23 =	vld [tilespmem:s20+$0x7520];
	[tilespmem:$0x1E5FD] =	vst v17  }
0x509: {  	v17 =	vld [tilespmem:s20+$0x6D80]  }
0x50a: {  	v26 =	vld [tilespmem:s20+$0x13580]  }
0x50b: {  	v27 =	vld [tilespmem:s20+$0x6DC0]  }
0x50c: {  	v28 =	vld [tilespmem:s20+$0x135C0]  }
0x50d: {  	v29 =	vld [tilespmem:s20+$0x6D90]  }
0x50e: {  	v4 =	vld [tilespmem:s20+$0x13590]  }
0x50f: {  	v2 =	vmul.f32 v56, v55;
	v30 =	vmul.f32 v52, v51;
	v36 =	vld [tilespmem:s20+$0x6DD0]  }
0x510: {  	v32 =	vmul.f32 v54, v53;
	v50 =	vmul.f32 v58, v57;
	v37 =	vld [tilespmem:s20+$0x135D0]  }
0x511: {  	v30 =	vadd.f32 v2, v30;
	v38 =	vld [tilespmem:s20+$0x6DA0]  }
0x512: {  	v51 =	vmul.f32 v60, v59;
	v52 =	vmul.f32 v62, v61;
	v32 =	vadd.f32 v50, v32;
	v53 =	vld [tilespmem:s20+$0x135A0]  }
0x513: {  	v54 =	vmul.f32 v0, v63;
	v55 =	vld [tilespmem:s20+$0x6DE0]  }
0x514: {  	v34 =	vmul.f32 v3, v1;
	v30 =	vadd.f32 v51, v30;
	v32 =	vadd.f32 v52, v32;
	v56 =	vld [tilespmem:s20+$0x135E0]  }
0x515: {  	v33 =	vld [tilespmem:s20+$0x6DB0]  }
0x516: {  	v30 =	vadd.f32 v54, v30;
	v57 =	vld [tilespmem:s20+$0x135B0];
	v32 =	vadd.f32 v34, v32  }
0x517: {  	v58 =	vld [tilespmem:s20+$0x6DF0]  }
0x518: {  	v59 =	vld [tilespmem:s20+$0x135F0];
	v30 =	vadd.f32 v32, v30  }
0x519: {  	v3 =	vmul.f32 v4, v29;
	v29 =	vld [tilespmem:s20+$0x13D20]  }
0x51a: {  	[tilespmem:$0x1E3EE] =	vst v30;
	v17 =	vmul.f32 v26, v17;
	v26 =	vld [tilespmem:s20+$0x7530]  }
0x51b: {  	v30 =	vld [tilespmem:s20+$0x5E00]  }
0x51c: {  	v60 =	vld [tilespmem:s20+$0x12600]  }
0x51d: {  	v43 =	vld [tilespmem:s20+$0x5E40]  }
0x51e: {  	v44 =	vld [tilespmem:s20+$0x12640]  }
0x51f: {  	v61 =	vld [tilespmem:s20+$0x5E10]  }
0x520: {  	v62 =	vld [tilespmem:s20+$0x12610]  }
0x521: {  	v63 =	vld [tilespmem:s20+$0x5E50]  }
0x522: {  	v0 =	vld [tilespmem:s20+$0x12650]  }
0x523: {  	v1 =	vld [tilespmem:s20+$0x5E20]  }
0x524: {  	v2 =	vld [tilespmem:s20+$0x12620]  }
0x525: {  	v4 =	vld [tilespmem:s20+$0x5E60]  }
0x526: {  	v52 =	vld [tilespmem:s20+$0x12660]  }
0x527: {  	v27 =	vmul.f32 v28, v27;
	v51 =	vmul.f32 v37, v36;
	v54 =	vld [tilespmem:s20+$0x5E30]  }
0x528: {  	v53 =	vmul.f32 v53, v38;
	v55 =	vmul.f32 v56, v55;
	v56 =	vld [tilespmem:s20+$0x12630];
	v17 =	vadd.f32 v3, v17  }
0x529: {  	v32 =	vmul.f32 v59, v58;
	v58 =	vld [tilespmem:s20+$0x5E70];
	v27 =	vadd.f32 v51, v27  }
0x52a: {  	v17 =	vadd.f32 v53, v17;
	v53 =	vld [tilespmem:s20+$0x11E80]  }
0x52b: {  	v27 =	vadd.f32 v55, v27;
	v55 =	vld [tilespmem:s20+$0x11EC0]  }
0x52c: {  	v59 =	vmul.f32 v60, v30;
	v60 =	vmul.f32 v62, v61;
	v61 =	vld [tilespmem:s20+$0x12670]  }
0x52d: {  	v27 =	vadd.f32 v32, v27;
	v32 =	vld [tilespmem:s20+$0x13D60]  }
0x52e: {  	v30 =	vld [tilespmem:s20+$0x13D70]  }
0x52f: {  	v57 =	vmul.f32 v57, v33;
	v35 =	vmul.f32 v52, v4;
	v52 =	vld [tilespmem:s20+$0x5680]  }
0x530: {  	v37 =	vmul.f32 v56, v54;
	v54 =	vld [tilespmem:s20+$0x56C0]  }
0x531: {  	v17 =	vadd.f32 v57, v17;
	v56 =	vld [tilespmem:s20+$0x5690]  }
0x532: {  	v57 =	vld [tilespmem:s20+$0x11E90]  }
0x533: {  	v17 =	vadd.f32 v27, v17;
	v27 =	vld [tilespmem:s20+$0x13D30]  }
0x534: {  	v62 =	vmul.f32 v44, v43;
	v63 =	vmul.f32 v0, v63;
	v28 =	vadd.f32 v60, v59;
	v59 =	vld [tilespmem:s20+$0x11ED0]  }
0x535: {  	v0 =	vmul.f32 v2, v1;
	v60 =	vld [tilespmem:s20+$0x56A0]  }
0x536: {  	v39 =	vadd.f32 v63, v62;
	v62 =	vld [tilespmem:s20+$0x11EE0]  }
0x537: {  	v1 =	vadd.f32 v0, v28;
	v28 =	vld [tilespmem:s20+$0x7570];
	[tilespmem:$0x1E70D] =	vst v17  }
0x538: {  	v34 =	vld [tilespmem:s20+$0x7580]  }
0x539: {  	v35 =	vadd.f32 v35, v39;
	v33 =	vmul.f32 v61, v58;
	v36 =	vld [tilespmem:s20+$0x13D80]  }
0x53a: {  	v58 =	vld [tilespmem:s20+$0x56D0]  }
0x53b: {  	v61 =	vld [tilespmem:s20+$0x11EA0];
	v2 =	vadd.f32 v37, v1;
	v33 =	vadd.f32 v33, v35  }
0x53c: {  	v52 =	vmul.f32 v53, v52;
	v53 =	vmul.f32 v57, v56;
	v56 =	vld [tilespmem:s20+$0x11EF0]  }
0x53d: {  	v41 =	vld [tilespmem:s20+$0x13DD0];
	v17 =	vadd.f32 v33, v2  }
0x53e: {  	v35 =	vld [tilespmem:s20+$0x13DC0]  }
0x53f: {  	v33 =	vld [tilespmem:s20+$0x75C0];
	[tilespmem:$0x1E4FE] =	vst v17  }
0x540: {  	v17 =	vld [tilespmem:s20+$0x6600]  }
0x541: {  	v37 =	vld [tilespmem:s20+$0x12E00]  }
0x542: {  	v38 =	vld [tilespmem:s20+$0x6640]  }
0x543: {  	v39 =	vld [tilespmem:s20+$0x12E40]  }
0x544: {  	v40 =	vld [tilespmem:s20+$0x6610]  }
0x545: {  	v3 =	vld [tilespmem:s20+$0x12E10]  }
0x546: {  	v42 =	vld [tilespmem:s20+$0x6650]  }
0x547: {  	v4 =	vld [tilespmem:s20+$0x12E50]  }
0x548: {  	v44 =	vld [tilespmem:s20+$0x6620]  }
0x549: {  	v45 =	vld [tilespmem:s20+$0x12E20]  }
0x54a: {  	v0 =	vld [tilespmem:s20+$0x6660]  }
0x54b: {  	v1 =	vld [tilespmem:s20+$0x12E60]  }
0x54c: {  	v48 =	vld [tilespmem:s20+$0x6630]  }
0x54d: {  	v2 =	vld [tilespmem:s20+$0x12E30]  }
0x54e: {  	v22 =	vmul.f32 v24, v22;
	v24 =	vmul.f32 v36, v34;
	v50 =	vld [tilespmem:s20+$0x6670]  }
0x54f: {  	v51 =	vld [tilespmem:s20+$0x12E70];
	v17 =	vmul.f32 v37, v17;
	v3 =	vmul.f32 v3, v40  }
0x550: {  	v36 =	vld [tilespmem:$0x1FDF0];
	v38 =	vmul.f32 v39, v38;
	v4 =	vmul.f32 v4, v42  }
0x551: {  	v34 =	vld [tilespmem:$0x1FDD0];
	v63 =	vmul.f32 v45, v44  }
0x552: {  	v40 =	vld [tilespmem:s20+$0x56E0];
	v0 =	vmul.f32 v1, v0;
	v17 =	vadd.f32 v3, v17;
	v38 =	vadd.f32 v4, v38  }
0x553: {  	v42 =	vld [tilespmem:s20+$0x56B0];
	v2 =	vmul.f32 v2, v48  }
0x554: {  	v1 =	vld [tilespmem:s20+$0x11EB0];
	v3 =	vmul.f32 v51, v50;
	v17 =	vadd.f32 v63, v17;
	v39 =	vadd.f32 v0, v38  }
0x555: {  	v57 =	vmul.f32 v55, v54;
	v4 =	vld [tilespmem:s20+$0x56F0]  }
0x556: {  	v59 =	vmul.f32 v59, v58;
	v37 =	vld [tilespmem:s20+$0x7590];
	v17 =	vadd.f32 v2, v17;
	v45 =	vadd.f32 v3, v39  }
0x557: {  	v47 =	vadd.f32 v53, v52;
	v61 =	vmul.f32 v61, v60;
	v38 =	vld [tilespmem:s20+$0x13D90]  }
0x558: {  	v44 =	vadd.f32 v59, v57;
	v62 =	vmul.f32 v62, v40;
	v40 =	vld [tilespmem:s20+$0x75A0];
	v17 =	vadd.f32 v45, v17  }
0x559: {  	v43 =	vmul.f32 v1, v42;
	v42 =	vld [tilespmem:s20+$0x13DA0]  }
0x55a: {  	v63 =	vadd.f32 v61, v47;
	v39 =	vld [tilespmem:s20+$0x75D0];
	v44 =	vadd.f32 v62, v44;
	v46 =	vmul.f32 v56, v4;
	[tilespmem:$0x1E60E] =	vst v17  }
0x55b: {  	v17 =	vld [tilespmem:s20+$0x6E00]  }
0x55c: {  	v43 =	vadd.f32 v43, v63;
	v44 =	vadd.f32 v46, v44;
	v45 =	vld [tilespmem:s20+$0x13600]  }
0x55d: {  	v46 =	vld [tilespmem:s20+$0x6E40]  }
0x55e: {  	v43 =	vadd.f32 v44, v43;
	v44 =	vld [tilespmem:s20+$0x13640]  }
0x55f: {  	v47 =	vld [tilespmem:s20+$0x6E10]  }
0x560: {  	v54 =	vld [tilespmem:s20+$0x13650]  }
0x561: {  	v56 =	vld [tilespmem:s20+$0x6E60];
	[tilespmem:$0x1E3FF] =	vst v43  }
0x562: {  	v43 =	vld [tilespmem:s20+$0x5E80]  }
0x563: {  	v48 =	vld [tilespmem:s20+$0x12680]  }
0x564: {  	v49 =	vld [tilespmem:s20+$0x5EC0]  }
0x565: {  	v50 =	vld [tilespmem:s20+$0x126C0]  }
0x566: {  	v51 =	vld [tilespmem:s20+$0x5E90]  }
0x567: {  	v52 =	vld [tilespmem:s20+$0x12690]  }
0x568: {  	v53 =	vld [tilespmem:s20+$0x5ED0]  }
0x569: {  	v0 =	vld [tilespmem:s20+$0x126D0]  }
0x56a: {  	v55 =	vld [tilespmem:s20+$0x5EA0]  }
0x56b: {  	v1 =	vld [tilespmem:s20+$0x126A0]  }
0x56c: {  	v57 =	vld [tilespmem:s20+$0x5EE0]  }
0x56d: {  	v2 =	vld [tilespmem:s20+$0x126E0]  }
0x56e: {  	v59 =	vld [tilespmem:s20+$0x5EB0]  }
0x56f: {  	v3 =	vld [tilespmem:s20+$0x126B0]  }
0x570: {  	v4 =	vld [tilespmem:s20+$0x5EF0]  }
0x571: {  	v63 =	vld [tilespmem:s20+$0x126F0];
	v43 =	vmul.f32 v48, v43;
	v62 =	vmul.f32 v52, v51  }
0x572: {  	v58 =	vld [tilespmem:s20+$0x13670];
	v49 =	vmul.f32 v50, v49;
	v0 =	vmul.f32 v0, v53  }
0x573: {  	v52 =	vld [tilespmem:s20+$0x13610];
	v1 =	vmul.f32 v1, v55  }
0x574: {  	v53 =	vld [tilespmem:s20+$0x6E50];
	v2 =	vmul.f32 v2, v57;
	v43 =	vadd.f32 v62, v43;
	v49 =	vadd.f32 v0, v49  }
0x575: {  	v55 =	vld [tilespmem:s20+$0x6E20];
	v3 =	vmul.f32 v3, v59  }
0x576: {  	v48 =	vld [tilespmem:s20+$0x13620];
	v51 =	vmul.f32 v63, v4;
	v43 =	vadd.f32 v1, v43;
	v49 =	vadd.f32 v2, v49  }
0x577: {  	v57 =	vld [tilespmem:s20+$0x13660]  }
0x578: {  	v50 =	vld [tilespmem:s20+$0x6E30];
	v43 =	vadd.f32 v3, v43;
	v49 =	vadd.f32 v51, v49  }
0x579: {  	v44 =	vmul.f32 v44, v46;
	v46 =	vmul.f32 v54, v53;
	v54 =	vld [tilespmem:s20+$0x75E0]  }
0x57a: {  	v51 =	vld [tilespmem:s20+$0x13630];
	v43 =	vadd.f32 v49, v43  }
0x57b: {  	v44 =	vadd.f32 v46, v44;
	v46 =	vld [tilespmem:s20+$0x13DB0]  }
0x57c: {  	v49 =	vld [tilespmem:s20+$0x6E70];
	[tilespmem:$0x1E50F] =	vst v43  }
0x57d: {  	v43 =	vld [tilespmem:s20+$0x6680]  }
0x57e: {  	v59 =	vld [tilespmem:s20+$0x12E80]  }
0x57f: {  	v60 =	vld [tilespmem:s20+$0x66C0]  }
0x580: {  	v61 =	vld [tilespmem:s20+$0x12EC0]  }
0x581: {  	v62 =	vld [tilespmem:s20+$0x6690]  }
0x582: {  	v63 =	vld [tilespmem:s20+$0x12E90]  }
0x583: {  	v1 =	vld [tilespmem:s20+$0x66D0]  }
0x584: {  	v0 =	vld [tilespmem:s20+$0x12ED0]  }
0x585: {  	v17 =	vmul.f32 v45, v17;
	v4 =	vmul.f32 v52, v47;
	v3 =	vld [tilespmem:s20+$0x66A0]  }
0x586: {  	v2 =	vld [tilespmem:s20+$0x12EA0]  }
0x587: {  	v17 =	vadd.f32 v4, v17;
	v4 =	vmul.f32 v48, v55;
	v47 =	vld [tilespmem:s20+$0x66E0]  }
0x588: {  	v56 =	vmul.f32 v57, v56;
	v52 =	vld [tilespmem:s20+$0x12EE0]  }
0x589: {  	v17 =	vadd.f32 v4, v17;
	v48 =	vld [tilespmem:s20+$0x66B0];
	v4 =	vmul.f32 v51, v50  }
0x58a: {  	v44 =	vadd.f32 v56, v44;
	v53 =	vld [tilespmem:s20+$0x12EB0];
	v49 =	vmul.f32 v58, v49  }
0x58b: {  	v57 =	vld [tilespmem:s20+$0x66F0];
	v17 =	vadd.f32 v4, v17  }
0x58c: {  	v44 =	vadd.f32 v49, v44;
	v43 =	vmul.f32 v59, v43;
	v58 =	vmul.f32 v63, v62;
	v59 =	vld [tilespmem:s20+$0x12EF0]  }
0x58d: {  	v0 =	vmul.f32 v0, v1;
	v1 =	vld [tilespmem:s20+$0x13DE0]  }
0x58e: {  	v2 =	vmul.f32 v2, v3;
	v3 =	vld [tilespmem:s20+$0x75B0];
	v17 =	vadd.f32 v44, v17;
	v43 =	vadd.f32 v58, v43  }
0x58f: {  	v60 =	vmul.f32 v61, v60;
	v61 =	vmul.f32 v52, v47;
	v47 =	vld [tilespmem:s20+$0x13DF0]  }
0x590: {  	[tilespmem:$0x1E71E] =	vst v17;
	v2 =	vadd.f32 v2, v43;
	v43 =	vld [tilespmem:s20+$0x75F0]  }
0x591: {  	v17 =	vld [tilespmem:s20+$0x7600]  }
0x592: {  	v0 =	vadd.f32 v0, v60;
	v44 =	vld [tilespmem:s20+$0x13E00]  }
0x593: {  	v45 =	vld [tilespmem:s20+$0x7640]  }
0x594: {  	v62 =	vmul.f32 v53, v48;
	v0 =	vadd.f32 v61, v0;
	v48 =	vld [tilespmem:s20+$0x7610];
	v63 =	vmul.f32 v59, v57  }
0x595: {  	v56 =	vld [tilespmem:s20+$0x13E50]  }
0x596: {  	v8 =	vmul.f32 v9, v8;
	v9 =	vld [tilespmem:s20+$0x7630];
	v2 =	vadd.f32 v62, v2;
	v0 =	vadd.f32 v63, v0  }
0x597: {  	v10 =	vmul.f32 v12, v10;
	v12 =	vld [tilespmem:s20+$0x13E70]  }
0x598: {  	v1 =	vmul.f32 v1, v54;
	v54 =	vld [tilespmem:$0x1FF20];
	v0 =	vadd.f32 v0, v2  }
0x599: {  	v3 =	vmul.f32 v46, v3;
	v46 =	vld [tilespmem:$0x1FE90]  }
0x59a: {  	v2 =	vld [tilespmem:s20+$0x13E40];
	[tilespmem:$0x1E61F] =	vst v0  }
0x59b: {  	v0 =	vld [tilespmem:s20+$0x6E80]  }
0x59c: {  	v49 =	vld [tilespmem:s20+$0x13680]  }
0x59d: {  	v50 =	vld [tilespmem:s20+$0x6EC0]  }
0x59e: {  	v51 =	vld [tilespmem:s20+$0x136C0]  }
0x59f: {  	v52 =	vld [tilespmem:s20+$0x6E90]  }
0x5a0: {  	v53 =	vld [tilespmem:s20+$0x13690]  }
0x5a1: {  	v55 =	vld [tilespmem:s20+$0x6ED0]  }
0x5a2: {  	v4 =	vld [tilespmem:s20+$0x136D0]  }
0x5a3: {  	v57 =	vld [tilespmem:s20+$0x6EA0]  }
0x5a4: {  	v58 =	vld [tilespmem:s20+$0x136A0]  }
0x5a5: {  	v59 =	vld [tilespmem:s20+$0x6EE0]  }
0x5a6: {  	v60 =	vld [tilespmem:s20+$0x136E0]  }
0x5a7: {  	v61 =	vld [tilespmem:s20+$0x6EB0]  }
0x5a8: {  	v62 =	vld [tilespmem:s20+$0x136B0]  }
0x5a9: {  	v63 =	vld [tilespmem:s20+$0x6EF0]  }
0x5aa: {  	v2 =	vmul.f32 v2, v45;
	v45 =	vld [tilespmem:$0x1FE80]  }
0x5ab: {  	v0 =	vmul.f32 v49, v0;
	v49 =	vmul.f32 v53, v52;
	v52 =	vld [tilespmem:s20+$0x136F0]  }
0x5ac: {  	v53 =	vld [tilespmem:s20+$0x13E10]  }
0x5ad: {  	v4 =	vmul.f32 v4, v55;
	v55 =	vld [tilespmem:s20+$0x7650]  }
0x5ae: {  	v50 =	vmul.f32 v51, v50;
	v51 =	vmul.f32 v60, v59;
	v60 =	vld [tilespmem:$0x1FF80]  }
0x5af: {  	v59 =	vld [tilespmem:$0x1FBC0]  }
0x5b0: {  	v0 =	vadd.f32 v49, v0;
	v49 =	vmul.f32 v58, v57;
	v57 =	vld [tilespmem:$0x1FBB0]  }
0x5b1: {  	v58 =	vld [tilespmem:s20+$0x13E20]  }
0x5b2: {  	v50 =	vadd.f32 v4, v50;
	v4 =	vld [tilespmem:$0x1FBE0]  }
0x5b3: {  	v0 =	vadd.f32 v49, v0;
	v49 =	vld [tilespmem:s20+$0x7620]  }
0x5b4: {  	v50 =	vadd.f32 v51, v50;
	v51 =	vmul.f32 v62, v61;
	v62 =	vld [tilespmem:$0x1FFA0]  }
0x5b5: {  	v61 =	vld [tilespmem:$0x1FF90]  }
0x5b6: {  	v52 =	vmul.f32 v52, v63;
	v63 =	vld [tilespmem:$0x1FFB0]  }
0x5b7: {  	v57 =	vmul.f32 v59, v57;
	v59 =	vld [tilespmem:$0x1FBD0]  }
0x5b8: {  	v6 =	vmul.f32 v7, v6;
	v0 =	vadd.f32 v51, v0;
	v51 =	vld [tilespmem:$0x1FEE0];
	v7 =	vadd.f32 v52, v50  }
0x5b9: {  	v52 =	vld [tilespmem:$0x1FF00]  }
0x5ba: {  	v50 =	vld [tilespmem:s20+$0x13E60];
	v0 =	vadd.f32 v7, v0  }
0x5bb: {  	v7 =	vld [tilespmem:s20+$0x13E30]  }
0x5bc: {  	[tilespmem:$0x1E72F] =	vst v0;
	v59 =	vmul.f32 v4, v59;
	v4 =	vld [tilespmem:$0x1FBF0]  }
0x5bd: {  	v0 =	vld [tilespmem:s20+$0x7680]  }
0x5be: {  	v18 =	vmul.f32 v18, v14;
	v14 =	vld [tilespmem:s20+$0x76C0]  }
0x5bf: {  	v25 =	vmul.f32 v25, v21;
	v21 =	vmul.f32 v20, v16;
	v16 =	vld [tilespmem:s20+$0x13EC0]  }
0x5c0: {  	v20 =	vld [tilespmem:s20+$0x13ED0];
	v6 =	vadd.f32 v6, v59  }
0x5c1: {  	v59 =	vld [tilespmem:$0x1FF70]  }
0x5c2: {  	v6 =	vadd.f32 v10, v6;
	v10 =	vmul.f32 v13, v11;
	v13 =	vmul.f32 v29, v23;
	v29 =	vld [tilespmem:$0x1FD80]  }
0x5c3: {  	v11 =	vmul.f32 v19, v15;
	v19 =	vld [tilespmem:s20+$0x7690]  }
0x5c4: {  	v23 =	vld [tilespmem:s20+$0x76D0]  }
0x5c5: {  	v4 =	vmul.f32 v5, v4;
	v5 =	vld [tilespmem:s20+$0x7660]  }
0x5c6: {  	v6 =	vadd.f32 v18, v6;
	v18 =	vmul.f32 v32, v31;
	v32 =	vld [tilespmem:$0x1FDB0]  }
0x5c7: {  	v31 =	vld [tilespmem:$0x1FDA0]  }
0x5c8: {  	v11 =	vadd.f32 v25, v11;
	v25 =	vmul.f32 v38, v37;
	v38 =	vld [tilespmem:$0x1FE10]  }
0x5c9: {  	v37 =	vld [tilespmem:$0x1FE00]  }
0x5ca: {  	v4 =	vadd.f32 v4, v57;
	v57 =	vld [tilespmem:$0x1FF50]  }
0x5cb: {  	v11 =	vadd.f32 v13, v11;
	v13 =	vmul.f32 v35, v33;
	v35 =	vld [tilespmem:$0x1FDE0]  }
0x5cc: {  	v33 =	vld [tilespmem:$0x1FDC0]  }
0x5cd: {  	v15 =	vadd.f32 v25, v24;
	v25 =	vmul.f32 v30, v28;
	v30 =	vld [tilespmem:$0x1FD90]  }
0x5ce: {  	v28 =	vld [tilespmem:$0x1FD70]  }
0x5cf: {  	v24 =	vmul.f32 v27, v26;
	v26 =	vld [tilespmem:s20+$0x13EB0]  }
0x5d0: {  	v27 =	vld [tilespmem:s20+$0x76F0]  }
0x5d1: {  	v4 =	vadd.f32 v8, v4;
	v8 =	vld [tilespmem:s20+$0x7670]  }
0x5d2: {  	v14 =	vmul.f32 v16, v14;
	v16 =	vmul.f32 v20, v23;
	v23 =	vld [tilespmem:$0x1FD20]  }
0x5d3: {  	v20 =	vld [tilespmem:$0x1FCF0]  }
0x5d4: {  	v11 =	vadd.f32 v24, v11;
	v24 =	vld [tilespmem:s20+$0x76E0]  }
0x5d5: {  	v5 =	vmul.f32 v50, v5;
	v50 =	vld [tilespmem:$0x1FED0]  }
0x5d6: {  	v4 =	vadd.f32 v10, v4;
	v10 =	vld [tilespmem:s20+$0x13E80]  }
0x5d7: {  	v14 =	vadd.f32 v16, v14;
	v16 =	vld [tilespmem:$0x1FCB0]  }
0x5d8: {  	v4 =	vadd.f32 v6, v4;
	v6 =	vadd.f32 v22, v21;
	v21 =	vld [tilespmem:s20+$0x13E90]  }
0x5d9: {  	v22 =	vmul.f32 v41, v39;
	v41 =	vld [tilespmem:$0x1FE40]  }
0x5da: {  	v39 =	vld [tilespmem:$0x1FE20]  }
0x5db: {  	v8 =	vmul.f32 v12, v8;
	v12 =	vld [tilespmem:$0x1FCC0]  }
0x5dc: {  	v6 =	vadd.f32 v18, v6;
	v18 =	vmul.f32 v42, v40;
	v42 =	vld [tilespmem:$0x1FE50]  }
0x5dd: {  	v40 =	vld [tilespmem:$0x1FE30]  }
0x5de: {  	v13 =	vadd.f32 v22, v13;
	v22 =	vld [tilespmem:s20+$0x76A0]  }
0x5df: {  	v15 =	vadd.f32 v18, v15;
	v18 =	vld [tilespmem:s20+$0x13EA0]  }
0x5e0: {  	v1 =	vadd.f32 v1, v13;
	v13 =	vmul.f32 v47, v43;
	v47 =	vld [tilespmem:$0x1FEA0]  }
0x5e1: {  	v43 =	vld [tilespmem:$0x1FE60]  }
0x5e2: {  	v6 =	vadd.f32 v25, v6;
	v25 =	vmul.f32 v56, v55;
	v56 =	vld [tilespmem:$0x1FF40]  }
0x5e3: {  	v55 =	vld [tilespmem:$0x1FF30]  }
0x5e4: {  	v0 =	vmul.f32 v10, v0;
	v10 =	vmul.f32 v21, v19;
	v21 =	vld [tilespmem:$0x1FD00]  }
0x5e5: {  	v19 =	vld [tilespmem:$0x1FCE0];
	v3 =	vadd.f32 v3, v15;
	v1 =	vadd.f32 v13, v1  }
0x5e6: {  	v15 =	vld [tilespmem:s20+$0x13EE0];
	v13 =	vmul.f32 v44, v17;
	v6 =	vadd.f32 v6, v11;
	v11 =	vmul.f32 v53, v48  }
0x5e7: {  	v17 =	vld [tilespmem:s20+$0x76B0]  }
0x5e8: {  	v11 =	vadd.f32 v11, v13;
	v13 =	vld [tilespmem:s20+$0x13EF0]  }
0x5e9: {  	v44 =	vld [tilespmem:$0x1FE70];
	v2 =	vadd.f32 v25, v2;
	v0 =	vadd.f32 v10, v0  }
0x5ea: {  	v53 =	vld [tilespmem:$0x1FF10];
	v1 =	vadd.f32 v1, v3;
	v3 =	vmul.f32 v58, v49;
	v10 =	vmul.f32 v18, v22  }
0x5eb: {  	v48 =	vld [tilespmem:$0x1FEB0];
	v2 =	vadd.f32 v5, v2;
	v15 =	vmul.f32 v15, v24  }
0x5ec: {  	v7 =	vmul.f32 v7, v9;
	v25 =	vld [tilespmem:$0x1FD40];
	v3 =	vadd.f32 v3, v11;
	v0 =	vadd.f32 v10, v0  }
0x5ed: {  	v58 =	vld [tilespmem:$0x1FF60];
	v9 =	vmul.f32 v26, v17;
	v5 =	vadd.f32 v15, v14;
	v13 =	vmul.f32 v13, v27  }
0x5ee: {  	v18 =	vld [tilespmem:$0x1FCD0];
	v2 =	vadd.f32 v8, v2;
	v3 =	vadd.f32 v7, v3  }
0x5ef: {  	[tilespmem:$0x1E7FB] =	vst v4;
	v49 =	vld [tilespmem:$0x1FEC0];
	v0 =	vadd.f32 v9, v0;
	v15 =	vadd.f32 v13, v5  }
0x5f0: {  	[tilespmem:$0x1E80C] =	vst v6;
	v22 =	vld [tilespmem:$0x1FD10];
	v2 =	vadd.f32 v2, v3  }
0x5f1: {  	[tilespmem:$0x1E81D] =	vst v1;
	v24 =	vld [tilespmem:$0x1FD30];
	v0 =	vadd.f32 v15, v0  }
0x5f2: {  	v26 =	vld [tilespmem:$0x1FD50];
	[tilespmem:$0x1E82E] =	vst v2  }
0x5f3: {  	v14 =	vld [tilespmem:$0x1FD60];
	[tilespmem:$0x1E83F] =	vst v0  }
0x5f4: {  	v0 =	vld.idx.msk [tilespmem:v16+s29+$0x0], $0xffff  }
0x5f5: {  	v1 =	vld.idx.msk [tilespmem:v12+s29+$0x0], $0xffff  }
0x5f6: {  	v2 =	vld.idx.msk [tilespmem:v18+s29+$0x0], $0xffff  }
0x5f7: {  	v19 =	vld.idx.msk [tilespmem:v19+s29+$0x0], $0xffff  }
0x5f8: {  	v20 =	vld.idx.msk [tilespmem:v20+s29+$0x0], $0xffff  }
0x5f9: {  	v17 =	vld.idx.msk [tilespmem:v21+s29+$0x0], $0xffff  }
0x5fa: {  	v6 =	vld.idx.msk [tilespmem:v22+s29+$0x0], $0xffff  }
0x5fb: {  	v7 =	vld.idx.msk [tilespmem:v23+s29+$0x0], $0xffff  }
0x5fc: {  	v8 =	vld.idx.msk [tilespmem:v24+s29+$0x0], $0xffff  }
0x5fd: {  	v9 =	vld.idx.msk [tilespmem:v25+s29+$0x0], $0xffff  }
0x5fe: {  	v11 =	vld.idx.msk [tilespmem:v29+s29+$0x0], $0xffff  }
0x5ff: {  	v3 =	vld.idx.msk [tilespmem:v30+s29+$0x0], $0xffff  }
0x600: {  	v18 =	vld.idx.msk [tilespmem:v31+s29+$0x0], $0xffff  }
0x601: {  	v21 =	vld.idx.msk [tilespmem:v34+s29+$0x0], $0xffff  }
0x602: {  	v22 =	vld.idx.msk [tilespmem:v35+s29+$0x0], $0xffff  }
0x603: {  	v23 =	vld.idx.msk [tilespmem:v36+s29+$0x0], $0xffff  }
0x604: {  	v24 =	vld.idx.msk [tilespmem:v37+s29+$0x0], $0xffff  }
0x605: {  	v25 =	vld.idx.msk [tilespmem:v38+s29+$0x0], $0xffff  }
0x606: {  	v27 =	vld.idx.msk [tilespmem:v40+s29+$0x0], $0xffff  }
0x607: {  	v29 =	vld.idx.msk [tilespmem:v42+s29+$0x0], $0xffff  }
0x608: {  	v30 =	vld.idx.msk [tilespmem:v43+s29+$0x0], $0xffff  }
0x609: {  	v31 =	vld.idx.msk [tilespmem:v44+s29+$0x0], $0xffff  }
0x60a: {  	v34 =	vld.idx.msk [tilespmem:v49+s29+$0x0], $0xffff  }
0x60b: {  	v35 =	vld.idx.msk [tilespmem:v46+s29+$0x0], $0xffff  }
0x60c: {  	v36 =	vld.idx.msk [tilespmem:v50+s29+$0x0], $0xffff  }
0x60d: {  	v37 =	vld.idx.msk [tilespmem:v47+s29+$0x0], $0xffff  }
0x60e: {  	v38 =	vld.idx.msk [tilespmem:v51+s29+$0x0], $0xffff;
	v0 =	vadd.f32 v1, v0  }
0x60f: {  	v40 =	vld [tilespmem:$0x1FEF0]  }
0x610: {  	v42 =	vld.idx.msk [tilespmem:v52+s29+$0x0], $0xffff;
	v0 =	vadd.f32 v2, v0  }
0x611: {  	v43 =	vld.idx.msk [tilespmem:v53+s29+$0x0], $0xffff  }
0x612: {  	v44 =	vld.idx.msk [tilespmem:v54+s29+$0x0], $0xffff;
	v0 =	vadd.f32 v19, v0  }
0x613: {  	v46 =	vld.idx.msk [tilespmem:v56+s29+$0x0], $0xffff  }
0x614: {  	v47 =	vld.idx.msk [tilespmem:v57+s29+$0x0], $0xffff;
	v0 =	vadd.f32 v20, v0  }
0x615: {  	v19 =	vld.idx.msk [tilespmem:v32+s29+$0x0], $0xffff  }
0x616: {  	v20 =	vld.idx.msk [tilespmem:v33+s29+$0x0], $0xffff;
	v0 =	vadd.f32 v17, v0  }
0x617: {  	v50 =	vld [tilespmem:$0x1FC00]  }
0x618: {  	v51 =	vld.idx.msk [tilespmem:v58+s29+$0x0], $0xffff;
	v0 =	vadd.f32 v6, v0  }
0x619: {  	v52 =	vld [tilespmem:$0x1FC10]  }
0x61a: {  	v53 =	vld.idx.msk [tilespmem:v59+s29+$0x0], $0xffff;
	v0 =	vadd.f32 v7, v0  }
0x61b: {  	v1 =	vld.idx.msk [tilespmem:v26+s29+$0x0], $0xffff;
	v4 =	vadd.f32 v20, v19  }
0x61c: {  	v54 =	vld [tilespmem:$0x1FC20];
	v0 =	vadd.f32 v8, v0  }
0x61d: {  	v10 =	vld.idx.msk [tilespmem:v14+s29+$0x0], $0xffff;
	v4 =	vadd.f32 v21, v4  }
0x61e: {  	v56 =	vld [tilespmem:$0x1FC30];
	v0 =	vadd.f32 v9, v0  }
0x61f: {  	v2 =	vld.idx.msk [tilespmem:v28+s29+$0x0], $0xffff;
	v4 =	vadd.f32 v22, v4  }
0x620: {  	v57 =	vld.idx.msk [tilespmem:v61+s29+$0x0], $0xffff;
	v0 =	vadd.f32 v1, v0  }
0x621: {  	v59 =	vld [tilespmem:$0x1FC40];
	v4 =	vadd.f32 v23, v4  }
0x622: {  	v26 =	vld.idx.msk [tilespmem:v39+s29+$0x0], $0xffff;
	v0 =	vadd.f32 v10, v0  }
0x623: {  	v33 =	vld.idx.msk [tilespmem:v48+s29+$0x0], $0xffff;
	v4 =	vadd.f32 v24, v4  }
0x624: {  	v28 =	vld.idx.msk [tilespmem:v41+s29+$0x0], $0xffff;
	v0 =	vadd.f32 v2, v0  }
0x625: {  	v41 =	vld.idx.msk [tilespmem:v40+s29+$0x0], $0xffff;
	v4 =	vadd.f32 v25, v4  }
0x626: {  	v5 =	vld.idx.msk [tilespmem:v54+s29+$0x0], $0xffff;
	v0 =	vadd.f32 v11, v0  }
0x627: {  	v40 =	vld [tilespmem:$0x1FC90];
	v4 =	vadd.f32 v26, v4  }
0x628: {  	v32 =	vld.idx.msk [tilespmem:v45+s29+$0x0], $0xffff;
	v39 =	vadd.f32 v34, v33;
	v0 =	vadd.f32 v3, v0  }
0x629: {  	v45 =	vld.idx.msk [tilespmem:v55+s29+$0x0], $0xffff;
	v4 =	vadd.f32 v27, v4  }
0x62a: {  	v55 =	vld.idx.msk [tilespmem:v60+s29+$0x0], $0xffff;
	v3 =	vadd.f32 v36, v39;
	v0 =	vadd.f32 v18, v0  }
0x62b: {  	v48 =	vld.idx.msk [tilespmem:v63+s29+$0x0], $0xffff;
	v4 =	vadd.f32 v28, v4  }
0x62c: {  	v58 =	vadd.s32 $0x440, v16;
	v63 =	vld.idx.msk [tilespmem:v62+s29+$0x0], $0xffff;
	v3 =	vadd.f32 v38, v3;
	v0 =	vsub.f32 $0.0e+00, v0  }
0x62d: {  	v20 =	vld [tilespmem:$0x1FC60];
	v4 =	vadd.f32 v29, v4  }
0x62e: {  	v34 =	vld [tilespmem:$0x1FFD0];
	v3 =	vadd.f32 v41, v3;
	v0 =	vmul.f32 $1.442695020e+00, v0  }
0x62f: {  	v7 =	vld.idx.msk [tilespmem:v52+s29+$0x0], $0xffff;
	v4 =	vadd.f32 v30, v4  }
0x630: {  	v49 =	vadd.f32 v42, v3;
	v3 =	vld.idx.msk [tilespmem:v50+s29+$0x0], $0xffff;
	(erf) = vpow2.f32 v0  }
0x631: {  	v60 =	vadd.s32 $0x441, v16;
	v21 =	vld.idx.msk [tilespmem:v58+s29+$0x0], $0xffff;
	v1 =	vadd.f32 v31, v4  }
0x632: {  	v18 =	vld [tilespmem:$0x1FC50];
	v0 =	vadd.f32 v43, v49  }
0x633: {  	v19 =	vadd.s32 $0x442, v16;
	v8 =	vld.idx.msk [tilespmem:v56+s29+$0x0], $0xffff;
	v1 =	vadd.f32 v32, v1  }
0x634: {  	v9 =	vld.idx.msk [tilespmem:v59+s29+$0x0], $0xffff;
	v0 =	vadd.f32 v44, v0  }
0x635: {  	v25 =	vld [tilespmem:$0x1FC70];
	v1 =	vadd.f32 v35, v1;
	v3 =	vadd.f32 v3, v48  }
0x636: {  	v24 =	vld.idx.msk [tilespmem:v60+s29+$0x0], $0xffff;
	v26 =	vadd.s32 $0x444, v16;
	v0 =	vadd.f32 v45, v0  }
0x637: {  	v28 =	vld [tilespmem:$0x1FFC0];
	v1 =	vadd.f32 v37, v1;
	v3 =	vadd.f32 v7, v3  }
0x638: {  	v27 =	vld.idx.msk [tilespmem:v19+s29+$0x0], $0xffff;
	v0 =	vadd.f32 v46, v0  }
0x639: {  	v31 =	vld [tilespmem:$0x1FC80];
	v1 =	vsub.f32 $0.0e+00, v1;
	v3 =	vadd.f32 v5, v3;
	v61 =	vpop (erf)  }
0x63a: {  	v10 =	vld.idx.msk [tilespmem:v18+s29+$0x0], $0xffff;
	v0 =	vadd.f32 v47, v0;
	v17 =	vadd.f32 $1.000000000e+00, v61  }
0x63b: {  	v33 =	vld.idx.msk [tilespmem:v26+s29+$0x0], $0xffff;
	v1 =	vmul.f32 $1.442695020e+00, v1;
	v3 =	vadd.f32 v8, v3  }
0x63c: {  	v22 =	vadd.s32 $0x443, v16;
	v8 =	vld.idx.msk [tilespmem:v20+s29+$0x0], $0xffff;
	v0 =	vadd.f32 v51, v0;
	(erf) = vrcp.f32 v17  }
0x63d: {  	v6 =	vld.idx.msk [tilespmem:v25+s29+$0x0], $0xffff;
	v23 =	vadd.f32 v9, v3;
	(erf) = vpow2.f32 v1  }
0x63e: {  	v42 =	vld [tilespmem:$0x1FCA0];
	v0 =	vadd.f32 v53, v0  }
0x63f: {  	v29 =	vld.idx.msk [tilespmem:v28+s29+$0x0], $0xffff;
	v1 =	vadd.f32 v10, v23  }
0x640: {  	v30 =	vadd.s32 $0x445, v16;
	v44 =	vld [tilespmem:$0x1FFE0];
	v0 =	vadd.f32 v55, v0  }
0x641: {  	v5 =	vld.idx.msk [tilespmem:v22+s29+$0x0], $0xffff;
	v1 =	vadd.f32 v8, v1  }
0x642: {  	v32 =	vadd.s32 $0x446, v16;
	v3 =	vadd.f32 v24, v21;
	v8 =	vld.idx.msk [tilespmem:v31+s29+$0x0], $0xffff;
	v0 =	vadd.f32 v57, v0  }
0x643: {  	v35 =	vld.idx.msk [tilespmem:v34+s29+$0x0], $0xffff;
	v1 =	vadd.f32 v6, v1  }
0x644: {  	v36 =	vadd.s32 $0x447, v16;
	v48 =	vld [tilespmem:$0x1FFF0];
	v3 =	vadd.f32 v27, v3;
	v0 =	vadd.f32 v63, v0  }
0x645: {  	v38 =	vld.idx.msk [tilespmem:v30+s29+$0x0], $0xffff;
	v1 =	vadd.f32 v29, v1;
	v37 =	vpop (erf)  }
0x646: {  	v12 =	vld.idx.msk [tilespmem:v40+s29+$0x0], $0xffff;
	v41 =	vadd.s32 $0x448, v16;
	v3 =	vadd.f32 v5, v3;
	v0 =	vsub.f32 $0.0e+00, v0;
	v39 =	vpop (erf)  }
0x647: {  	v4 =	vld.idx.msk [tilespmem:v32+s29+$0x0], $0xffff;
	v1 =	vadd.f32 v8, v1;
	v10 =	vadd.f32 $1.000000000e+00, v39  }
0x648: {  	v43 =	vadd.s32 $0x449, v16;
	v3 =	vadd.f32 v33, v3;
	v8 =	vld.idx.msk [tilespmem:v42+s29+$0x0], $0xffff;
	v0 =	vmul.f32 $1.442695020e+00, v0  }
0x649: {  	v45 =	vld.idx.msk [tilespmem:v36+s29+$0x0], $0xffff;
	v1 =	vadd.f32 v35, v1;
	(erf) = vrcp.f32 v10  }
0x64a: {  	v47 =	vadd.s32 $0x44A, v16;
	v46 =	vld.idx.msk [tilespmem:v44+s29+$0x0], $0xffff;
	v2 =	vadd.f32 v38, v3;
	(erf) = vpow2.f32 v0  }
0x64b: {  	v5 =	vld.idx.msk [tilespmem:v41+s29+$0x0], $0xffff;
	v1 =	vadd.f32 v12, v1  }
0x64c: {  	v50 =	vadd.s32 $0x44B, v16;
	v49 =	vld.idx.msk [tilespmem:v48+s29+$0x0], $0xffff;
	v2 =	vadd.f32 v4, v2  }
0x64d: {  	v6 =	vld.idx.msk [tilespmem:v43+s29+$0x0], $0xffff;
	v1 =	vadd.f32 v8, v1  }
0x64e: {  	v51 =	vadd.s32 $0x44C, v16;
	v2 =	vadd.f32 v45, v2  }
0x64f: {  	v52 =	vld.idx.msk [tilespmem:v47+s29+$0x0], $0xffff;
	v0 =	vadd.f32 v46, v1  }
0x650: {  	v53 =	vadd.s32 $0x44D, v16;
	v2 =	vadd.f32 v5, v2  }
0x651: {  	v4 =	vld.idx.msk [tilespmem:v50+s29+$0x0], $0xffff;
	v0 =	vadd.f32 v49, v0  }
0x652: {  	v55 =	vadd.s32 $0x44E, v16;
	v2 =	vadd.f32 v6, v2;
	v54 =	vpop (erf)  }
0x653: {  	v7 =	vld.idx.msk [tilespmem:v51+s29+$0x0], $0xffff;
	v0 =	vsub.f32 $0.0e+00, v0;
	v56 =	vpop (erf)  }
0x654: {  	v57 =	vadd.s32 $0x44F, v16;
	v1 =	vadd.f32 v52, v2;
	v8 =	vadd.f32 $1.000000000e+00, v56  }
0x655: {  	v3 =	vld.idx.msk [tilespmem:v53+s29+$0x0], $0xffff;
	v0 =	vmul.f32 $1.442695020e+00, v0  }
0x656: {  	v1 =	vadd.f32 v4, v1;
	(erf) = vrcp.f32 v8  }
0x657: {  	v58 =	vld.idx.msk [tilespmem:v55+s29+$0x0], $0xffff;
	(erf) = vpow2.f32 v0  }
0x658: {  	v1 =	vadd.f32 v7, v1  }
0x659: {  	v2 =	vld.idx.msk [tilespmem:v57+s29+$0x0], $0xffff  }
0x65a: {  	v1 =	vadd.f32 v3, v1;
	_ =	sdelay $0x1  }
0x65b: {  	v0 =	vadd.f32 v58, v1;
	_ =	sdelay $0x1  }
0x65c: {  	v0 =	vadd.f32 v2, v0  }
0x65d: {  	v59 =	vpop (erf)  }
0x65e: {  	v0 =	vsub.f32 $0.0e+00, v0;
	v60 =	vpop (erf)  }
0x65f: {  	v2 =	vadd.f32 $1.000000000e+00, v60  }
0x660: {  	v0 =	vmul.f32 $1.442695020e+00, v0  }
0x661: {  	(erf) = vrcp.f32 v2  }
0x662: {  	(erf) = vpow2.f32 v0;
	_ =	sdelay $0x7  }
0x663: {  	v61 =	vpop (erf)  }
0x664: {  	v62 =	vpop (erf)  }
0x665: {  	v2 =	vadd.f32 $1.000000000e+00, v62;
	_ =	sdelay $0x1  }
0x666: {  	(erf) = vrcp.f32 v2;
	_ =	sdelay $0x4  }
0x667: {  	s21 =	sshll.u32 s19, $0x7  }
0x668: {  	[tilespmem:s21+$0x1DF00] =	vst v37  }
0x669: {  	[tilespmem:s21+$0x1DF10] =	vst v54  }
0x66a: {  	[tilespmem:s21+$0x1DF20] =	vst v59  }
0x66b: {  	[tilespmem:s21+$0x1DF30] =	vst v61;
	v63 =	vpop (erf)  }
0x66c: {  	s19 =	sadd.s32 $0xB, s19;
	p0 =	sgt.u32 s16, $0x77;
	[tilespmem:s21+$0x1DF40] =	vst v63;
	s21 =	sadd.s32 $0x1DF00, s21  }
0x66d: {  	[hbm4b:s7+s3] =	stream.linear.scatter [tilespmem:s21], [sflag:s19], $0x50, $0x38;
	[tilespmem:$0x1E880] =	vst v63  }
0x66e: {  	s19 =	sadd.s32 $0x4F00, s20;
	s21 =	simm.s32 @!p0 $0x50  }
0x66f: {  	[tilespmem:s19], [sflag:s17] =	stream.indirect.gather @!p0 [hbm4b:s1+s21], $0x80, s13, s21, $0xb8;
	[tilespmem:$0x1E880] =	vst v63  }
0x670: {  	s16 =	sadd.s32 $0x1, s16;
	s17 =	sadd.s32 $0x11700, s20  }
0x671: {  	[tilespmem:s17], [sflag:s18] =	stream.indirect.gather @!p0 [hbm4b:s1+s21], $0x80, s14, s21, $0xb8;
	[tilespmem:$0x1E880] =	vst v63  }
0x672: {  	p0 =	sne.s32 s16, $0x7D  }
.Ltmp0:
0x673: {  	_ = 	snop;
	(pc) =	sbr.rel @p0 .LBB2_2-.Ltmp0, $2  }
0x674: {  	_ =	sdelay $0x2  }
0x675: {  	s7 =	sadd.s32 $0xA, s7;
	s13 =	sadd.s32 $0x50, s13;
	s14 =	sadd.s32 $0x50, s14  }
0x676: {  	_ =	swait.ge [sflag:s30], $0x50  }
0x677: {  	[sflag:s30] =	ssyncset.done $0x0  }
0x678: {  	[sflag:s30] =	ssyncadd.s32 $0xFFFFFFB0  }
0x679: {  	_ =	swait.ge [sflag:s31], $0x50  }
0x67a: {  	[sflag:s31] =	ssyncset.done $0x0  }
0x67b: {  	[sflag:s31] =	ssyncadd.s32 $0xFFFFFFB0  }
0x67c: {  	_ =	swait.ge [sflag:s2], $0x50  }
0x67d: {  	[sflag:s2] =	ssyncset.done $0x0  }
0x67e: {  	s12 =	sadd.s32 $0x1, s12;
	[sflag:s2] =	ssyncadd.s32 $0xFFFFFFB0  }
0x67f: {  	p0 =	sne.s32 s12, s6;
	_ =	swait.ge [sflag:s0], $0x50  }
.Ltmp1:
0x680: {  	[sflag:s0] =	ssyncset.done $0x0;
	(pc) =	sbr.rel @p0 .LBB2_1-.Ltmp1, $4  }
0x681: {  	[sflag:s0] =	ssyncadd.s32 $0xFFFFFFB0  }
0x682: {  	_ =	swait.ge [sflag:s11], $0x50  }
0x683: {  	[sflag:s11] =	ssyncset.done $0x0  }
0x684: {  	[sflag:s11] =	ssyncadd.s32 $0xFFFFFFB0  }
0x685: {  	_ =	sfence.sel $0x180000  }
0x686: {  	[bflag:$0x0] =	sbarrier.arrive $0xFFFF  }
0x687: {  	_ =	strace $0x90000047  }
0x688: {  	s0 =	stileid.u32;
	[bflag:$0x2] =	sbarrier.arrive $0xFFFF  }
0x689: {  	p0 =	sne.s32 s0, $0x0;
	s0 =	rddreg [dreg:$0x3]  }
0x68a: {  	s0 =	sadd.s32 @!p0 $0x100000, s0  }
0x68b: {  	[sflag:s0] =	ssyncadd.tile.s32 @!p0 $0x1;
	_ =	shalt  }
.Lfunc_end2:
_tile_overlayer_lowered:
.L_overlay_start_2:
0x68c: {  	(tag) =	ssettag $0x2  }
0x68d: {  	s0 =	rddreg [dreg:$0x0];
	s2 =	stileid.u32  }
0x68e: {  	s1 =	rddreg [dreg:$0x1];
	p0 =	sne.s32 s2, $0x0  }
0x68f: {  	s3 =	rddreg [dreg:$0x2];
	[bflag:$0x3] =	sbarrier.arrive $0xFFFF;
	s2 =	simm.s32 @!p0 $0x1C10  }
0x690: {  	[timem:s3], [sflag:s2] =	dma.local @!p0 [hbm:s0], s1  }
0x691: {  	s0 =	simm.s32 @!p0 $0x10  }
0x692: {  	_ =	swait.ge @!p0 [sflag:s0], s1  }
0x693: {  	s1 =	ssub.s32 @!p0 $0x0, s1;
	[sflag:s0] =	ssyncset.done @!p0 $0x0  }
0x694: {  	[sflag:s0] =	ssyncadd.s32 @!p0 s1  }
0x695: {  	[bflag:$0x3] =	sbarrier.arrive $0xFFFF  }
0x696: {  	_ =	shalt  }

</sc_bundles>
